<compile_context>
chip_gen: v7x
topology: tpu7x:2x2x1
jax: 0.10.2.dev20260603
libtpu: 0.0.44.dev20260713+nightly
codegen_flags: <defaults>
</compile_context>

<pallas_src>
import functools

import jax
import jax.numpy as jnp
from jax import lax
from jax.experimental import pallas as pl
from jax.experimental.pallas import tpu as pltpu
from jax.experimental.pallas import tpu_sc as plsc

_D = 64
_NC = 2
_NS = 16
_NW = _NC * _NS
_GB = 128
_GPW = 200


def _emb_body(table_hbm, idx_hbm, out_hbm,
              idx_v, g0, g1, t0, t1, gsem0, gsem1, wsem0, wsem1):
    wid = lax.axis_index("s") * _NC + lax.axis_index("c")
    base_g = wid * _GPW

    pltpu.sync_copy(idx_hbm.at[pl.ds(base_g * _GB, _GPW * _GB)], idx_v)

    gbuf = (g0, g1)
    tbuf = (t0, t1)
    gsem = (gsem0, gsem1)
    wsem = (wsem0, wsem1)
    eiota = lax.iota(jnp.int32, 16)
    ebs = [(eiota + k * 16) >> 3 for k in range(4)]
    eis = [(eiota + k * 16) & 7 for k in range(4)]

    def gather(lg, b):
        return pltpu.make_async_copy(
            table_hbm.at[idx_v.at[pl.ds(lg * _GB, _GB)]], gbuf[b], gsem[b])

    def writeback(lg, b):
        gid = base_g + lg
        s = gid // 32
        bb = gid - s * 32
        return pltpu.make_async_copy(
            tbuf[b].at[:, :, pl.ds(0, _GB)], out_hbm.at[s, :, bb], wsem[b])

    def transpose(b):
        src, dst = gbuf[b], tbuf[b]

        @plsc.parallel_loop(0, _GB, unroll=8)
        def row(j):
            jv = jnp.full((16,), 0, jnp.int32) + j
            for k in range(4):
                v = src[j, pl.ds(k * 16, 16)]
                plsc.store_scatter(dst, [ebs[k], eis[k], jv], v)

    def step(lg, b, *, first, last):
        if not first:
            writeback(lg - 2, b).wait()
        gather(lg, b).wait()
        transpose(b)
        writeback(lg, b).start()
        if not last:
            gather(lg + 2, b).start()

    gather(0, 0).start()
    gather(1, 1).start()
    step(0, 0, first=True, last=False)
    step(1, 1, first=True, last=False)

    def body(i, carry):
        lg = i * 2
        step(lg, 0, first=False, last=False)
        step(lg + 1, 1, first=False, last=False)
        return carry

    lax.fori_loop(1, _GPW // 2 - 1, body, 0)

    step(_GPW - 2, 0, first=False, last=True)
    step(_GPW - 1, 1, first=False, last=True)

    writeback(_GPW - 2, 0).wait()
    writeback(_GPW - 1, 1).wait()


def kernel(tokenized_sentence, table):
    batch, seq = tokenized_sentence.shape
    idx = tokenized_sentence.T.reshape(batch * seq).astype(jnp.int32)

    mesh = plsc.VectorSubcoreMesh(core_axis_name="c", subcore_axis_name="s")
    k = pl.kernel(
        _emb_body,
        mesh=mesh,
        out_type=jax.ShapeDtypeStruct((seq, _D // 8, batch // _GB, 8, _GB),
                                      jnp.float32),
        scratch_types=[
            pltpu.VMEM((_GPW * _GB,), jnp.int32),
            pltpu.VMEM((_GB, _D), jnp.float32),
            pltpu.VMEM((_GB, _D), jnp.float32),
            pltpu.VMEM((_D // 8, 8, _GB + 1), jnp.float32),
            pltpu.VMEM((_D // 8, 8, _GB + 1), jnp.float32),
            pltpu.SemaphoreType.DMA,
            pltpu.SemaphoreType.DMA,
            pltpu.SemaphoreType.DMA,
            pltpu.SemaphoreType.DMA,
        ],
        compiler_params=pltpu.CompilerParams(use_tc_tiling_on_sc=False,
                                             needs_layout_passes=False),
    )
    out5 = k(table, idx)
    return out5.transpose(2, 4, 0, 1, 3).reshape(batch, seq, _D)

# --- scband reference (transcript-rebuilt; emitter-appended) ---
"""Pipeline reference for scband-token-embedding-36386962931715 (READ-ONLY COPY).

The authoritative reference and input builder live on the scoring server;
editing this copy changes nothing except your own understanding.
"""

import jax, jax.numpy as jnp
import numpy as np

VOCAB = 1000000
EMBED_DIM = 64
BATCH = 4096
SEQ = 200

def setup_inputs(seed: int = 0) -> dict:
    key = jax.random.key(seed)
    k_idx, k_tab = jax.random.split(key)
    tokenized_sentence = jax.random.randint(k_idx, (BATCH, SEQ), 0, VOCAB, dtype=jnp.int64)
    table = jax.random.normal(k_tab, (VOCAB, EMBED_DIM), dtype=jnp.float32) * 0.02
    return {"tokenized_sentence": tokenized_sentence, "table": table}

def reference(tokenized_sentence, table):
    # nn.Embedding forward == row gather from the embedding table
    return jnp.take(table, tokenized_sentence, axis=0)

if __name__ == "__main__":
    import jax
    _d = setup_inputs()
    print(jax.jit(kernel)(*tuple(_d.values())))

</pallas_src>

<mosaic_0001>
#map = affine_map<(d0, d1) -> (0, 0)>
#map1 = affine_map<(d0, d1) -> (0)>
#map2 = affine_map<(d0, d1) -> (0, 0, 0, 0, 0)>
module attributes {stable_mosaic.version = 14 : i64} {
  func.func @_emb_body(%arg0: i32, %arg1: i32, %arg2: memref<1000000x64xf32, #tpu.memory_space<hbm>>, %arg3: memref<819200xi32, #tpu.memory_space<hbm>>, %arg4: memref<200x8x32x8x128xf32, #tpu.memory_space<hbm>>, %arg5: memref<25600xi32, #tpu.memory_space<vmem>>, %arg6: memref<128x64xf32, #tpu.memory_space<vmem>>, %arg7: memref<128x64xf32, #tpu.memory_space<vmem>>, %arg8: memref<8x8x129xf32, #tpu.memory_space<vmem>>, %arg9: memref<8x8x129xf32, #tpu.memory_space<vmem>>, %arg10: memref<!tpu.dma_semaphore, #tpu.memory_space<semaphore_mem>>, %arg11: memref<!tpu.dma_semaphore, #tpu.memory_space<semaphore_mem>>, %arg12: memref<!tpu.dma_semaphore, #tpu.memory_space<semaphore_mem>>, %arg13: memref<!tpu.dma_semaphore, #tpu.memory_space<semaphore_mem>>) attributes {dimension_semantics = [#tpu.dimension_semantics<core_parallel>, #tpu.dimension_semantics<subcore_parallel>], iteration_bounds = array<i64: 2, 16>, scalar_prefetch = 0 : i64, scratch_operands = 9 : i64, tpu.core_type = #tpu.core_type<sc_vector_subcore>, window_params = [{transform_indices = #map}, {transform_indices = #map1}, {transform_indices = #map2}]} {
    %mul3A = arith.constant 2 : i32
    %mul3A_0 = arith.muli %arg1, %mul3A : i32
    %add3A = arith.addi %mul3A_0, %arg0 : i32
    %mul3A_1 = arith.constant 200 : i32
    %mul3A_2 = arith.muli %add3A, %mul3A_1 : i32
    %mul3A_3 = arith.constant 128 : i32
    %mul3A_4 = arith.muli %mul3A_2, %mul3A_3 : i32
    "tpu.region"() ({
      %run_scoped3A = tpu.sem_alloc : memref<!tpu.dma_semaphore, #tpu.memory_space<semaphore_mem>>
      %dma_start3A_474 = tpu.memref_slice %arg3[%mul3A_4] : memref<819200xi32, #tpu.memory_space<hbm>> -> memref<25600xi32, #tpu.memory_space<hbm>>
      %dma_start3A_475 = tpu.memref_slice %arg3[%mul3A_4] : memref<819200xi32, #tpu.memory_space<hbm>> -> memref<25600xi32, #tpu.memory_space<hbm>>
      tpu.enqueue_dma source(%dma_start3A_475 : memref<25600xi32, #tpu.memory_space<hbm>>) target(%arg5 : memref<25600xi32, #tpu.memory_space<vmem>>) target_semaphore(%run_scoped3A : memref<!tpu.dma_semaphore, #tpu.memory_space<semaphore_mem>>)
      %dma_wait3A_476 = tpu.memref_slice %arg3[%mul3A_4] : memref<819200xi32, #tpu.memory_space<hbm>> -> memref<25600xi32, #tpu.memory_space<hbm>>
      %dma_wait3A_477 = tpu.memref_slice %arg3[%mul3A_4] : memref<819200xi32, #tpu.memory_space<hbm>> -> memref<25600xi32, #tpu.memory_space<hbm>>
      tpu.wait_dma2 semaphore(%run_scoped3A : memref<!tpu.dma_semaphore, #tpu.memory_space<semaphore_mem>>) src(%dma_wait3A_477 : memref<25600xi32, #tpu.memory_space<hbm>>) dst(%arg5 : memref<25600xi32, #tpu.memory_space<vmem>>)
      tpu.yield
    }) : () -> ()
    %iota3A = tpu.iota {dimensions = array<i32: 0>} : vector<16xi32>
    %add3A_5 = arith.constant 0 : i32
    %add3A_6 = vector.broadcast %add3A_5 : i32 to vector<16xi32>
    %add3A_7 = arith.addi %iota3A, %add3A_6 : vector<16xi32>
    %shift_right_arithmetic3A = arith.constant 3 : i32
    %shift_right_arithmetic3A_8 = vector.broadcast %shift_right_arithmetic3A : i32 to vector<16xi32>
    %shift_right_arithmetic3A_9 = arith.shrsi %add3A_7, %shift_right_arithmetic3A_8 : vector<16xi32>
    %add3A_10 = arith.constant 16 : i32
    %add3A_11 = vector.broadcast %add3A_10 : i32 to vector<16xi32>
    %add3A_12 = arith.addi %iota3A, %add3A_11 : vector<16xi32>
    %shift_right_arithmetic3A_13 = arith.constant 3 : i32
    %shift_right_arithmetic3A_14 = vector.broadcast %shift_right_arithmetic3A_13 : i32 to vector<16xi32>
    %shift_right_arithmetic3A_15 = arith.shrsi %add3A_12, %shift_right_arithmetic3A_14 : vector<16xi32>
    %add3A_16 = arith.constant 32 : i32
    %add3A_17 = vector.broadcast %add3A_16 : i32 to vector<16xi32>
    %add3A_18 = arith.addi %iota3A, %add3A_17 : vector<16xi32>
    %shift_right_arithmetic3A_19 = arith.constant 3 : i32
    %shift_right_arithmetic3A_20 = vector.broadcast %shift_right_arithmetic3A_19 : i32 to vector<16xi32>
    %shift_right_arithmetic3A_21 = arith.shrsi %add3A_18, %shift_right_arithmetic3A_20 : vector<16xi32>
    %add3A_22 = arith.constant 48 : i32
    %add3A_23 = vector.broadcast %add3A_22 : i32 to vector<16xi32>
    %add3A_24 = arith.addi %iota3A, %add3A_23 : vector<16xi32>
    %shift_right_arithmetic3A_25 = arith.constant 3 : i32
    %shift_right_arithmetic3A_26 = vector.broadcast %shift_right_arithmetic3A_25 : i32 to vector<16xi32>
    %shift_right_arithmetic3A_27 = arith.shrsi %add3A_24, %shift_right_arithmetic3A_26 : vector<16xi32>
    %add3A_28 = arith.constant 0 : i32
    %add3A_29 = vector.broadcast %add3A_28 : i32 to vector<16xi32>
    %add3A_30 = arith.addi %iota3A, %add3A_29 : vector<16xi32>
    %and3A = arith.constant 7 : i32
    %and3A_31 = vector.broadcast %and3A : i32 to vector<16xi32>
    %and3A_32 = arith.andi %add3A_30, %and3A_31 : vector<16xi32>
    %add3A_33 = arith.constant 16 : i32
    %add3A_34 = vector.broadcast %add3A_33 : i32 to vector<16xi32>
    %add3A_35 = arith.addi %iota3A, %add3A_34 : vector<16xi32>
    %and3A_36 = arith.constant 7 : i32
    %and3A_37 = vector.broadcast %and3A_36 : i32 to vector<16xi32>
    %and3A_38 = arith.andi %add3A_35, %and3A_37 : vector<16xi32>
    %add3A_39 = arith.constant 32 : i32
    %add3A_40 = vector.broadcast %add3A_39 : i32 to vector<16xi32>
    %add3A_41 = arith.addi %iota3A, %add3A_40 : vector<16xi32>
    %and3A_42 = arith.constant 7 : i32
    %and3A_43 = vector.broadcast %and3A_42 : i32 to vector<16xi32>
    %and3A_44 = arith.andi %add3A_41, %and3A_43 : vector<16xi32>
    %add3A_45 = arith.constant 48 : i32
    %add3A_46 = vector.broadcast %add3A_45 : i32 to vector<16xi32>
    %add3A_47 = arith.addi %iota3A, %add3A_46 : vector<16xi32>
    %and3A_48 = arith.constant 7 : i32
    %and3A_49 = vector.broadcast %and3A_48 : i32 to vector<16xi32>
    %and3A_50 = arith.andi %add3A_47, %and3A_49 : vector<16xi32>
    %dma_start3A = arith.constant 0 : i32
    %dma_start3A_51 = tpu.memref_slice %arg5[%dma_start3A] : memref<25600xi32, #tpu.memory_space<vmem>> -> memref<128xi32, #tpu.memory_space<vmem>>
    %dma_start3A_52 = arith.constant 0 : i32
    %dma_start3A_53 = arith.constant 0 : i32
    %dma_start3A_54 = tpu.memref_slice %arg2[%dma_start3A_52, %dma_start3A_53] : memref<1000000x64xf32, #tpu.memory_space<hbm>> -> memref<1000000x64xf32, #tpu.memory_space<hbm>>
    tpu.enqueue_indirect_dma source(%dma_start3A_54 : memref<1000000x64xf32, #tpu.memory_space<hbm>>) target(%arg6 : memref<128x64xf32, #tpu.memory_space<vmem>>) offsets(%dma_start3A_51 : memref<128xi32, #tpu.memory_space<vmem>>) semaphore(%arg10 : memref<!tpu.dma_semaphore, #tpu.memory_space<semaphore_mem>>)
    %dma_start3A_55 = arith.constant 128 : i32
    %dma_start3A_56 = tpu.memref_slice %arg5[%dma_start3A_55] : memref<25600xi32, #tpu.memory_space<vmem>> -> memref<128xi32, #tpu.memory_space<vmem>>
    %dma_start3A_57 = arith.constant 0 : i32
    %dma_start3A_58 = arith.constant 0 : i32
    %dma_start3A_59 = tpu.memref_slice %arg2[%dma_start3A_57, %dma_start3A_58] : memref<1000000x64xf32, #tpu.memory_space<hbm>> -> memref<1000000x64xf32, #tpu.memory_space<hbm>>
    tpu.enqueue_indirect_dma source(%dma_start3A_59 : memref<1000000x64xf32, #tpu.memory_space<hbm>>) target(%arg7 : memref<128x64xf32, #tpu.memory_space<vmem>>) offsets(%dma_start3A_56 : memref<128xi32, #tpu.memory_space<vmem>>) semaphore(%arg11 : memref<!tpu.dma_semaphore, #tpu.memory_space<semaphore_mem>>)
    %dma_wait3A = arith.constant 0 : i32
    %dma_wait3A_60 = tpu.memref_slice %arg5[%dma_wait3A] : memref<25600xi32, #tpu.memory_space<vmem>> -> memref<128xi32, #tpu.memory_space<vmem>>
    %dma_wait3A_61 = arith.constant 0 : i32
    %dma_wait3A_62 = arith.constant 0 : i32
    %dma_wait3A_63 = tpu.memref_slice %arg2[%dma_wait3A_61, %dma_wait3A_62] : memref<1000000x64xf32, #tpu.memory_space<hbm>> -> memref<1000000x64xf32, #tpu.memory_space<hbm>>
    tpu.wait_indirect_dma semaphore(%arg10 : memref<!tpu.dma_semaphore, #tpu.memory_space<semaphore_mem>>) src(%dma_wait3A_63 : memref<1000000x64xf32, #tpu.memory_space<hbm>>) dst(%arg6 : memref<128x64xf32, #tpu.memory_space<vmem>>)
    %parallel_loop3A = arith.constant 0 : i32
    %parallel_loop3A_64 = arith.constant 128 : i32
    %parallel_loop3A_65 = arith.constant 1 : i32
    scf.for %parallel_loop3A_474 = %parallel_loop3A to %parallel_loop3A_64 step %parallel_loop3A_65  : i32 {
      %parallel_loop3A_475 = arith.constant 0 : i32
      %parallel_loop3A_476 = vector.broadcast %parallel_loop3A_475 : i32 to vector<16xi32>
      %parallel_loop3A_477 = vector.broadcast %parallel_loop3A_474 : i32 to vector<16xi32>
      %parallel_loop3A_478 = arith.addi %parallel_loop3A_476, %parallel_loop3A_477 : vector<16xi32>
      %parallel_loop3A_479 = arith.index_cast %parallel_loop3A_474 : i32 to index
      %parallel_loop3A_480 = arith.constant 0 : index
      %parallel_loop3A_481 = tpu.vector_load %arg6[%parallel_loop3A_479, %parallel_loop3A_480] {strides = array<i32>} : memref<128x64xf32, #tpu.memory_space<vmem>>, vector<16xf32>,
      tpu.vector_store_idx %arg8[%shift_right_arithmetic3A_9, %and3A_32, %parallel_loop3A_478], %parallel_loop3A_481 : memref<8x8x129xf32, #tpu.memory_space<vmem>>[vector<16xi32>, vector<16xi32>, vector<16xi32>], vector<16xf32>,
      %parallel_loop3A_482 = arith.index_cast %parallel_loop3A_474 : i32 to index
      %parallel_loop3A_483 = arith.constant 16 : index
      %parallel_loop3A_484 = tpu.vector_load %arg6[%parallel_loop3A_482, %parallel_loop3A_483] {strides = array<i32>} : memref<128x64xf32, #tpu.memory_space<vmem>>, vector<16xf32>,
      tpu.vector_store_idx %arg8[%shift_right_arithmetic3A_15, %and3A_38, %parallel_loop3A_478], %parallel_loop3A_484 : memref<8x8x129xf32, #tpu.memory_space<vmem>>[vector<16xi32>, vector<16xi32>, vector<16xi32>], vector<16xf32>,
      %parallel_loop3A_485 = arith.index_cast %parallel_loop3A_474 : i32 to index
      %parallel_loop3A_486 = arith.constant 32 : index
      %parallel_loop3A_487 = tpu.vector_load %arg6[%parallel_loop3A_485, %parallel_loop3A_486] {strides = array<i32>} : memref<128x64xf32, #tpu.memory_space<vmem>>, vector<16xf32>,
      tpu.vector_store_idx %arg8[%shift_right_arithmetic3A_21, %and3A_44, %parallel_loop3A_478], %parallel_loop3A_487 : memref<8x8x129xf32, #tpu.memory_space<vmem>>[vector<16xi32>, vector<16xi32>, vector<16xi32>], vector<16xf32>,
      %parallel_loop3A_488 = arith.index_cast %parallel_loop3A_474 : i32 to index
      %parallel_loop3A_489 = arith.constant 48 : index
      %parallel_loop3A_490 = tpu.vector_load %arg6[%parallel_loop3A_488, %parallel_loop3A_489] {strides = array<i32>} : memref<128x64xf32, #tpu.memory_space<vmem>>, vector<16xf32>,
      tpu.vector_store_idx %arg8[%shift_right_arithmetic3A_27, %and3A_50, %parallel_loop3A_478], %parallel_loop3A_490 : memref<8x8x129xf32, #tpu.memory_space<vmem>>[vector<16xi32>, vector<16xi32>, vector<16xi32>], vector<16xf32>,
    } {sc.loop_unroll_factor = 8 : i64, sc.parallel_access}
    %add3A_66 = arith.constant 0 : i32
    %add3A_67 = arith.addi %mul3A_2, %add3A_66 : i32
    %jit3A = arith.constant 32 : i32
    %div3A = arith.divsi %add3A_67, %jit3A : i32
    %sign3A = arith.constant 0 : i32
    %sign3A_68 = arith.cmpi sgt, %add3A_67, %sign3A : i32
    %sign3A_69 = arith.extui %sign3A_68 : i1 to i32
    %sign3A_70 = arith.constant 0 : i32
    %sign3A_71 = arith.cmpi slt, %add3A_67, %sign3A_70 : i32
    %sign3A_72 = arith.extui %sign3A_71 : i1 to i32
    %sign3A_73 = arith.subi %sign3A_69, %sign3A_72 : i32
    %sign3A_74 = arith.constant 0 : i32
    %sign3A_75 = arith.cmpi sgt, %jit3A, %sign3A_74 : i32
    %sign3A_76 = arith.extui %sign3A_75 : i1 to i32
    %sign3A_77 = arith.constant 0 : i32
    %sign3A_78 = arith.cmpi slt, %jit3A, %sign3A_77 : i32
    %sign3A_79 = arith.extui %sign3A_78 : i1 to i32
    %sign3A_80 = arith.subi %sign3A_76, %sign3A_79 : i32
    %ne3A = arith.cmpi ne, %sign3A_73, %sign3A_80 : i32
    %rem3A = arith.remsi %add3A_67, %jit3A : i32
    %ne3A_81 = arith.constant 0 : i32
    %ne3A_82 = arith.cmpi ne, %rem3A, %ne3A_81 : i32
    %and3A_83 = arith.andi %ne3A, %ne3A_82 : i1
    %sub3A = arith.constant 1 : i32
    %sub3A_84 = arith.subi %div3A, %sub3A : i32
    %select_n3A = arith.select %and3A_83, %sub3A_84, %div3A : i32
    %mul3A_85 = arith.constant 32 : i32
    %mul3A_86 = arith.muli %select_n3A, %mul3A_85 : i32
    %sub3A_87 = arith.subi %add3A_67, %mul3A_86 : i32
    %dma_start3A_88 = arith.constant 0 : i32
    %dma_start3A_89 = arith.constant 0 : i32
    %dma_start3A_90 = arith.constant 0 : i32
    %dma_start3A_91 = tpu.memref_slice %arg8[%dma_start3A_88, %dma_start3A_89, %dma_start3A_90] : memref<8x8x129xf32, #tpu.memory_space<vmem>> -> memref<8x8x128xf32, #tpu.memory_space<vmem>>
    %dma_start3A_92 = arith.constant 0 : i32
    %dma_start3A_93 = arith.constant 0 : i32
    %dma_start3A_94 = arith.constant 0 : i32
    %dma_start3A_95 = tpu.memref_slice %arg4[%select_n3A, %dma_start3A_92, %sub3A_87, %dma_start3A_93, %dma_start3A_94] : memref<200x8x32x8x128xf32, #tpu.memory_space<hbm>> -> memref<1x8x1x8x128xf32, #tpu.memory_space<hbm>>
    %dma_start3A_96 = tpu.memref_squeeze %dma_start3A_95 : memref<1x8x1x8x128xf32, #tpu.memory_space<hbm>> -> memref<8x8x128xf32, #tpu.memory_space<hbm>>
    %dma_start3A_97 = arith.constant 0 : i32
    %dma_start3A_98 = arith.constant 0 : i32
    %dma_start3A_99 = arith.constant 0 : i32
    %dma_start3A_100 = tpu.memref_slice %arg4[%select_n3A, %dma_start3A_97, %sub3A_87, %dma_start3A_98, %dma_start3A_99] : memref<200x8x32x8x128xf32, #tpu.memory_space<hbm>> -> memref<1x8x1x8x128xf32, #tpu.memory_space<hbm>>
    %dma_start3A_101 = tpu.memref_squeeze %dma_start3A_100 : memref<1x8x1x8x128xf32, #tpu.memory_space<hbm>> -> memref<8x8x128xf32, #tpu.memory_space<hbm>>
    %dma_start3A_102 = arith.constant 0 : i32
    %dma_start3A_103 = arith.constant 0 : i32
    %dma_start3A_104 = arith.constant 0 : i32
    %dma_start3A_105 = tpu.memref_slice %arg8[%dma_start3A_102, %dma_start3A_103, %dma_start3A_104] : memref<8x8x129xf32, #tpu.memory_space<vmem>> -> memref<8x8x128xf32, #tpu.memory_space<vmem>>
    tpu.enqueue_dma source(%dma_start3A_105 : memref<8x8x128xf32, #tpu.memory_space<vmem>>) target(%dma_start3A_101 : memref<8x8x128xf32, #tpu.memory_space<hbm>>) target_semaphore(%arg12 : memref<!tpu.dma_semaphore, #tpu.memory_space<semaphore_mem>>)
    %dma_start3A_106 = arith.constant 256 : i32
    %dma_start3A_107 = tpu.memref_slice %arg5[%dma_start3A_106] : memref<25600xi32, #tpu.memory_space<vmem>> -> memref<128xi32, #tpu.memory_space<vmem>>
    %dma_start3A_108 = arith.constant 0 : i32
    %dma_start3A_109 = arith.constant 0 : i32
    %dma_start3A_110 = tpu.memref_slice %arg2[%dma_start3A_108, %dma_start3A_109] : memref<1000000x64xf32, #tpu.memory_space<hbm>> -> memref<1000000x64xf32, #tpu.memory_space<hbm>>
    tpu.enqueue_indirect_dma source(%dma_start3A_110 : memref<1000000x64xf32, #tpu.memory_space<hbm>>) target(%arg6 : memref<128x64xf32, #tpu.memory_space<vmem>>) offsets(%dma_start3A_107 : memref<128xi32, #tpu.memory_space<vmem>>) semaphore(%arg10 : memref<!tpu.dma_semaphore, #tpu.memory_space<semaphore_mem>>)
    %dma_wait3A_111 = arith.constant 128 : i32
    %dma_wait3A_112 = tpu.memref_slice %arg5[%dma_wait3A_111] : memref<25600xi32, #tpu.memory_space<vmem>> -> memref<128xi32, #tpu.memory_space<vmem>>
    %dma_wait3A_113 = arith.constant 0 : i32
    %dma_wait3A_114 = arith.constant 0 : i32
    %dma_wait3A_115 = tpu.memref_slice %arg2[%dma_wait3A_113, %dma_wait3A_114] : memref<1000000x64xf32, #tpu.memory_space<hbm>> -> memref<1000000x64xf32, #tpu.memory_space<hbm>>
    tpu.wait_indirect_dma semaphore(%arg11 : memref<!tpu.dma_semaphore, #tpu.memory_space<semaphore_mem>>) src(%dma_wait3A_115 : memref<1000000x64xf32, #tpu.memory_space<hbm>>) dst(%arg7 : memref<128x64xf32, #tpu.memory_space<vmem>>)
    %parallel_loop3A_116 = arith.constant 0 : i32
    %parallel_loop3A_117 = arith.constant 128 : i32
    %parallel_loop3A_118 = arith.constant 1 : i32
    scf.for %parallel_loop3A_474 = %parallel_loop3A_116 to %parallel_loop3A_117 step %parallel_loop3A_118  : i32 {
      %parallel_loop3A_475 = arith.constant 0 : i32
      %parallel_loop3A_476 = vector.broadcast %parallel_loop3A_475 : i32 to vector<16xi32>
      %parallel_loop3A_477 = vector.broadcast %parallel_loop3A_474 : i32 to vector<16xi32>
      %parallel_loop3A_478 = arith.addi %parallel_loop3A_476, %parallel_loop3A_477 : vector<16xi32>
      %parallel_loop3A_479 = arith.index_cast %parallel_loop3A_474 : i32 to index
      %parallel_loop3A_480 = arith.constant 0 : index
      %parallel_loop3A_481 = tpu.vector_load %arg7[%parallel_loop3A_479, %parallel_loop3A_480] {strides = array<i32>} : memref<128x64xf32, #tpu.memory_space<vmem>>, vector<16xf32>,
      tpu.vector_store_idx %arg9[%shift_right_arithmetic3A_9, %and3A_32, %parallel_loop3A_478], %parallel_loop3A_481 : memref<8x8x129xf32, #tpu.memory_space<vmem>>[vector<16xi32>, vector<16xi32>, vector<16xi32>], vector<16xf32>,
      %parallel_loop3A_482 = arith.index_cast %parallel_loop3A_474 : i32 to index
      %parallel_loop3A_483 = arith.constant 16 : index
      %parallel_loop3A_484 = tpu.vector_load %arg7[%parallel_loop3A_482, %parallel_loop3A_483] {strides = array<i32>} : memref<128x64xf32, #tpu.memory_space<vmem>>, vector<16xf32>,
      tpu.vector_store_idx %arg9[%shift_right_arithmetic3A_15, %and3A_38, %parallel_loop3A_478], %parallel_loop3A_484 : memref<8x8x129xf32, #tpu.memory_space<vmem>>[vector<16xi32>, vector<16xi32>, vector<16xi32>], vector<16xf32>,
      %parallel_loop3A_485 = arith.index_cast %parallel_loop3A_474 : i32 to index
      %parallel_loop3A_486 = arith.constant 32 : index
      %parallel_loop3A_487 = tpu.vector_load %arg7[%parallel_loop3A_485, %parallel_loop3A_486] {strides = array<i32>} : memref<128x64xf32, #tpu.memory_space<vmem>>, vector<16xf32>,
      tpu.vector_store_idx %arg9[%shift_right_arithmetic3A_21, %and3A_44, %parallel_loop3A_478], %parallel_loop3A_487 : memref<8x8x129xf32, #tpu.memory_space<vmem>>[vector<16xi32>, vector<16xi32>, vector<16xi32>], vector<16xf32>,
      %parallel_loop3A_488 = arith.index_cast %parallel_loop3A_474 : i32 to index
      %parallel_loop3A_489 = arith.constant 48 : index
      %parallel_loop3A_490 = tpu.vector_load %arg7[%parallel_loop3A_488, %parallel_loop3A_489] {strides = array<i32>} : memref<128x64xf32, #tpu.memory_space<vmem>>, vector<16xf32>,
      tpu.vector_store_idx %arg9[%shift_right_arithmetic3A_27, %and3A_50, %parallel_loop3A_478], %parallel_loop3A_490 : memref<8x8x129xf32, #tpu.memory_space<vmem>>[vector<16xi32>, vector<16xi32>, vector<16xi32>], vector<16xf32>,
    } {sc.loop_unroll_factor = 8 : i64, sc.parallel_access}
    %add3A_119 = arith.constant 1 : i32
    %add3A_120 = arith.addi %mul3A_2, %add3A_119 : i32
    %jit3A_121 = arith.constant 32 : i32
    %div3A_122 = arith.divsi %add3A_120, %jit3A_121 : i32
    %sign3A_123 = arith.constant 0 : i32
    %sign3A_124 = arith.cmpi sgt, %add3A_120, %sign3A_123 : i32
    %sign3A_125 = arith.extui %sign3A_124 : i1 to i32
    %sign3A_126 = arith.constant 0 : i32
    %sign3A_127 = arith.cmpi slt, %add3A_120, %sign3A_126 : i32
    %sign3A_128 = arith.extui %sign3A_127 : i1 to i32
    %sign3A_129 = arith.subi %sign3A_125, %sign3A_128 : i32
    %sign3A_130 = arith.constant 0 : i32
    %sign3A_131 = arith.cmpi sgt, %jit3A_121, %sign3A_130 : i32
    %sign3A_132 = arith.extui %sign3A_131 : i1 to i32
    %sign3A_133 = arith.constant 0 : i32
    %sign3A_134 = arith.cmpi slt, %jit3A_121, %sign3A_133 : i32
    %sign3A_135 = arith.extui %sign3A_134 : i1 to i32
    %sign3A_136 = arith.subi %sign3A_132, %sign3A_135 : i32
    %ne3A_137 = arith.cmpi ne, %sign3A_129, %sign3A_136 : i32
    %rem3A_138 = arith.remsi %add3A_120, %jit3A_121 : i32
    %ne3A_139 = arith.constant 0 : i32
    %ne3A_140 = arith.cmpi ne, %rem3A_138, %ne3A_139 : i32
    %and3A_141 = arith.andi %ne3A_137, %ne3A_140 : i1
    %sub3A_142 = arith.constant 1 : i32
    %sub3A_143 = arith.subi %div3A_122, %sub3A_142 : i32
    %select_n3A_144 = arith.select %and3A_141, %sub3A_143, %div3A_122 : i32
    %mul3A_145 = arith.constant 32 : i32
    %mul3A_146 = arith.muli %select_n3A_144, %mul3A_145 : i32
    %sub3A_147 = arith.subi %add3A_120, %mul3A_146 : i32
    %dma_start3A_148 = arith.constant 0 : i32
    %dma_start3A_149 = arith.constant 0 : i32
    %dma_start3A_150 = arith.constant 0 : i32
    %dma_start3A_151 = tpu.memref_slice %arg9[%dma_start3A_148, %dma_start3A_149, %dma_start3A_150] : memref<8x8x129xf32, #tpu.memory_space<vmem>> -> memref<8x8x128xf32, #tpu.memory_space<vmem>>
    %dma_start3A_152 = arith.constant 0 : i32
    %dma_start3A_153 = arith.constant 0 : i32
    %dma_start3A_154 = arith.constant 0 : i32
    %dma_start3A_155 = tpu.memref_slice %arg4[%select_n3A_144, %dma_start3A_152, %sub3A_147, %dma_start3A_153, %dma_start3A_154] : memref<200x8x32x8x128xf32, #tpu.memory_space<hbm>> -> memref<1x8x1x8x128xf32, #tpu.memory_space<hbm>>
    %dma_start3A_156 = tpu.memref_squeeze %dma_start3A_155 : memref<1x8x1x8x128xf32, #tpu.memory_space<hbm>> -> memref<8x8x128xf32, #tpu.memory_space<hbm>>
    %dma_start3A_157 = arith.constant 0 : i32
    %dma_start3A_158 = arith.constant 0 : i32
    %dma_start3A_159 = arith.constant 0 : i32
    %dma_start3A_160 = tpu.memref_slice %arg4[%select_n3A_144, %dma_start3A_157, %sub3A_147, %dma_start3A_158, %dma_start3A_159] : memref<200x8x32x8x128xf32, #tpu.memory_space<hbm>> -> memref<1x8x1x8x128xf32, #tpu.memory_space<hbm>>
    %dma_start3A_161 = tpu.memref_squeeze %dma_start3A_160 : memref<1x8x1x8x128xf32, #tpu.memory_space<hbm>> -> memref<8x8x128xf32, #tpu.memory_space<hbm>>
    %dma_start3A_162 = arith.constant 0 : i32
    %dma_start3A_163 = arith.constant 0 : i32
    %dma_start3A_164 = arith.constant 0 : i32
    %dma_start3A_165 = tpu.memref_slice %arg9[%dma_start3A_162, %dma_start3A_163, %dma_start3A_164] : memref<8x8x129xf32, #tpu.memory_space<vmem>> -> memref<8x8x128xf32, #tpu.memory_space<vmem>>
    tpu.enqueue_dma source(%dma_start3A_165 : memref<8x8x128xf32, #tpu.memory_space<vmem>>) target(%dma_start3A_161 : memref<8x8x128xf32, #tpu.memory_space<hbm>>) target_semaphore(%arg13 : memref<!tpu.dma_semaphore, #tpu.memory_space<semaphore_mem>>)
    %dma_start3A_166 = arith.constant 384 : i32
    %dma_start3A_167 = tpu.memref_slice %arg5[%dma_start3A_166] : memref<25600xi32, #tpu.memory_space<vmem>> -> memref<128xi32, #tpu.memory_space<vmem>>
    %dma_start3A_168 = arith.constant 0 : i32
    %dma_start3A_169 = arith.constant 0 : i32
    %dma_start3A_170 = tpu.memref_slice %arg2[%dma_start3A_168, %dma_start3A_169] : memref<1000000x64xf32, #tpu.memory_space<hbm>> -> memref<1000000x64xf32, #tpu.memory_space<hbm>>
    tpu.enqueue_indirect_dma source(%dma_start3A_170 : memref<1000000x64xf32, #tpu.memory_space<hbm>>) target(%arg7 : memref<128x64xf32, #tpu.memory_space<vmem>>) offsets(%dma_start3A_167 : memref<128xi32, #tpu.memory_space<vmem>>) semaphore(%arg11 : memref<!tpu.dma_semaphore, #tpu.memory_space<semaphore_mem>>)
    %scan3A = arith.constant 0 : i32
    %scan3A_171 = arith.constant 1 : i32
    %scan3A_172 = arith.constant 98 : i32
    %scan3A_173 = arith.addi %scan3A_171, %scan3A_172 : i32
    %scan3A_174 = arith.constant 1 : i32
    scf.for %scan3A_474 = %scan3A_171 to %scan3A_173 step %scan3A_174  : i32 {
      %mul3A_475 = arith.constant 2 : i32
      %mul3A_476 = arith.muli %scan3A_474, %mul3A_475 : i32
      %sub3A_477 = arith.constant 2 : i32
      %sub3A_478 = arith.subi %mul3A_476, %sub3A_477 : i32
      %add3A_479 = arith.addi %mul3A_2, %sub3A_478 : i32
      %jit3A_480 = arith.constant 32 : i32
      %div3A_481 = arith.divsi %add3A_479, %jit3A_480 : i32
      %sign3A_482 = arith.constant 0 : i32
      %sign3A_483 = arith.cmpi sgt, %add3A_479, %sign3A_482 : i32
      %sign3A_484 = arith.extui %sign3A_483 : i1 to i32
      %sign3A_485 = arith.constant 0 : i32
      %sign3A_486 = arith.cmpi slt, %add3A_479, %sign3A_485 : i32
      %sign3A_487 = arith.extui %sign3A_486 : i1 to i32
      %sign3A_488 = arith.subi %sign3A_484, %sign3A_487 : i32
      %sign3A_489 = arith.constant 0 : i32
      %sign3A_490 = arith.cmpi sgt, %jit3A_480, %sign3A_489 : i32
      %sign3A_491 = arith.extui %sign3A_490 : i1 to i32
      %sign3A_492 = arith.constant 0 : i32
      %sign3A_493 = arith.cmpi slt, %jit3A_480, %sign3A_492 : i32
      %sign3A_494 = arith.extui %sign3A_493 : i1 to i32
      %sign3A_495 = arith.subi %sign3A_491, %sign3A_494 : i32
      %ne3A_496 = arith.cmpi ne, %sign3A_488, %sign3A_495 : i32
      %rem3A_497 = arith.remsi %add3A_479, %jit3A_480 : i32
      %ne3A_498 = arith.constant 0 : i32
      %ne3A_499 = arith.cmpi ne, %rem3A_497, %ne3A_498 : i32
      %and3A_500 = arith.andi %ne3A_496, %ne3A_499 : i1
      %sub3A_501 = arith.constant 1 : i32
      %sub3A_502 = arith.subi %div3A_481, %sub3A_501 : i32
      %select_n3A_503 = arith.select %and3A_500, %sub3A_502, %div3A_481 : i32
      %mul3A_504 = arith.constant 32 : i32
      %mul3A_505 = arith.muli %select_n3A_503, %mul3A_504 : i32
      %sub3A_506 = arith.subi %add3A_479, %mul3A_505 : i32
      %dma_wait3A_507 = arith.constant 0 : i32
      %dma_wait3A_508 = arith.constant 0 : i32
      %dma_wait3A_509 = arith.constant 0 : i32
      %dma_wait3A_510 = tpu.memref_slice %arg8[%dma_wait3A_507, %dma_wait3A_508, %dma_wait3A_509] : memref<8x8x129xf32, #tpu.memory_space<vmem>> -> memref<8x8x128xf32, #tpu.memory_space<vmem>>
      %dma_wait3A_511 = arith.constant 0 : i32
      %dma_wait3A_512 = arith.constant 0 : i32
      %dma_wait3A_513 = arith.constant 0 : i32
      %dma_wait3A_514 = tpu.memref_slice %arg4[%select_n3A_503, %dma_wait3A_511, %sub3A_506, %dma_wait3A_512, %dma_wait3A_513] : memref<200x8x32x8x128xf32, #tpu.memory_space<hbm>> -> memref<1x8x1x8x128xf32, #tpu.memory_space<hbm>>
      %dma_wait3A_515 = tpu.memref_squeeze %dma_wait3A_514 : memref<1x8x1x8x128xf32, #tpu.memory_space<hbm>> -> memref<8x8x128xf32, #tpu.memory_space<hbm>>
      %dma_wait3A_516 = arith.constant 0 : i32
      %dma_wait3A_517 = arith.constant 0 : i32
      %dma_wait3A_518 = arith.constant 0 : i32
      %dma_wait3A_519 = tpu.memref_slice %arg4[%select_n3A_503, %dma_wait3A_516, %sub3A_506, %dma_wait3A_517, %dma_wait3A_518] : memref<200x8x32x8x128xf32, #tpu.memory_space<hbm>> -> memref<1x8x1x8x128xf32, #tpu.memory_space<hbm>>
      %dma_wait3A_520 = tpu.memref_squeeze %dma_wait3A_519 : memref<1x8x1x8x128xf32, #tpu.memory_space<hbm>> -> memref<8x8x128xf32, #tpu.memory_space<hbm>>
      %dma_wait3A_521 = arith.constant 0 : i32
      %dma_wait3A_522 = arith.constant 0 : i32
      %dma_wait3A_523 = arith.constant 0 : i32
      %dma_wait3A_524 = tpu.memref_slice %arg8[%dma_wait3A_521, %dma_wait3A_522, %dma_wait3A_523] : memref<8x8x129xf32, #tpu.memory_space<vmem>> -> memref<8x8x128xf32, #tpu.memory_space<vmem>>
      tpu.wait_dma2 semaphore(%arg12 : memref<!tpu.dma_semaphore, #tpu.memory_space<semaphore_mem>>) src(%dma_wait3A_524 : memref<8x8x128xf32, #tpu.memory_space<vmem>>) dst(%dma_wait3A_520 : memref<8x8x128xf32, #tpu.memory_space<hbm>>)
      %mul3A_525 = arith.constant 128 : i32
      %mul3A_526 = arith.muli %mul3A_476, %mul3A_525 : i32
      %dma_wait3A_527 = tpu.memref_slice %arg5[%mul3A_526] : memref<25600xi32, #tpu.memory_space<vmem>> -> memref<128xi32, #tpu.memory_space<vmem>>
      %dma_wait3A_528 = arith.constant 0 : i32
      %dma_wait3A_529 = arith.constant 0 : i32
      %dma_wait3A_530 = tpu.memref_slice %arg2[%dma_wait3A_528, %dma_wait3A_529] : memref<1000000x64xf32, #tpu.memory_space<hbm>> -> memref<1000000x64xf32, #tpu.memory_space<hbm>>
      tpu.wait_indirect_dma semaphore(%arg10 : memref<!tpu.dma_semaphore, #tpu.memory_space<semaphore_mem>>) src(%dma_wait3A_530 : memref<1000000x64xf32, #tpu.memory_space<hbm>>) dst(%arg6 : memref<128x64xf32, #tpu.memory_space<vmem>>)
      %parallel_loop3A_531 = arith.constant 0 : i32
      %parallel_loop3A_532 = arith.constant 128 : i32
      %parallel_loop3A_533 = arith.constant 1 : i32
      scf.for %parallel_loop3A_701 = %parallel_loop3A_531 to %parallel_loop3A_532 step %parallel_loop3A_533  : i32 {
        %parallel_loop3A_702 = arith.constant 0 : i32
        %parallel_loop3A_703 = vector.broadcast %parallel_loop3A_702 : i32 to vector<16xi32>
        %parallel_loop3A_704 = vector.broadcast %parallel_loop3A_701 : i32 to vector<16xi32>
        %parallel_loop3A_705 = arith.addi %parallel_loop3A_703, %parallel_loop3A_704 : vector<16xi32>
        %parallel_loop3A_706 = arith.index_cast %parallel_loop3A_701 : i32 to index
        %parallel_loop3A_707 = arith.constant 0 : index
        %parallel_loop3A_708 = tpu.vector_load %arg6[%parallel_loop3A_706, %parallel_loop3A_707] {strides = array<i32>} : memref<128x64xf32, #tpu.memory_space<vmem>>, vector<16xf32>,
        tpu.vector_store_idx %arg8[%shift_right_arithmetic3A_9, %and3A_32, %parallel_loop3A_705], %parallel_loop3A_708 : memref<8x8x129xf32, #tpu.memory_space<vmem>>[vector<16xi32>, vector<16xi32>, vector<16xi32>], vector<16xf32>,
        %parallel_loop3A_709 = arith.index_cast %parallel_loop3A_701 : i32 to index
        %parallel_loop3A_710 = arith.constant 16 : index
        %parallel_loop3A_711 = tpu.vector_load %arg6[%parallel_loop3A_709, %parallel_loop3A_710] {strides = array<i32>} : memref<128x64xf32, #tpu.memory_space<vmem>>, vector<16xf32>,
        tpu.vector_store_idx %arg8[%shift_right_arithmetic3A_15, %and3A_38, %parallel_loop3A_705], %parallel_loop3A_711 : memref<8x8x129xf32, #tpu.memory_space<vmem>>[vector<16xi32>, vector<16xi32>, vector<16xi32>], vector<16xf32>,
        %parallel_loop3A_712 = arith.index_cast %parallel_loop3A_701 : i32 to index
        %parallel_loop3A_713 = arith.constant 32 : index
        %parallel_loop3A_714 = tpu.vector_load %arg6[%parallel_loop3A_712, %parallel_loop3A_713] {strides = array<i32>} : memref<128x64xf32, #tpu.memory_space<vmem>>, vector<16xf32>,
        tpu.vector_store_idx %arg8[%shift_right_arithmetic3A_21, %and3A_44, %parallel_loop3A_705], %parallel_loop3A_714 : memref<8x8x129xf32, #tpu.memory_space<vmem>>[vector<16xi32>, vector<16xi32>, vector<16xi32>], vector<16xf32>,
        %parallel_loop3A_715 = arith.index_cast %parallel_loop3A_701 : i32 to index
        %parallel_loop3A_716 = arith.constant 48 : index
        %parallel_loop3A_717 = tpu.vector_load %arg6[%parallel_loop3A_715, %parallel_loop3A_716] {strides = array<i32>} : memref<128x64xf32, #tpu.memory_space<vmem>>, vector<16xf32>,
        tpu.vector_store_idx %arg8[%shift_right_arithmetic3A_27, %and3A_50, %parallel_loop3A_705], %parallel_loop3A_717 : memref<8x8x129xf32, #tpu.memory_space<vmem>>[vector<16xi32>, vector<16xi32>, vector<16xi32>], vector<16xf32>,
      } {sc.loop_unroll_factor = 8 : i64, sc.parallel_access}
      %add3A_534 = arith.addi %mul3A_2, %mul3A_476 : i32
      %jit3A_535 = arith.constant 32 : i32
      %div3A_536 = arith.divsi %add3A_534, %jit3A_535 : i32
      %sign3A_537 = arith.constant 0 : i32
      %sign3A_538 = arith.cmpi sgt, %add3A_534, %sign3A_537 : i32
      %sign3A_539 = arith.extui %sign3A_538 : i1 to i32
      %sign3A_540 = arith.constant 0 : i32
      %sign3A_541 = arith.cmpi slt, %add3A_534, %sign3A_540 : i32
      %sign3A_542 = arith.extui %sign3A_541 : i1 to i32
      %sign3A_543 = arith.subi %sign3A_539, %sign3A_542 : i32
      %sign3A_544 = arith.constant 0 : i32
      %sign3A_545 = arith.cmpi sgt, %jit3A_535, %sign3A_544 : i32
      %sign3A_546 = arith.extui %sign3A_545 : i1 to i32
      %sign3A_547 = arith.constant 0 : i32
      %sign3A_548 = arith.cmpi slt, %jit3A_535, %sign3A_547 : i32
      %sign3A_549 = arith.extui %sign3A_548 : i1 to i32
      %sign3A_550 = arith.subi %sign3A_546, %sign3A_549 : i32
      %ne3A_551 = arith.cmpi ne, %sign3A_543, %sign3A_550 : i32
      %rem3A_552 = arith.remsi %add3A_534, %jit3A_535 : i32
      %ne3A_553 = arith.constant 0 : i32
      %ne3A_554 = arith.cmpi ne, %rem3A_552, %ne3A_553 : i32
      %and3A_555 = arith.andi %ne3A_551, %ne3A_554 : i1
      %sub3A_556 = arith.constant 1 : i32
      %sub3A_557 = arith.subi %div3A_536, %sub3A_556 : i32
      %select_n3A_558 = arith.select %and3A_555, %sub3A_557, %div3A_536 : i32
      %mul3A_559 = arith.constant 32 : i32
      %mul3A_560 = arith.muli %select_n3A_558, %mul3A_559 : i32
      %sub3A_561 = arith.subi %add3A_534, %mul3A_560 : i32
      %dma_start3A_562 = arith.constant 0 : i32
      %dma_start3A_563 = arith.constant 0 : i32
      %dma_start3A_564 = arith.constant 0 : i32
      %dma_start3A_565 = tpu.memref_slice %arg8[%dma_start3A_562, %dma_start3A_563, %dma_start3A_564] : memref<8x8x129xf32, #tpu.memory_space<vmem>> -> memref<8x8x128xf32, #tpu.memory_space<vmem>>
      %dma_start3A_566 = arith.constant 0 : i32
      %dma_start3A_567 = arith.constant 0 : i32
      %dma_start3A_568 = arith.constant 0 : i32
      %dma_start3A_569 = tpu.memref_slice %arg4[%select_n3A_558, %dma_start3A_566, %sub3A_561, %dma_start3A_567, %dma_start3A_568] : memref<200x8x32x8x128xf32, #tpu.memory_space<hbm>> -> memref<1x8x1x8x128xf32, #tpu.memory_space<hbm>>
      %dma_start3A_570 = tpu.memref_squeeze %dma_start3A_569 : memref<1x8x1x8x128xf32, #tpu.memory_space<hbm>> -> memref<8x8x128xf32, #tpu.memory_space<hbm>>
      %dma_start3A_571 = arith.constant 0 : i32
      %dma_start3A_572 = arith.constant 0 : i32
      %dma_start3A_573 = arith.constant 0 : i32
      %dma_start3A_574 = tpu.memref_slice %arg4[%select_n3A_558, %dma_start3A_571, %sub3A_561, %dma_start3A_572, %dma_start3A_573] : memref<200x8x32x8x128xf32, #tpu.memory_space<hbm>> -> memref<1x8x1x8x128xf32, #tpu.memory_space<hbm>>
      %dma_start3A_575 = tpu.memref_squeeze %dma_start3A_574 : memref<1x8x1x8x128xf32, #tpu.memory_space<hbm>> -> memref<8x8x128xf32, #tpu.memory_space<hbm>>
      %dma_start3A_576 = arith.constant 0 : i32
      %dma_start3A_577 = arith.constant 0 : i32
      %dma_start3A_578 = arith.constant 0 : i32
      %dma_start3A_579 = tpu.memref_slice %arg8[%dma_start3A_576, %dma_start3A_577, %dma_start3A_578] : memref<8x8x129xf32, #tpu.memory_space<vmem>> -> memref<8x8x128xf32, #tpu.memory_space<vmem>>
      tpu.enqueue_dma source(%dma_start3A_579 : memref<8x8x128xf32, #tpu.memory_space<vmem>>) target(%dma_start3A_575 : memref<8x8x128xf32, #tpu.memory_space<hbm>>) target_semaphore(%arg12 : memref<!tpu.dma_semaphore, #tpu.memory_space<semaphore_mem>>)
      %add3A_580 = arith.constant 2 : i32
      %add3A_581 = arith.addi %mul3A_476, %add3A_580 : i32
      %mul3A_582 = arith.constant 128 : i32
      %mul3A_583 = arith.muli %add3A_581, %mul3A_582 : i32
      %dma_start3A_584 = tpu.memref_slice %arg5[%mul3A_583] : memref<25600xi32, #tpu.memory_space<vmem>> -> memref<128xi32, #tpu.memory_space<vmem>>
      %dma_start3A_585 = arith.constant 0 : i32
      %dma_start3A_586 = arith.constant 0 : i32
      %dma_start3A_587 = tpu.memref_slice %arg2[%dma_start3A_585, %dma_start3A_586] : memref<1000000x64xf32, #tpu.memory_space<hbm>> -> memref<1000000x64xf32, #tpu.memory_space<hbm>>
      tpu.enqueue_indirect_dma source(%dma_start3A_587 : memref<1000000x64xf32, #tpu.memory_space<hbm>>) target(%arg6 : memref<128x64xf32, #tpu.memory_space<vmem>>) offsets(%dma_start3A_584 : memref<128xi32, #tpu.memory_space<vmem>>) semaphore(%arg10 : memref<!tpu.dma_semaphore, #tpu.memory_space<semaphore_mem>>)
      %add3A_588 = arith.constant 1 : i32
      %add3A_589 = arith.addi %mul3A_476, %add3A_588 : i32
      %sub3A_590 = arith.constant 2 : i32
      %sub3A_591 = arith.subi %add3A_589, %sub3A_590 : i32
      %add3A_592 = arith.addi %mul3A_2, %sub3A_591 : i32
      %jit3A_593 = arith.constant 32 : i32
      %div3A_594 = arith.divsi %add3A_592, %jit3A_593 : i32
      %sign3A_595 = arith.constant 0 : i32
      %sign3A_596 = arith.cmpi sgt, %add3A_592, %sign3A_595 : i32
      %sign3A_597 = arith.extui %sign3A_596 : i1 to i32
      %sign3A_598 = arith.constant 0 : i32
      %sign3A_599 = arith.cmpi slt, %add3A_592, %sign3A_598 : i32
      %sign3A_600 = arith.extui %sign3A_599 : i1 to i32
      %sign3A_601 = arith.subi %sign3A_597, %sign3A_600 : i32
      %sign3A_602 = arith.constant 0 : i32
      %sign3A_603 = arith.cmpi sgt, %jit3A_593, %sign3A_602 : i32
      %sign3A_604 = arith.extui %sign3A_603 : i1 to i32
      %sign3A_605 = arith.constant 0 : i32
      %sign3A_606 = arith.cmpi slt, %jit3A_593, %sign3A_605 : i32
      %sign3A_607 = arith.extui %sign3A_606 : i1 to i32
      %sign3A_608 = arith.subi %sign3A_604, %sign3A_607 : i32
      %ne3A_609 = arith.cmpi ne, %sign3A_601, %sign3A_608 : i32
      %rem3A_610 = arith.remsi %add3A_592, %jit3A_593 : i32
      %ne3A_611 = arith.constant 0 : i32
      %ne3A_612 = arith.cmpi ne, %rem3A_610, %ne3A_611 : i32
      %and3A_613 = arith.andi %ne3A_609, %ne3A_612 : i1
      %sub3A_614 = arith.constant 1 : i32
      %sub3A_615 = arith.subi %div3A_594, %sub3A_614 : i32
      %select_n3A_616 = arith.select %and3A_613, %sub3A_615, %div3A_594 : i32
      %mul3A_617 = arith.constant 32 : i32
      %mul3A_618 = arith.muli %select_n3A_616, %mul3A_617 : i32
      %sub3A_619 = arith.subi %add3A_592, %mul3A_618 : i32
      %dma_wait3A_620 = arith.constant 0 : i32
      %dma_wait3A_621 = arith.constant 0 : i32
      %dma_wait3A_622 = arith.constant 0 : i32
      %dma_wait3A_623 = tpu.memref_slice %arg9[%dma_wait3A_620, %dma_wait3A_621, %dma_wait3A_622] : memref<8x8x129xf32, #tpu.memory_space<vmem>> -> memref<8x8x128xf32, #tpu.memory_space<vmem>>
      %dma_wait3A_624 = arith.constant 0 : i32
      %dma_wait3A_625 = arith.constant 0 : i32
      %dma_wait3A_626 = arith.constant 0 : i32
      %dma_wait3A_627 = tpu.memref_slice %arg4[%select_n3A_616, %dma_wait3A_624, %sub3A_619, %dma_wait3A_625, %dma_wait3A_626] : memref<200x8x32x8x128xf32, #tpu.memory_space<hbm>> -> memref<1x8x1x8x128xf32, #tpu.memory_space<hbm>>
      %dma_wait3A_628 = tpu.memref_squeeze %dma_wait3A_627 : memref<1x8x1x8x128xf32, #tpu.memory_space<hbm>> -> memref<8x8x128xf32, #tpu.memory_space<hbm>>
      %dma_wait3A_629 = arith.constant 0 : i32
      %dma_wait3A_630 = arith.constant 0 : i32
      %dma_wait3A_631 = arith.constant 0 : i32
      %dma_wait3A_632 = tpu.memref_slice %arg4[%select_n3A_616, %dma_wait3A_629, %sub3A_619, %dma_wait3A_630, %dma_wait3A_631] : memref<200x8x32x8x128xf32, #tpu.memory_space<hbm>> -> memref<1x8x1x8x128xf32, #tpu.memory_space<hbm>>
      %dma_wait3A_633 = tpu.memref_squeeze %dma_wait3A_632 : memref<1x8x1x8x128xf32, #tpu.memory_space<hbm>> -> memref<8x8x128xf32, #tpu.memory_space<hbm>>
      %dma_wait3A_634 = arith.constant 0 : i32
      %dma_wait3A_635 = arith.constant 0 : i32
      %dma_wait3A_636 = arith.constant 0 : i32
      %dma_wait3A_637 = tpu.memref_slice %arg9[%dma_wait3A_634, %dma_wait3A_635, %dma_wait3A_636] : memref<8x8x129xf32, #tpu.memory_space<vmem>> -> memref<8x8x128xf32, #tpu.memory_space<vmem>>
      tpu.wait_dma2 semaphore(%arg13 : memref<!tpu.dma_semaphore, #tpu.memory_space<semaphore_mem>>) src(%dma_wait3A_637 : memref<8x8x128xf32, #tpu.memory_space<vmem>>) dst(%dma_wait3A_633 : memref<8x8x128xf32, #tpu.memory_space<hbm>>)
      %mul3A_638 = arith.constant 128 : i32
      %mul3A_639 = arith.muli %add3A_589, %mul3A_638 : i32
      %dma_wait3A_640 = tpu.memref_slice %arg5[%mul3A_639] : memref<25600xi32, #tpu.memory_space<vmem>> -> memref<128xi32, #tpu.memory_space<vmem>>
      %dma_wait3A_641 = arith.constant 0 : i32
      %dma_wait3A_642 = arith.constant 0 : i32
      %dma_wait3A_643 = tpu.memref_slice %arg2[%dma_wait3A_641, %dma_wait3A_642] : memref<1000000x64xf32, #tpu.memory_space<hbm>> -> memref<1000000x64xf32, #tpu.memory_space<hbm>>
      tpu.wait_indirect_dma semaphore(%arg11 : memref<!tpu.dma_semaphore, #tpu.memory_space<semaphore_mem>>) src(%dma_wait3A_643 : memref<1000000x64xf32, #tpu.memory_space<hbm>>) dst(%arg7 : memref<128x64xf32, #tpu.memory_space<vmem>>)
      %parallel_loop3A_644 = arith.constant 0 : i32
      %parallel_loop3A_645 = arith.constant 128 : i32
      %parallel_loop3A_646 = arith.constant 1 : i32
      scf.for %parallel_loop3A_701 = %parallel_loop3A_644 to %parallel_loop3A_645 step %parallel_loop3A_646  : i32 {
        %parallel_loop3A_702 = arith.constant 0 : i32
        %parallel_loop3A_703 = vector.broadcast %parallel_loop3A_702 : i32 to vector<16xi32>
        %parallel_loop3A_704 = vector.broadcast %parallel_loop3A_701 : i32 to vector<16xi32>
        %parallel_loop3A_705 = arith.addi %parallel_loop3A_703, %parallel_loop3A_704 : vector<16xi32>
        %parallel_loop3A_706 = arith.index_cast %parallel_loop3A_701 : i32 to index
        %parallel_loop3A_707 = arith.constant 0 : index
        %parallel_loop3A_708 = tpu.vector_load %arg7[%parallel_loop3A_706, %parallel_loop3A_707] {strides = array<i32>} : memref<128x64xf32, #tpu.memory_space<vmem>>, vector<16xf32>,
        tpu.vector_store_idx %arg9[%shift_right_arithmetic3A_9, %and3A_32, %parallel_loop3A_705], %parallel_loop3A_708 : memref<8x8x129xf32, #tpu.memory_space<vmem>>[vector<16xi32>, vector<16xi32>, vector<16xi32>], vector<16xf32>,
        %parallel_loop3A_709 = arith.index_cast %parallel_loop3A_701 : i32 to index
        %parallel_loop3A_710 = arith.constant 16 : index
        %parallel_loop3A_711 = tpu.vector_load %arg7[%parallel_loop3A_709, %parallel_loop3A_710] {strides = array<i32>} : memref<128x64xf32, #tpu.memory_space<vmem>>, vector<16xf32>,
        tpu.vector_store_idx %arg9[%shift_right_arithmetic3A_15, %and3A_38, %parallel_loop3A_705], %parallel_loop3A_711 : memref<8x8x129xf32, #tpu.memory_space<vmem>>[vector<16xi32>, vector<16xi32>, vector<16xi32>], vector<16xf32>,
        %parallel_loop3A_712 = arith.index_cast %parallel_loop3A_701 : i32 to index
        %parallel_loop3A_713 = arith.constant 32 : index
        %parallel_loop3A_714 = tpu.vector_load %arg7[%parallel_loop3A_712, %parallel_loop3A_713] {strides = array<i32>} : memref<128x64xf32, #tpu.memory_space<vmem>>, vector<16xf32>,
        tpu.vector_store_idx %arg9[%shift_right_arithmetic3A_21, %and3A_44, %parallel_loop3A_705], %parallel_loop3A_714 : memref<8x8x129xf32, #tpu.memory_space<vmem>>[vector<16xi32>, vector<16xi32>, vector<16xi32>], vector<16xf32>,
        %parallel_loop3A_715 = arith.index_cast %parallel_loop3A_701 : i32 to index
        %parallel_loop3A_716 = arith.constant 48 : index
        %parallel_loop3A_717 = tpu.vector_load %arg7[%parallel_loop3A_715, %parallel_loop3A_716] {strides = array<i32>} : memref<128x64xf32, #tpu.memory_space<vmem>>, vector<16xf32>,
        tpu.vector_store_idx %arg9[%shift_right_arithmetic3A_27, %and3A_50, %parallel_loop3A_705], %parallel_loop3A_717 : memref<8x8x129xf32, #tpu.memory_space<vmem>>[vector<16xi32>, vector<16xi32>, vector<16xi32>], vector<16xf32>,
      } {sc.loop_unroll_factor = 8 : i64, sc.parallel_access}
      %add3A_647 = arith.addi %mul3A_2, %add3A_589 : i32
      %jit3A_648 = arith.constant 32 : i32
      %div3A_649 = arith.divsi %add3A_647, %jit3A_648 : i32
      %sign3A_650 = arith.constant 0 : i32
      %sign3A_651 = arith.cmpi sgt, %add3A_647, %sign3A_650 : i32
      %sign3A_652 = arith.extui %sign3A_651 : i1 to i32
      %sign3A_653 = arith.constant 0 : i32
      %sign3A_654 = arith.cmpi slt, %add3A_647, %sign3A_653 : i32
      %sign3A_655 = arith.extui %sign3A_654 : i1 to i32
      %sign3A_656 = arith.subi %sign3A_652, %sign3A_655 : i32
      %sign3A_657 = arith.constant 0 : i32
      %sign3A_658 = arith.cmpi sgt, %jit3A_648, %sign3A_657 : i32
      %sign3A_659 = arith.extui %sign3A_658 : i1 to i32
      %sign3A_660 = arith.constant 0 : i32
      %sign3A_661 = arith.cmpi slt, %jit3A_648, %sign3A_660 : i32
      %sign3A_662 = arith.extui %sign3A_661 : i1 to i32
      %sign3A_663 = arith.subi %sign3A_659, %sign3A_662 : i32
      %ne3A_664 = arith.cmpi ne, %sign3A_656, %sign3A_663 : i32
      %rem3A_665 = arith.remsi %add3A_647, %jit3A_648 : i32
      %ne3A_666 = arith.constant 0 : i32
      %ne3A_667 = arith.cmpi ne, %rem3A_665, %ne3A_666 : i32
      %and3A_668 = arith.andi %ne3A_664, %ne3A_667 : i1
      %sub3A_669 = arith.constant 1 : i32
      %sub3A_670 = arith.subi %div3A_649, %sub3A_669 : i32
      %select_n3A_671 = arith.select %and3A_668, %sub3A_670, %div3A_649 : i32
      %mul3A_672 = arith.constant 32 : i32
      %mul3A_673 = arith.muli %select_n3A_671, %mul3A_672 : i32
      %sub3A_674 = arith.subi %add3A_647, %mul3A_673 : i32
      %dma_start3A_675 = arith.constant 0 : i32
      %dma_start3A_676 = arith.constant 0 : i32
      %dma_start3A_677 = arith.constant 0 : i32
      %dma_start3A_678 = tpu.memref_slice %arg9[%dma_start3A_675, %dma_start3A_676, %dma_start3A_677] : memref<8x8x129xf32, #tpu.memory_space<vmem>> -> memref<8x8x128xf32, #tpu.memory_space<vmem>>
      %dma_start3A_679 = arith.constant 0 : i32
      %dma_start3A_680 = arith.constant 0 : i32
      %dma_start3A_681 = arith.constant 0 : i32
      %dma_start3A_682 = tpu.memref_slice %arg4[%select_n3A_671, %dma_start3A_679, %sub3A_674, %dma_start3A_680, %dma_start3A_681] : memref<200x8x32x8x128xf32, #tpu.memory_space<hbm>> -> memref<1x8x1x8x128xf32, #tpu.memory_space<hbm>>
      %dma_start3A_683 = tpu.memref_squeeze %dma_start3A_682 : memref<1x8x1x8x128xf32, #tpu.memory_space<hbm>> -> memref<8x8x128xf32, #tpu.memory_space<hbm>>
      %dma_start3A_684 = arith.constant 0 : i32
      %dma_start3A_685 = arith.constant 0 : i32
      %dma_start3A_686 = arith.constant 0 : i32
      %dma_start3A_687 = tpu.memref_slice %arg4[%select_n3A_671, %dma_start3A_684, %sub3A_674, %dma_start3A_685, %dma_start3A_686] : memref<200x8x32x8x128xf32, #tpu.memory_space<hbm>> -> memref<1x8x1x8x128xf32, #tpu.memory_space<hbm>>
      %dma_start3A_688 = tpu.memref_squeeze %dma_start3A_687 : memref<1x8x1x8x128xf32, #tpu.memory_space<hbm>> -> memref<8x8x128xf32, #tpu.memory_space<hbm>>
      %dma_start3A_689 = arith.constant 0 : i32
      %dma_start3A_690 = arith.constant 0 : i32
      %dma_start3A_691 = arith.constant 0 : i32
      %dma_start3A_692 = tpu.memref_slice %arg9[%dma_start3A_689, %dma_start3A_690, %dma_start3A_691] : memref<8x8x129xf32, #tpu.memory_space<vmem>> -> memref<8x8x128xf32, #tpu.memory_space<vmem>>
      tpu.enqueue_dma source(%dma_start3A_692 : memref<8x8x128xf32, #tpu.memory_space<vmem>>) target(%dma_start3A_688 : memref<8x8x128xf32, #tpu.memory_space<hbm>>) target_semaphore(%arg13 : memref<!tpu.dma_semaphore, #tpu.memory_space<semaphore_mem>>)
      %add3A_693 = arith.constant 2 : i32
      %add3A_694 = arith.addi %add3A_589, %add3A_693 : i32
      %mul3A_695 = arith.constant 128 : i32
      %mul3A_696 = arith.muli %add3A_694, %mul3A_695 : i32
      %dma_start3A_697 = tpu.memref_slice %arg5[%mul3A_696] : memref<25600xi32, #tpu.memory_space<vmem>> -> memref<128xi32, #tpu.memory_space<vmem>>
      %dma_start3A_698 = arith.constant 0 : i32
      %dma_start3A_699 = arith.constant 0 : i32
      %dma_start3A_700 = tpu.memref_slice %arg2[%dma_start3A_698, %dma_start3A_699] : memref<1000000x64xf32, #tpu.memory_space<hbm>> -> memref<1000000x64xf32, #tpu.memory_space<hbm>>
      tpu.enqueue_indirect_dma source(%dma_start3A_700 : memref<1000000x64xf32, #tpu.memory_space<hbm>>) target(%arg7 : memref<128x64xf32, #tpu.memory_space<vmem>>) offsets(%dma_start3A_697 : memref<128xi32, #tpu.memory_space<vmem>>) semaphore(%arg11 : memref<!tpu.dma_semaphore, #tpu.memory_space<semaphore_mem>>)
    }
    %scan3A_175 = arith.constant 98 : i32
    %add3A_176 = arith.constant 196 : i32
    %add3A_177 = arith.addi %mul3A_2, %add3A_176 : i32
    %jit3A_178 = arith.constant 32 : i32
    %div3A_179 = arith.divsi %add3A_177, %jit3A_178 : i32
    %sign3A_180 = arith.constant 0 : i32
    %sign3A_181 = arith.cmpi sgt, %add3A_177, %sign3A_180 : i32
    %sign3A_182 = arith.extui %sign3A_181 : i1 to i32
    %sign3A_183 = arith.constant 0 : i32
    %sign3A_184 = arith.cmpi slt, %add3A_177, %sign3A_183 : i32
    %sign3A_185 = arith.extui %sign3A_184 : i1 to i32
    %sign3A_186 = arith.subi %sign3A_182, %sign3A_185 : i32
    %sign3A_187 = arith.constant 0 : i32
    %sign3A_188 = arith.cmpi sgt, %jit3A_178, %sign3A_187 : i32
    %sign3A_189 = arith.extui %sign3A_188 : i1 to i32
    %sign3A_190 = arith.constant 0 : i32
    %sign3A_191 = arith.cmpi slt, %jit3A_178, %sign3A_190 : i32
    %sign3A_192 = arith.extui %sign3A_191 : i1 to i32
    %sign3A_193 = arith.subi %sign3A_189, %sign3A_192 : i32
    %ne3A_194 = arith.cmpi ne, %sign3A_186, %sign3A_193 : i32
    %rem3A_195 = arith.remsi %add3A_177, %jit3A_178 : i32
    %ne3A_196 = arith.constant 0 : i32
    %ne3A_197 = arith.cmpi ne, %rem3A_195, %ne3A_196 : i32
    %and3A_198 = arith.andi %ne3A_194, %ne3A_197 : i1
    %sub3A_199 = arith.constant 1 : i32
    %sub3A_200 = arith.subi %div3A_179, %sub3A_199 : i32
    %select_n3A_201 = arith.select %and3A_198, %sub3A_200, %div3A_179 : i32
    %mul3A_202 = arith.constant 32 : i32
    %mul3A_203 = arith.muli %select_n3A_201, %mul3A_202 : i32
    %sub3A_204 = arith.subi %add3A_177, %mul3A_203 : i32
    %dma_wait3A_205 = arith.constant 0 : i32
    %dma_wait3A_206 = arith.constant 0 : i32
    %dma_wait3A_207 = arith.constant 0 : i32
    %dma_wait3A_208 = tpu.memref_slice %arg8[%dma_wait3A_205, %dma_wait3A_206, %dma_wait3A_207] : memref<8x8x129xf32, #tpu.memory_space<vmem>> -> memref<8x8x128xf32, #tpu.memory_space<vmem>>
    %dma_wait3A_209 = arith.constant 0 : i32
    %dma_wait3A_210 = arith.constant 0 : i32
    %dma_wait3A_211 = arith.constant 0 : i32
    %dma_wait3A_212 = tpu.memref_slice %arg4[%select_n3A_201, %dma_wait3A_209, %sub3A_204, %dma_wait3A_210, %dma_wait3A_211] : memref<200x8x32x8x128xf32, #tpu.memory_space<hbm>> -> memref<1x8x1x8x128xf32, #tpu.memory_space<hbm>>
    %dma_wait3A_213 = tpu.memref_squeeze %dma_wait3A_212 : memref<1x8x1x8x128xf32, #tpu.memory_space<hbm>> -> memref<8x8x128xf32, #tpu.memory_space<hbm>>
    %dma_wait3A_214 = arith.constant 0 : i32
    %dma_wait3A_215 = arith.constant 0 : i32
    %dma_wait3A_216 = arith.constant 0 : i32
    %dma_wait3A_217 = tpu.memref_slice %arg4[%select_n3A_201, %dma_wait3A_214, %sub3A_204, %dma_wait3A_215, %dma_wait3A_216] : memref<200x8x32x8x128xf32, #tpu.memory_space<hbm>> -> memref<1x8x1x8x128xf32, #tpu.memory_space<hbm>>
    %dma_wait3A_218 = tpu.memref_squeeze %dma_wait3A_217 : memref<1x8x1x8x128xf32, #tpu.memory_space<hbm>> -> memref<8x8x128xf32, #tpu.memory_space<hbm>>
    %dma_wait3A_219 = arith.constant 0 : i32
    %dma_wait3A_220 = arith.constant 0 : i32
    %dma_wait3A_221 = arith.constant 0 : i32
    %dma_wait3A_222 = tpu.memref_slice %arg8[%dma_wait3A_219, %dma_wait3A_220, %dma_wait3A_221] : memref<8x8x129xf32, #tpu.memory_space<vmem>> -> memref<8x8x128xf32, #tpu.memory_space<vmem>>
    tpu.wait_dma2 semaphore(%arg12 : memref<!tpu.dma_semaphore, #tpu.memory_space<semaphore_mem>>) src(%dma_wait3A_222 : memref<8x8x128xf32, #tpu.memory_space<vmem>>) dst(%dma_wait3A_218 : memref<8x8x128xf32, #tpu.memory_space<hbm>>)
    %dma_wait3A_223 = arith.constant 25344 : i32
    %dma_wait3A_224 = tpu.memref_slice %arg5[%dma_wait3A_223] : memref<25600xi32, #tpu.memory_space<vmem>> -> memref<128xi32, #tpu.memory_space<vmem>>
    %dma_wait3A_225 = arith.constant 0 : i32
    %dma_wait3A_226 = arith.constant 0 : i32
    %dma_wait3A_227 = tpu.memref_slice %arg2[%dma_wait3A_225, %dma_wait3A_226] : memref<1000000x64xf32, #tpu.memory_space<hbm>> -> memref<1000000x64xf32, #tpu.memory_space<hbm>>
    tpu.wait_indirect_dma semaphore(%arg10 : memref<!tpu.dma_semaphore, #tpu.memory_space<semaphore_mem>>) src(%dma_wait3A_227 : memref<1000000x64xf32, #tpu.memory_space<hbm>>) dst(%arg6 : memref<128x64xf32, #tpu.memory_space<vmem>>)
    %parallel_loop3A_228 = arith.constant 0 : i32
    %parallel_loop3A_229 = arith.constant 128 : i32
    %parallel_loop3A_230 = arith.constant 1 : i32
    scf.for %parallel_loop3A_474 = %parallel_loop3A_228 to %parallel_loop3A_229 step %parallel_loop3A_230  : i32 {
      %parallel_loop3A_475 = arith.constant 0 : i32
      %parallel_loop3A_476 = vector.broadcast %parallel_loop3A_475 : i32 to vector<16xi32>
      %parallel_loop3A_477 = vector.broadcast %parallel_loop3A_474 : i32 to vector<16xi32>
      %parallel_loop3A_478 = arith.addi %parallel_loop3A_476, %parallel_loop3A_477 : vector<16xi32>
      %parallel_loop3A_479 = arith.index_cast %parallel_loop3A_474 : i32 to index
      %parallel_loop3A_480 = arith.constant 0 : index
      %parallel_loop3A_481 = tpu.vector_load %arg6[%parallel_loop3A_479, %parallel_loop3A_480] {strides = array<i32>} : memref<128x64xf32, #tpu.memory_space<vmem>>, vector<16xf32>,
      tpu.vector_store_idx %arg8[%shift_right_arithmetic3A_9, %and3A_32, %parallel_loop3A_478], %parallel_loop3A_481 : memref<8x8x129xf32, #tpu.memory_space<vmem>>[vector<16xi32>, vector<16xi32>, vector<16xi32>], vector<16xf32>,
      %parallel_loop3A_482 = arith.index_cast %parallel_loop3A_474 : i32 to index
      %parallel_loop3A_483 = arith.constant 16 : index
      %parallel_loop3A_484 = tpu.vector_load %arg6[%parallel_loop3A_482, %parallel_loop3A_483] {strides = array<i32>} : memref<128x64xf32, #tpu.memory_space<vmem>>, vector<16xf32>,
      tpu.vector_store_idx %arg8[%shift_right_arithmetic3A_15, %and3A_38, %parallel_loop3A_478], %parallel_loop3A_484 : memref<8x8x129xf32, #tpu.memory_space<vmem>>[vector<16xi32>, vector<16xi32>, vector<16xi32>], vector<16xf32>,
      %parallel_loop3A_485 = arith.index_cast %parallel_loop3A_474 : i32 to index
      %parallel_loop3A_486 = arith.constant 32 : index
      %parallel_loop3A_487 = tpu.vector_load %arg6[%parallel_loop3A_485, %parallel_loop3A_486] {strides = array<i32>} : memref<128x64xf32, #tpu.memory_space<vmem>>, vector<16xf32>,
      tpu.vector_store_idx %arg8[%shift_right_arithmetic3A_21, %and3A_44, %parallel_loop3A_478], %parallel_loop3A_487 : memref<8x8x129xf32, #tpu.memory_space<vmem>>[vector<16xi32>, vector<16xi32>, vector<16xi32>], vector<16xf32>,
      %parallel_loop3A_488 = arith.index_cast %parallel_loop3A_474 : i32 to index
      %parallel_loop3A_489 = arith.constant 48 : index
      %parallel_loop3A_490 = tpu.vector_load %arg6[%parallel_loop3A_488, %parallel_loop3A_489] {strides = array<i32>} : memref<128x64xf32, #tpu.memory_space<vmem>>, vector<16xf32>,
      tpu.vector_store_idx %arg8[%shift_right_arithmetic3A_27, %and3A_50, %parallel_loop3A_478], %parallel_loop3A_490 : memref<8x8x129xf32, #tpu.memory_space<vmem>>[vector<16xi32>, vector<16xi32>, vector<16xi32>], vector<16xf32>,
    } {sc.loop_unroll_factor = 8 : i64, sc.parallel_access}
    %add3A_231 = arith.constant 198 : i32
    %add3A_232 = arith.addi %mul3A_2, %add3A_231 : i32
    %jit3A_233 = arith.constant 32 : i32
    %div3A_234 = arith.divsi %add3A_232, %jit3A_233 : i32
    %sign3A_235 = arith.constant 0 : i32
    %sign3A_236 = arith.cmpi sgt, %add3A_232, %sign3A_235 : i32
    %sign3A_237 = arith.extui %sign3A_236 : i1 to i32
    %sign3A_238 = arith.constant 0 : i32
    %sign3A_239 = arith.cmpi slt, %add3A_232, %sign3A_238 : i32
    %sign3A_240 = arith.extui %sign3A_239 : i1 to i32
    %sign3A_241 = arith.subi %sign3A_237, %sign3A_240 : i32
    %sign3A_242 = arith.constant 0 : i32
    %sign3A_243 = arith.cmpi sgt, %jit3A_233, %sign3A_242 : i32
    %sign3A_244 = arith.extui %sign3A_243 : i1 to i32
    %sign3A_245 = arith.constant 0 : i32
    %sign3A_246 = arith.cmpi slt, %jit3A_233, %sign3A_245 : i32
    %sign3A_247 = arith.extui %sign3A_246 : i1 to i32
    %sign3A_248 = arith.subi %sign3A_244, %sign3A_247 : i32
    %ne3A_249 = arith.cmpi ne, %sign3A_241, %sign3A_248 : i32
    %rem3A_250 = arith.remsi %add3A_232, %jit3A_233 : i32
    %ne3A_251 = arith.constant 0 : i32
    %ne3A_252 = arith.cmpi ne, %rem3A_250, %ne3A_251 : i32
    %and3A_253 = arith.andi %ne3A_249, %ne3A_252 : i1
    %sub3A_254 = arith.constant 1 : i32
    %sub3A_255 = arith.subi %div3A_234, %sub3A_254 : i32
    %select_n3A_256 = arith.select %and3A_253, %sub3A_255, %div3A_234 : i32
    %mul3A_257 = arith.constant 32 : i32
    %mul3A_258 = arith.muli %select_n3A_256, %mul3A_257 : i32
    %sub3A_259 = arith.subi %add3A_232, %mul3A_258 : i32
    %dma_start3A_260 = arith.constant 0 : i32
    %dma_start3A_261 = arith.constant 0 : i32
    %dma_start3A_262 = arith.constant 0 : i32
    %dma_start3A_263 = tpu.memref_slice %arg8[%dma_start3A_260, %dma_start3A_261, %dma_start3A_262] : memref<8x8x129xf32, #tpu.memory_space<vmem>> -> memref<8x8x128xf32, #tpu.memory_space<vmem>>
    %dma_start3A_264 = arith.constant 0 : i32
    %dma_start3A_265 = arith.constant 0 : i32
    %dma_start3A_266 = arith.constant 0 : i32
    %dma_start3A_267 = tpu.memref_slice %arg4[%select_n3A_256, %dma_start3A_264, %sub3A_259, %dma_start3A_265, %dma_start3A_266] : memref<200x8x32x8x128xf32, #tpu.memory_space<hbm>> -> memref<1x8x1x8x128xf32, #tpu.memory_space<hbm>>
    %dma_start3A_268 = tpu.memref_squeeze %dma_start3A_267 : memref<1x8x1x8x128xf32, #tpu.memory_space<hbm>> -> memref<8x8x128xf32, #tpu.memory_space<hbm>>
    %dma_start3A_269 = arith.constant 0 : i32
    %dma_start3A_270 = arith.constant 0 : i32
    %dma_start3A_271 = arith.constant 0 : i32
    %dma_start3A_272 = tpu.memref_slice %arg4[%select_n3A_256, %dma_start3A_269, %sub3A_259, %dma_start3A_270, %dma_start3A_271] : memref<200x8x32x8x128xf32, #tpu.memory_space<hbm>> -> memref<1x8x1x8x128xf32, #tpu.memory_space<hbm>>
    %dma_start3A_273 = tpu.memref_squeeze %dma_start3A_272 : memref<1x8x1x8x128xf32, #tpu.memory_space<hbm>> -> memref<8x8x128xf32, #tpu.memory_space<hbm>>
    %dma_start3A_274 = arith.constant 0 : i32
    %dma_start3A_275 = arith.constant 0 : i32
    %dma_start3A_276 = arith.constant 0 : i32
    %dma_start3A_277 = tpu.memref_slice %arg8[%dma_start3A_274, %dma_start3A_275, %dma_start3A_276] : memref<8x8x129xf32, #tpu.memory_space<vmem>> -> memref<8x8x128xf32, #tpu.memory_space<vmem>>
    tpu.enqueue_dma source(%dma_start3A_277 : memref<8x8x128xf32, #tpu.memory_space<vmem>>) target(%dma_start3A_273 : memref<8x8x128xf32, #tpu.memory_space<hbm>>) target_semaphore(%arg12 : memref<!tpu.dma_semaphore, #tpu.memory_space<semaphore_mem>>)
    %add3A_278 = arith.constant 197 : i32
    %add3A_279 = arith.addi %mul3A_2, %add3A_278 : i32
    %jit3A_280 = arith.constant 32 : i32
    %div3A_281 = arith.divsi %add3A_279, %jit3A_280 : i32
    %sign3A_282 = arith.constant 0 : i32
    %sign3A_283 = arith.cmpi sgt, %add3A_279, %sign3A_282 : i32
    %sign3A_284 = arith.extui %sign3A_283 : i1 to i32
    %sign3A_285 = arith.constant 0 : i32
    %sign3A_286 = arith.cmpi slt, %add3A_279, %sign3A_285 : i32
    %sign3A_287 = arith.extui %sign3A_286 : i1 to i32
    %sign3A_288 = arith.subi %sign3A_284, %sign3A_287 : i32
    %sign3A_289 = arith.constant 0 : i32
    %sign3A_290 = arith.cmpi sgt, %jit3A_280, %sign3A_289 : i32
    %sign3A_291 = arith.extui %sign3A_290 : i1 to i32
    %sign3A_292 = arith.constant 0 : i32
    %sign3A_293 = arith.cmpi slt, %jit3A_280, %sign3A_292 : i32
    %sign3A_294 = arith.extui %sign3A_293 : i1 to i32
    %sign3A_295 = arith.subi %sign3A_291, %sign3A_294 : i32
    %ne3A_296 = arith.cmpi ne, %sign3A_288, %sign3A_295 : i32
    %rem3A_297 = arith.remsi %add3A_279, %jit3A_280 : i32
    %ne3A_298 = arith.constant 0 : i32
    %ne3A_299 = arith.cmpi ne, %rem3A_297, %ne3A_298 : i32
    %and3A_300 = arith.andi %ne3A_296, %ne3A_299 : i1
    %sub3A_301 = arith.constant 1 : i32
    %sub3A_302 = arith.subi %div3A_281, %sub3A_301 : i32
    %select_n3A_303 = arith.select %and3A_300, %sub3A_302, %div3A_281 : i32
    %mul3A_304 = arith.constant 32 : i32
    %mul3A_305 = arith.muli %select_n3A_303, %mul3A_304 : i32
    %sub3A_306 = arith.subi %add3A_279, %mul3A_305 : i32
    %dma_wait3A_307 = arith.constant 0 : i32
    %dma_wait3A_308 = arith.constant 0 : i32
    %dma_wait3A_309 = arith.constant 0 : i32
    %dma_wait3A_310 = tpu.memref_slice %arg9[%dma_wait3A_307, %dma_wait3A_308, %dma_wait3A_309] : memref<8x8x129xf32, #tpu.memory_space<vmem>> -> memref<8x8x128xf32, #tpu.memory_space<vmem>>
    %dma_wait3A_311 = arith.constant 0 : i32
    %dma_wait3A_312 = arith.constant 0 : i32
    %dma_wait3A_313 = arith.constant 0 : i32
    %dma_wait3A_314 = tpu.memref_slice %arg4[%select_n3A_303, %dma_wait3A_311, %sub3A_306, %dma_wait3A_312, %dma_wait3A_313] : memref<200x8x32x8x128xf32, #tpu.memory_space<hbm>> -> memref<1x8x1x8x128xf32, #tpu.memory_space<hbm>>
    %dma_wait3A_315 = tpu.memref_squeeze %dma_wait3A_314 : memref<1x8x1x8x128xf32, #tpu.memory_space<hbm>> -> memref<8x8x128xf32, #tpu.memory_space<hbm>>
    %dma_wait3A_316 = arith.constant 0 : i32
    %dma_wait3A_317 = arith.constant 0 : i32
    %dma_wait3A_318 = arith.constant 0 : i32
    %dma_wait3A_319 = tpu.memref_slice %arg4[%select_n3A_303, %dma_wait3A_316, %sub3A_306, %dma_wait3A_317, %dma_wait3A_318] : memref<200x8x32x8x128xf32, #tpu.memory_space<hbm>> -> memref<1x8x1x8x128xf32, #tpu.memory_space<hbm>>
    %dma_wait3A_320 = tpu.memref_squeeze %dma_wait3A_319 : memref<1x8x1x8x128xf32, #tpu.memory_space<hbm>> -> memref<8x8x128xf32, #tpu.memory_space<hbm>>
    %dma_wait3A_321 = arith.constant 0 : i32
    %dma_wait3A_322 = arith.constant 0 : i32
    %dma_wait3A_323 = arith.constant 0 : i32
    %dma_wait3A_324 = tpu.memref_slice %arg9[%dma_wait3A_321, %dma_wait3A_322, %dma_wait3A_323] : memref<8x8x129xf32, #tpu.memory_space<vmem>> -> memref<8x8x128xf32, #tpu.memory_space<vmem>>
    tpu.wait_dma2 semaphore(%arg13 : memref<!tpu.dma_semaphore, #tpu.memory_space<semaphore_mem>>) src(%dma_wait3A_324 : memref<8x8x128xf32, #tpu.memory_space<vmem>>) dst(%dma_wait3A_320 : memref<8x8x128xf32, #tpu.memory_space<hbm>>)
    %dma_wait3A_325 = arith.constant 25472 : i32
    %dma_wait3A_326 = tpu.memref_slice %arg5[%dma_wait3A_325] : memref<25600xi32, #tpu.memory_space<vmem>> -> memref<128xi32, #tpu.memory_space<vmem>>
    %dma_wait3A_327 = arith.constant 0 : i32
    %dma_wait3A_328 = arith.constant 0 : i32
    %dma_wait3A_329 = tpu.memref_slice %arg2[%dma_wait3A_327, %dma_wait3A_328] : memref<1000000x64xf32, #tpu.memory_space<hbm>> -> memref<1000000x64xf32, #tpu.memory_space<hbm>>
    tpu.wait_indirect_dma semaphore(%arg11 : memref<!tpu.dma_semaphore, #tpu.memory_space<semaphore_mem>>) src(%dma_wait3A_329 : memref<1000000x64xf32, #tpu.memory_space<hbm>>) dst(%arg7 : memref<128x64xf32, #tpu.memory_space<vmem>>)
    %parallel_loop3A_330 = arith.constant 0 : i32
    %parallel_loop3A_331 = arith.constant 128 : i32
    %parallel_loop3A_332 = arith.constant 1 : i32
    scf.for %parallel_loop3A_474 = %parallel_loop3A_330 to %parallel_loop3A_331 step %parallel_loop3A_332  : i32 {
      %parallel_loop3A_475 = arith.constant 0 : i32
      %parallel_loop3A_476 = vector.broadcast %parallel_loop3A_475 : i32 to vector<16xi32>
      %parallel_loop3A_477 = vector.broadcast %parallel_loop3A_474 : i32 to vector<16xi32>
      %parallel_loop3A_478 = arith.addi %parallel_loop3A_476, %parallel_loop3A_477 : vector<16xi32>
      %parallel_loop3A_479 = arith.index_cast %parallel_loop3A_474 : i32 to index
      %parallel_loop3A_480 = arith.constant 0 : index
      %parallel_loop3A_481 = tpu.vector_load %arg7[%parallel_loop3A_479, %parallel_loop3A_480] {strides = array<i32>} : memref<128x64xf32, #tpu.memory_space<vmem>>, vector<16xf32>,
      tpu.vector_store_idx %arg9[%shift_right_arithmetic3A_9, %and3A_32, %parallel_loop3A_478], %parallel_loop3A_481 : memref<8x8x129xf32, #tpu.memory_space<vmem>>[vector<16xi32>, vector<16xi32>, vector<16xi32>], vector<16xf32>,
      %parallel_loop3A_482 = arith.index_cast %parallel_loop3A_474 : i32 to index
      %parallel_loop3A_483 = arith.constant 16 : index
      %parallel_loop3A_484 = tpu.vector_load %arg7[%parallel_loop3A_482, %parallel_loop3A_483] {strides = array<i32>} : memref<128x64xf32, #tpu.memory_space<vmem>>, vector<16xf32>,
      tpu.vector_store_idx %arg9[%shift_right_arithmetic3A_15, %and3A_38, %parallel_loop3A_478], %parallel_loop3A_484 : memref<8x8x129xf32, #tpu.memory_space<vmem>>[vector<16xi32>, vector<16xi32>, vector<16xi32>], vector<16xf32>,
      %parallel_loop3A_485 = arith.index_cast %parallel_loop3A_474 : i32 to index
      %parallel_loop3A_486 = arith.constant 32 : index
      %parallel_loop3A_487 = tpu.vector_load %arg7[%parallel_loop3A_485, %parallel_loop3A_486] {strides = array<i32>} : memref<128x64xf32, #tpu.memory_space<vmem>>, vector<16xf32>,
      tpu.vector_store_idx %arg9[%shift_right_arithmetic3A_21, %and3A_44, %parallel_loop3A_478], %parallel_loop3A_487 : memref<8x8x129xf32, #tpu.memory_space<vmem>>[vector<16xi32>, vector<16xi32>, vector<16xi32>], vector<16xf32>,
      %parallel_loop3A_488 = arith.index_cast %parallel_loop3A_474 : i32 to index
      %parallel_loop3A_489 = arith.constant 48 : index
      %parallel_loop3A_490 = tpu.vector_load %arg7[%parallel_loop3A_488, %parallel_loop3A_489] {strides = array<i32>} : memref<128x64xf32, #tpu.memory_space<vmem>>, vector<16xf32>,
      tpu.vector_store_idx %arg9[%shift_right_arithmetic3A_27, %and3A_50, %parallel_loop3A_478], %parallel_loop3A_490 : memref<8x8x129xf32, #tpu.memory_space<vmem>>[vector<16xi32>, vector<16xi32>, vector<16xi32>], vector<16xf32>,
    } {sc.loop_unroll_factor = 8 : i64, sc.parallel_access}
    %add3A_333 = arith.constant 199 : i32
    %add3A_334 = arith.addi %mul3A_2, %add3A_333 : i32
    %jit3A_335 = arith.constant 32 : i32
    %div3A_336 = arith.divsi %add3A_334, %jit3A_335 : i32
    %sign3A_337 = arith.constant 0 : i32
    %sign3A_338 = arith.cmpi sgt, %add3A_334, %sign3A_337 : i32
    %sign3A_339 = arith.extui %sign3A_338 : i1 to i32
    %sign3A_340 = arith.constant 0 : i32
    %sign3A_341 = arith.cmpi slt, %add3A_334, %sign3A_340 : i32
    %sign3A_342 = arith.extui %sign3A_341 : i1 to i32
    %sign3A_343 = arith.subi %sign3A_339, %sign3A_342 : i32
    %sign3A_344 = arith.constant 0 : i32
    %sign3A_345 = arith.cmpi sgt, %jit3A_335, %sign3A_344 : i32
    %sign3A_346 = arith.extui %sign3A_345 : i1 to i32
    %sign3A_347 = arith.constant 0 : i32
    %sign3A_348 = arith.cmpi slt, %jit3A_335, %sign3A_347 : i32
    %sign3A_349 = arith.extui %sign3A_348 : i1 to i32
    %sign3A_350 = arith.subi %sign3A_346, %sign3A_349 : i32
    %ne3A_351 = arith.cmpi ne, %sign3A_343, %sign3A_350 : i32
    %rem3A_352 = arith.remsi %add3A_334, %jit3A_335 : i32
    %ne3A_353 = arith.constant 0 : i32
    %ne3A_354 = arith.cmpi ne, %rem3A_352, %ne3A_353 : i32
    %and3A_355 = arith.andi %ne3A_351, %ne3A_354 : i1
    %sub3A_356 = arith.constant 1 : i32
    %sub3A_357 = arith.subi %div3A_336, %sub3A_356 : i32
    %select_n3A_358 = arith.select %and3A_355, %sub3A_357, %div3A_336 : i32
    %mul3A_359 = arith.constant 32 : i32
    %mul3A_360 = arith.muli %select_n3A_358, %mul3A_359 : i32
    %sub3A_361 = arith.subi %add3A_334, %mul3A_360 : i32
    %dma_start3A_362 = arith.constant 0 : i32
    %dma_start3A_363 = arith.constant 0 : i32
    %dma_start3A_364 = arith.constant 0 : i32
    %dma_start3A_365 = tpu.memref_slice %arg9[%dma_start3A_362, %dma_start3A_363, %dma_start3A_364] : memref<8x8x129xf32, #tpu.memory_space<vmem>> -> memref<8x8x128xf32, #tpu.memory_space<vmem>>
    %dma_start3A_366 = arith.constant 0 : i32
    %dma_start3A_367 = arith.constant 0 : i32
    %dma_start3A_368 = arith.constant 0 : i32
    %dma_start3A_369 = tpu.memref_slice %arg4[%select_n3A_358, %dma_start3A_366, %sub3A_361, %dma_start3A_367, %dma_start3A_368] : memref<200x8x32x8x128xf32, #tpu.memory_space<hbm>> -> memref<1x8x1x8x128xf32, #tpu.memory_space<hbm>>
    %dma_start3A_370 = tpu.memref_squeeze %dma_start3A_369 : memref<1x8x1x8x128xf32, #tpu.memory_space<hbm>> -> memref<8x8x128xf32, #tpu.memory_space<hbm>>
    %dma_start3A_371 = arith.constant 0 : i32
    %dma_start3A_372 = arith.constant 0 : i32
    %dma_start3A_373 = arith.constant 0 : i32
    %dma_start3A_374 = tpu.memref_slice %arg4[%select_n3A_358, %dma_start3A_371, %sub3A_361, %dma_start3A_372, %dma_start3A_373] : memref<200x8x32x8x128xf32, #tpu.memory_space<hbm>> -> memref<1x8x1x8x128xf32, #tpu.memory_space<hbm>>
    %dma_start3A_375 = tpu.memref_squeeze %dma_start3A_374 : memref<1x8x1x8x128xf32, #tpu.memory_space<hbm>> -> memref<8x8x128xf32, #tpu.memory_space<hbm>>
    %dma_start3A_376 = arith.constant 0 : i32
    %dma_start3A_377 = arith.constant 0 : i32
    %dma_start3A_378 = arith.constant 0 : i32
    %dma_start3A_379 = tpu.memref_slice %arg9[%dma_start3A_376, %dma_start3A_377, %dma_start3A_378] : memref<8x8x129xf32, #tpu.memory_space<vmem>> -> memref<8x8x128xf32, #tpu.memory_space<vmem>>
    tpu.enqueue_dma source(%dma_start3A_379 : memref<8x8x128xf32, #tpu.memory_space<vmem>>) target(%dma_start3A_375 : memref<8x8x128xf32, #tpu.memory_space<hbm>>) target_semaphore(%arg13 : memref<!tpu.dma_semaphore, #tpu.memory_space<semaphore_mem>>)
    %add3A_380 = arith.constant 198 : i32
    %add3A_381 = arith.addi %mul3A_2, %add3A_380 : i32
    %jit3A_382 = arith.constant 32 : i32
    %div3A_383 = arith.divsi %add3A_381, %jit3A_382 : i32
    %sign3A_384 = arith.constant 0 : i32
    %sign3A_385 = arith.cmpi sgt, %add3A_381, %sign3A_384 : i32
    %sign3A_386 = arith.extui %sign3A_385 : i1 to i32
    %sign3A_387 = arith.constant 0 : i32
    %sign3A_388 = arith.cmpi slt, %add3A_381, %sign3A_387 : i32
    %sign3A_389 = arith.extui %sign3A_388 : i1 to i32
    %sign3A_390 = arith.subi %sign3A_386, %sign3A_389 : i32
    %sign3A_391 = arith.constant 0 : i32
    %sign3A_392 = arith.cmpi sgt, %jit3A_382, %sign3A_391 : i32
    %sign3A_393 = arith.extui %sign3A_392 : i1 to i32
    %sign3A_394 = arith.constant 0 : i32
    %sign3A_395 = arith.cmpi slt, %jit3A_382, %sign3A_394 : i32
    %sign3A_396 = arith.extui %sign3A_395 : i1 to i32
    %sign3A_397 = arith.subi %sign3A_393, %sign3A_396 : i32
    %ne3A_398 = arith.cmpi ne, %sign3A_390, %sign3A_397 : i32
    %rem3A_399 = arith.remsi %add3A_381, %jit3A_382 : i32
    %ne3A_400 = arith.constant 0 : i32
    %ne3A_401 = arith.cmpi ne, %rem3A_399, %ne3A_400 : i32
    %and3A_402 = arith.andi %ne3A_398, %ne3A_401 : i1
    %sub3A_403 = arith.constant 1 : i32
    %sub3A_404 = arith.subi %div3A_383, %sub3A_403 : i32
    %select_n3A_405 = arith.select %and3A_402, %sub3A_404, %div3A_383 : i32
    %mul3A_406 = arith.constant 32 : i32
    %mul3A_407 = arith.muli %select_n3A_405, %mul3A_406 : i32
    %sub3A_408 = arith.subi %add3A_381, %mul3A_407 : i32
    %dma_wait3A_409 = arith.constant 0 : i32
    %dma_wait3A_410 = arith.constant 0 : i32
    %dma_wait3A_411 = arith.constant 0 : i32
    %dma_wait3A_412 = tpu.memref_slice %arg8[%dma_wait3A_409, %dma_wait3A_410, %dma_wait3A_411] : memref<8x8x129xf32, #tpu.memory_space<vmem>> -> memref<8x8x128xf32, #tpu.memory_space<vmem>>
    %dma_wait3A_413 = arith.constant 0 : i32
    %dma_wait3A_414 = arith.constant 0 : i32
    %dma_wait3A_415 = arith.constant 0 : i32
    %dma_wait3A_416 = tpu.memref_slice %arg4[%select_n3A_405, %dma_wait3A_413, %sub3A_408, %dma_wait3A_414, %dma_wait3A_415] : memref<200x8x32x8x128xf32, #tpu.memory_space<hbm>> -> memref<1x8x1x8x128xf32, #tpu.memory_space<hbm>>
    %dma_wait3A_417 = tpu.memref_squeeze %dma_wait3A_416 : memref<1x8x1x8x128xf32, #tpu.memory_space<hbm>> -> memref<8x8x128xf32, #tpu.memory_space<hbm>>
    %dma_wait3A_418 = arith.constant 0 : i32
    %dma_wait3A_419 = arith.constant 0 : i32
    %dma_wait3A_420 = arith.constant 0 : i32
    %dma_wait3A_421 = tpu.memref_slice %arg4[%select_n3A_405, %dma_wait3A_418, %sub3A_408, %dma_wait3A_419, %dma_wait3A_420] : memref<200x8x32x8x128xf32, #tpu.memory_space<hbm>> -> memref<1x8x1x8x128xf32, #tpu.memory_space<hbm>>
    %dma_wait3A_422 = tpu.memref_squeeze %dma_wait3A_421 : memref<1x8x1x8x128xf32, #tpu.memory_space<hbm>> -> memref<8x8x128xf32, #tpu.memory_space<hbm>>
    %dma_wait3A_423 = arith.constant 0 : i32
    %dma_wait3A_424 = arith.constant 0 : i32
    %dma_wait3A_425 = arith.constant 0 : i32
    %dma_wait3A_426 = tpu.memref_slice %arg8[%dma_wait3A_423, %dma_wait3A_424, %dma_wait3A_425] : memref<8x8x129xf32, #tpu.memory_space<vmem>> -> memref<8x8x128xf32, #tpu.memory_space<vmem>>
    tpu.wait_dma2 semaphore(%arg12 : memref<!tpu.dma_semaphore, #tpu.memory_space<semaphore_mem>>) src(%dma_wait3A_426 : memref<8x8x128xf32, #tpu.memory_space<vmem>>) dst(%dma_wait3A_422 : memref<8x8x128xf32, #tpu.memory_space<hbm>>)
    %add3A_427 = arith.constant 199 : i32
    %add3A_428 = arith.addi %mul3A_2, %add3A_427 : i32
    %jit3A_429 = arith.constant 32 : i32
    %div3A_430 = arith.divsi %add3A_428, %jit3A_429 : i32
    %sign3A_431 = arith.constant 0 : i32
    %sign3A_432 = arith.cmpi sgt, %add3A_428, %sign3A_431 : i32
    %sign3A_433 = arith.extui %sign3A_432 : i1 to i32
    %sign3A_434 = arith.constant 0 : i32
    %sign3A_435 = arith.cmpi slt, %add3A_428, %sign3A_434 : i32
    %sign3A_436 = arith.extui %sign3A_435 : i1 to i32
    %sign3A_437 = arith.subi %sign3A_433, %sign3A_436 : i32
    %sign3A_438 = arith.constant 0 : i32
    %sign3A_439 = arith.cmpi sgt, %jit3A_429, %sign3A_438 : i32
    %sign3A_440 = arith.extui %sign3A_439 : i1 to i32
    %sign3A_441 = arith.constant 0 : i32
    %sign3A_442 = arith.cmpi slt, %jit3A_429, %sign3A_441 : i32
    %sign3A_443 = arith.extui %sign3A_442 : i1 to i32
    %sign3A_444 = arith.subi %sign3A_440, %sign3A_443 : i32
    %ne3A_445 = arith.cmpi ne, %sign3A_437, %sign3A_444 : i32
    %rem3A_446 = arith.remsi %add3A_428, %jit3A_429 : i32
    %ne3A_447 = arith.constant 0 : i32
    %ne3A_448 = arith.cmpi ne, %rem3A_446, %ne3A_447 : i32
    %and3A_449 = arith.andi %ne3A_445, %ne3A_448 : i1
    %sub3A_450 = arith.constant 1 : i32
    %sub3A_451 = arith.subi %div3A_430, %sub3A_450 : i32
    %select_n3A_452 = arith.select %and3A_449, %sub3A_451, %div3A_430 : i32
    %mul3A_453 = arith.constant 32 : i32
    %mul3A_454 = arith.muli %select_n3A_452, %mul3A_453 : i32
    %sub3A_455 = arith.subi %add3A_428, %mul3A_454 : i32
    %dma_wait3A_456 = arith.constant 0 : i32
    %dma_wait3A_457 = arith.constant 0 : i32
    %dma_wait3A_458 = arith.constant 0 : i32
    %dma_wait3A_459 = tpu.memref_slice %arg9[%dma_wait3A_456, %dma_wait3A_457, %dma_wait3A_458] : memref<8x8x129xf32, #tpu.memory_space<vmem>> -> memref<8x8x128xf32, #tpu.memory_space<vmem>>
    %dma_wait3A_460 = arith.constant 0 : i32
    %dma_wait3A_461 = arith.constant 0 : i32
    %dma_wait3A_462 = arith.constant 0 : i32
    %dma_wait3A_463 = tpu.memref_slice %arg4[%select_n3A_452, %dma_wait3A_460, %sub3A_455, %dma_wait3A_461, %dma_wait3A_462] : memref<200x8x32x8x128xf32, #tpu.memory_space<hbm>> -> memref<1x8x1x8x128xf32, #tpu.memory_space<hbm>>
    %dma_wait3A_464 = tpu.memref_squeeze %dma_wait3A_463 : memref<1x8x1x8x128xf32, #tpu.memory_space<hbm>> -> memref<8x8x128xf32, #tpu.memory_space<hbm>>
    %dma_wait3A_465 = arith.constant 0 : i32
    %dma_wait3A_466 = arith.constant 0 : i32
    %dma_wait3A_467 = arith.constant 0 : i32
    %dma_wait3A_468 = tpu.memref_slice %arg4[%select_n3A_452, %dma_wait3A_465, %sub3A_455, %dma_wait3A_466, %dma_wait3A_467] : memref<200x8x32x8x128xf32, #tpu.memory_space<hbm>> -> memref<1x8x1x8x128xf32, #tpu.memory_space<hbm>>
    %dma_wait3A_469 = tpu.memref_squeeze %dma_wait3A_468 : memref<1x8x1x8x128xf32, #tpu.memory_space<hbm>> -> memref<8x8x128xf32, #tpu.memory_space<hbm>>
    %dma_wait3A_470 = arith.constant 0 : i32
    %dma_wait3A_471 = arith.constant 0 : i32
    %dma_wait3A_472 = arith.constant 0 : i32
    %dma_wait3A_473 = tpu.memref_slice %arg9[%dma_wait3A_470, %dma_wait3A_471, %dma_wait3A_472] : memref<8x8x129xf32, #tpu.memory_space<vmem>> -> memref<8x8x128xf32, #tpu.memory_space<vmem>>
    tpu.wait_dma2 semaphore(%arg13 : memref<!tpu.dma_semaphore, #tpu.memory_space<semaphore_mem>>) src(%dma_wait3A_473 : memref<8x8x128xf32, #tpu.memory_space<vmem>>) dst(%dma_wait3A_469 : memref<8x8x128xf32, #tpu.memory_space<hbm>>)
    return
  }
}

</mosaic_0001>

<sc_bundles>
// kernel: kernel.3.cloned.1.call-start
scs
__scs_entry_jumppad:
0x0: {  	(pc) =	sbr.rel $0x88, $3  }
0x1: {  	(tag) =	ssettag $0x0;
	lr =	simm.s32 $0x1  }
0x2: {  	[smem:$0x3F9F] =	sst lr;
	_ =	strace $0xD0000000  }
0x3: {  	_ = 	snop  }
0x4: {  	_ = 	snop  }
0x5: {  	_ = 	snop  }
0x6: {  	_ = 	snop  }
0x7: {  	_ = 	snop  }
__scs_overlays_trampoline_lowered:
0x8: {  	[smem:$0x3FAE] =	sst s0  }
0x9: {  	[smem:$0x3FAF] =	sst s1  }
0xa: {  	[smem:$0x3FB0] =	sst s2  }
0xb: {  	[smem:$0x3FB1] =	sst s3  }
0xc: {  	[smem:$0x3FB2] =	sst s4  }
0xd: {  	[smem:$0x3FB3] =	sst s5  }
0xe: {  	[smem:$0x3FB4] =	sst s6  }
0xf: {  	[smem:$0x3FB5] =	sst s7  }
0x10: {  	[smem:$0x3FB6] =	sst s8  }
0x11: {  	[smem:$0x3FB7] =	sst s9;
	s0 =	simm.s32 @!p0 $0x0  }
0x12: {  	s1 =	sld [smem:$0x3F9D];
	s0 =	simm.s32 @p0 $0x1  }
0x13: {  	[smem:$0x3FB8] =	sst s0;
	s0 =	simm.s32 @!p1 $0x0  }
0x14: {  	s2 =	sld [smem:$0x3F9C];
	s0 =	simm.s32 @p1 $0x1  }
0x15: {  	[smem:$0x3FB9] =	sst s0;
	s0 =	simm.s32 @!p2 $0x0  }
0x16: {  	s3 =	sld [smem:$0x3FDB];
	s0 =	simm.s32 @p2 $0x1  }
0x17: {  	s4 =	simm.s32 $0x1BF5;
	[smem:$0x3FBB] =	sst s0  }
0x18: {  	s0 =	sld [smem:$0x3F9E];
	_ =	swait.ge [sflag:s4], $0x0  }
0x19: {  	s7 =	sld [smem:$0x3F9F]  }
0x1a: {  	s8 =	sadd.s32 $0xFFFFE003, lr  }
0x1b: {  	s9 =	sadd.s32 $0xFFFFFEF7, lr;
	s5 =	simm.s32 $0xFFFFFFFF;
	p2 =	slt.u32 s8, $0xFFFFF086  }
0x1c: {  	p1 =	slt.u32 s9, $0xF7A;
	s5 =	simm.s32 @!p2 $0x0  }
0x1d: {  	s5 =	simm.s32 @p1 $0x1;
	p0 =	seq.s32 s7, s2  }
0x1e: {  	s7 =	smul.u32 @!p0 $0xF7A, s2;
	p2 =	seq.s32 @!p0 s5, $0x0  }
0x1f: {  	s9 =	smul.u32 $0xF7A, s1;
	s8 =	simm.s32 @!p0 $0x1BF5;
	p2 =	por !p2, p0  }
0x20: {  	[sflag:s8] =	ssyncset.s32 @!p0 $0xFFFFF086;
	s6 =	sadd.s32 @!p0 s3, s7;
	s7 =	simm.s32 @!p0 $0x108  }
0x21: {  	s3 =	sadd.s32 s3, s9;
	s6 =	sadd.s32 @!p0 $0x88, s6;
	s7 =	simm.s32 @p2 $0x1082  }
0x22: {  	[simem:s7], [sflag:s8] =	dma.local @!p0 [hbm:s6], $0xF7A  }
0x23: {  	s9 =	sor.u32 $0xD0000000, s2;
	s6 =	simm.s32 $0x108;
	_ =	swait.ge @!p0 [sflag:s8], $0x0  }
0x24: {  	s3 =	sadd.s32 $0x88, s3;
	s6 =	simm.s32 @!p1 $0x1082;
	[sflag:s4] =	ssyncset.s32 $0xFFFFF086  }
0x25: {  	[simem:s6], [sflag:s4] =	dma.local [hbm:s3], $0xF7A  }
0x26: {  	[smem:$0x3F9F] =	sst s1;
	(tag) =	ssettag s2;
	_ =	strace s9  }
0x27: {  	s1 =	sld [smem:$0x3FAF]  }
0x28: {  	s2 =	sld [smem:$0x3FB0]  }
0x29: {  	s4 =	sld [smem:$0x3FB2]  }
0x2a: {  	p0 =	seq.s32 s5, $0x0;
	s5 =	sld [smem:$0x3FB3]  }
0x2b: {  	s6 =	sld [smem:$0x3FB4]  }
0x2c: {  	s7 =	sld [smem:$0x3FB5]  }
0x2d: {  	s3 =	simm.s32 $0x108;
	s8 =	sld [smem:$0x3FB6]  }
0x2e: {  	s3 =	simm.s32 @!p0 $0x1082;
	s9 =	sld [smem:$0x3FB7]  }
0x2f: {  	lr =	sadd.s32 s0, s3;
	s0 =	sld [smem:$0x3FAE]  }
0x30: {  	s3 =	sld [smem:$0x3FB1]  }
0x31: {  	[smem:$0x3FBA] =	sst s10  }
0x32: {  	s10 =	sld [smem:$0x3FB8];
	_ =	sdelay $0x3  }
0x33: {  	p0 =	seq.s32 s10, $0x1;
	s10 =	sld [smem:$0x3FBA];
	_ =	sdelay $0x3  }
0x34: {  	[smem:$0x3FBA] =	sst s10  }
0x35: {  	s10 =	sld [smem:$0x3FB9];
	_ =	sdelay $0x3  }
0x36: {  	p1 =	seq.s32 s10, $0x1;
	s10 =	sld [smem:$0x3FBA];
	_ =	sdelay $0x3  }
0x37: {  	[smem:$0x3FBA] =	sst s10  }
0x38: {  	s10 =	sld [smem:$0x3FBB]  }
0x39: {  	_ = 	snop;
	(pc) =	sbr.ind lr, $3  }
0x3a: {  	_ = 	snop  }
0x3b: {  	_ = 	snop  }
0x3c: {  	p2 =	seq.s32 s10, $0x1;
	s10 =	sld [smem:$0x3FBA]  }
0x3d: {  	_ =	shalt  }
0x3e: {  	_ =	shalt  }
0x3f: {  	_ =	shalt  }
0x40: {  	_ =	shalt  }
0x41: {  	_ =	shalt  }
0x42: {  	_ =	shalt  }
0x43: {  	_ =	shalt  }
0x44: {  	_ =	shalt  }
0x45: {  	_ =	shalt  }
0x46: {  	_ =	shalt  }
0x47: {  	_ =	shalt  }
0x48: {  	_ =	shalt  }
0x49: {  	_ =	shalt  }
0x4a: {  	_ =	shalt  }
0x4b: {  	_ =	shalt  }
0x4c: {  	_ =	shalt  }
0x4d: {  	_ =	shalt  }
0x4e: {  	_ =	shalt  }
0x4f: {  	_ =	shalt  }
0x50: {  	_ =	shalt  }
0x51: {  	_ =	shalt  }
0x52: {  	_ =	shalt  }
0x53: {  	_ =	shalt  }
0x54: {  	_ =	shalt  }
0x55: {  	_ =	shalt  }
0x56: {  	_ =	shalt  }
0x57: {  	_ =	shalt  }
0x58: {  	_ =	shalt  }
0x59: {  	_ =	shalt  }
0x5a: {  	_ =	shalt  }
0x5b: {  	_ =	shalt  }
0x5c: {  	_ =	shalt  }
0x5d: {  	_ =	shalt  }
0x5e: {  	_ =	shalt  }
0x5f: {  	_ =	shalt  }
0x60: {  	_ =	shalt  }
0x61: {  	_ =	shalt  }
0x62: {  	_ =	shalt  }
0x63: {  	_ =	shalt  }
0x64: {  	_ =	shalt  }
0x65: {  	_ =	shalt  }
0x66: {  	_ =	shalt  }
0x67: {  	_ =	shalt  }
0x68: {  	_ =	shalt  }
0x69: {  	_ =	shalt  }
0x6a: {  	_ =	shalt  }
0x6b: {  	_ =	shalt  }
0x6c: {  	_ =	shalt  }
0x6d: {  	_ =	shalt  }
0x6e: {  	_ =	shalt  }
0x6f: {  	_ =	shalt  }
0x70: {  	_ =	shalt  }
0x71: {  	_ =	shalt  }
0x72: {  	_ =	shalt  }
0x73: {  	_ =	shalt  }
0x74: {  	_ =	shalt  }
0x75: {  	_ =	shalt  }
0x76: {  	_ =	shalt  }
0x77: {  	_ =	shalt  }
0x78: {  	_ =	shalt  }
0x79: {  	_ =	shalt  }
0x7a: {  	_ =	shalt  }
0x7b: {  	_ =	shalt  }
0x7c: {  	_ =	shalt  }
0x7d: {  	_ =	shalt  }
0x7e: {  	_ =	shalt  }
0x7f: {  	_ =	shalt  }
0x80: {  	_ =	shalt  }
0x81: {  	_ =	shalt  }
0x82: {  	_ =	shalt  }
0x83: {  	_ =	shalt  }
0x84: {  	_ =	shalt  }
0x85: {  	_ =	shalt  }
0x86: {  	_ =	shalt  }
0x87: {  	_ =	shalt  }
.Lfunc_end0:
.L_simem_size_0:
called_computation_lowered:
.L_overlay_start_0:
0x88: {  	s2 =	sld [smem:$0x3FD9]  }
0x89: {  	s3 =	sld [smem:$0x3FFE];
	_ =	sdelay $0x1  }
0x8a: {  	s1 =	srdreg.scid  }
0x8b: {  	s0 =	sand.u32 $0x1, s1  }
0x8c: {  	s17 =	sshll.u32 s0, $0xA;
	s2 =	sadd.s32 s3, s2  }
0x8d: {  	s2 =	sadd.s32 s2, s17  }
0x8e: {  	[smem:$0x3FC6] =	sst s2  }
0x8f: {  	_ = 	snop  }
0x90: {  	s2 =	sld [smem:$0x3FD0];
	(tm) =	ssettm $0x1  }
0x91: {  	s18 =	sld [smem:$0x3FFB];
	_ =	sdelay $0x3  }
0x92: {  	_ =	strace s18  }
0x93: {  	s3 =	sld [smem:$0x3FFC];
	_ =	sdelay $0x3  }
0x94: {  	_ =	strace s3  }
0x95: {  	s3 =	sld [smem:$0x3FFD];
	_ =	sdelay $0x3  }
0x96: {  	_ =	strace s3  }
0x97: {  	_ =	strace $0x8FFFFFFF  }
0x98: {  	s19 =	sld [smem:$0x3FDB];
	_ =	sdelay $0x1  }
0x99: {  	s4 =	simm.s32 $_scs_section_size  }
0x9a: {  	s5 =	simm.s32 $_size__tile_overlayer_lowered;
	s6 =	simm.s32 $_tile_overlayer_lowered  }
0x9b: {  	s22 =	simm.s32 $0x1BFF;
	s21 =	sshll.u32 s6, $0x1;
	s3 =	sadd.s32 s4, s19  }
0x9c: {  	s7 =	simm.s32 $0x0;
	s20 =	sshll.u32 s5, $0x1;
	s5 =	sadd.s32 s21, s3  }
0x9d: {  	[timem:s7], [sflag:s22] =	dma.local [hbm:s5], s20  }
0x9e: {  	_ =	swait.ge [sflag:s22], s20  }
0x9f: {  	s4 =	ssub.s32 $0x0, s20;
	[sflag:s22] =	ssyncset.done $0x0  }
0xa0: {  	[sflag:s22] =	ssyncadd.s32 s4;
	_ =	sdelay $0x1  }
0xa1: {  	s23 =	simm.s32 $0x1B8B  }
0xa2: {  	_ =	swait.ge [sflag:s23], $0x1  }
0xa3: {  	[sflag:s23] =	ssyncset.done $0x0  }
0xa4: {  	s25 =	simm.s32 $0x1B8E;
	s24 =	sld [smem:$0x3FFE];
	[sflag:s23] =	ssyncadd.s32 $0xFFFFFFFF  }
0xa5: {  	s26 =	simm.s32 $execute0_lowered;
	[smem:$0x3FD2] =	sst s25  }
0xa6: {  	s5 =	sshll.u32 s26, $0x1;
	_ =	strace $0x80000046;
	[dreg:$0x1] =	wrdreg $0xFFFFFFFF  }
0xa7: {  	s28 =	simm.s32 $_size_execute0_lowered;
	s3 =	sadd.s32 s3, s5;
	[dreg:$0x0] =	wrdreg $0x0  }
0xa8: {  	s5 =	sshll.u32 s28, $0x1;
	[dreg:$0x2] =	wrdreg s3  }
0xa9: {  	[dreg:$0x3] =	wrdreg s5  }
0xaa: {  	[dreg:$0x4] =	wrdreg $0xC0  }
0xab: {  	_ =	task [dreg:s7], $0x5FFFF  }
0xac: {  	[dreg:$0x1] =	wrdreg $0xFFFFFFFF  }
0xad: {  	[dreg:$0x0] =	wrdreg $0x60  }
0xae: {  	[dreg:$0x2] =	wrdreg s24  }
0xaf: {  	[dreg:$0x3] =	wrdreg s2  }
0xb0: {  	[dreg:$0x4] =	wrdreg $0x9  }
0xb1: {  	_ =	task.clear_ibuf [dreg:s7], $0x5FFFF;
	_ =	strace $0x90000046  }
0xb2: {  	s29 =	simm.s32 $0x9;
	_ =	strace $0x80000048  }
0xb3: {  	_ =	swait.ge [sflag:s29], $0x1  }
0xb4: {  	[sflag:s29] =	ssyncadd.s32 $0xFFFFFFFF  }
0xb5: {  	_ =	strace $0x90000048  }
0xb6: {  	_ =	sfence  }
0xb7: {  	s30 =	sld [smem:$0x0];
	_ =	sdelay $0x2  }
0xb8: {  	s31 =	sshll.u32 s1, $0xD;
	s1 =	sshrl.u32 s1, $0x2  }
0xb9: {  	s3 =	sand.u32 $0x4000, s31;
	s1 =	sadd.s32 s1, s30  }
0xba: {  	s0 =	sor.u32 s3, s0;
	s1 =	sshll.u32 s1, $0x11  }
0xbb: {  	s0 =	sor.u32 s1, s0  }
0xbc: {  	s0 =	sadd.s32 $0x8F2B, s0  }
0xbd: {  	[sflag:s0] =	ssyncadd.remote.s32 $0x1  }
0xbe: {  	_ =	sfence.sel $0xFFFF  }
0xbf: {  	[dreg:$0x0] =	wrdreg $0xFFFFFFFF;
	(pc) =	sbr.abs _section_cstart, $3  }
0xc0: {  	[dreg:$0x1] =	wrdreg $0xFFFFFFFF  }
0xc1: {  	_ =	task.clear_ibuf [dreg:s7], $0x2FFFF;
	_ =	strace $0x9FFFFFFF  }
0xc2: {  	(tm) =	ssettm $0x7FFFFFFF  }
0xc3: {  	_ =	shalt  }
tec
execute0_lowered:
.L_overlay_start_1:
0x0: {  	(tag) =	ssettag $0x1  }
0x1: {  	s1 =	srdreg.scid  }
0x2: {  	s0 =	stileid.u32;
	s6 =	rddreg [dreg:$0x0]  }
0x3: {  	s2 =	rddreg [dreg:$0x1];
	s14 =	simm.s32 $0x6400;
	s15 =	simm.s32 $0x8400  }
0x4: {  	s16 =	simm.s32 $0x1;
	s17 =	simm.s32 $0xA400;
	s19 =	simm.s32 $0x2  }
0x5: {  	s20 =	simm.s32 $0xC600;
	s1 =	sand.u32 $0x1, s1;
	s3 =	sshll.u32 s0, $0x1  }
0x6: {  	s21 =	simm.s32 $0x180;
	s22 =	simm.s32 $0x3;
	s7 =	sor.u32 s1, s3  }
0x7: {  	s23 =	simm.s32 $0x4;
	s5 =	sadd.s32 $0xF42A00, s6;
	s4 =	smul.u32 $0xC8, s7  }
0x8: {  	v0 =	vlaneseq.u32;
	s3 =	simm.s32 $0x0;
	s1 =	ssub.s32 $0x2, s1;
	s9 =	smul.u32 $0x32000, s7  }
0x9: {  	v0 =	vmul.u32 $0x88, v0;
	[smem:$0x7FF] =	sst s3;
	s7 =	smul.u32 $0xC80, s7;
	s24 =	sshrl.u32 s1, $0x1  }
0xa: {  	v1 =	vimm.s32 $0x0;
	vm0 =	vcmask $0x300;
	_ =	strace $0x80000047;
	s1 =	ssub.s32 s1, s24;
	s24 =	simm.s32 $0x0  }
0xb: {  	v1 =	vsel vm0, $0x3, v1;
	v2 =	vadd.s32 $0x880, v0;
	s8 =	sshrl.u32 s4, $0x5;
	s6 =	sadd.s32 s7, s6;
	s26 =	sadd.s32 $0xC6, s4  }
0xc: {  	v3 =	vadd.s32 $0x1100, v0;
	v4 =	vadd.s32 $0x1980, v0;
	v5 =	vor.u32 $0x1, v0;
	s12 =	sadd.s32 $0xC7, s4;
	s10 =	sshll.u32 s8, $0xF;
	s8 =	sshll.u32 s8, $0x12  }
0xd: {  	v6 =	vadd.s32 $0x881, v0;
	v7 =	vadd.s32 $0x1101, v0;
	v8 =	vadd.s32 $0x1981, v0;
	s6 =	sadd.s32 $0x600, s6;
	s28 =	sshrl.u32 s26, $0x5;
	s13 =	sshrl.u32 s12, $0x5  }
0xe: {  	v9 =	vor.u32 $0x2, v0;
	v10 =	vadd.s32 $0x882, v0;
	v11 =	vadd.s32 $0x1102, v0;
	s29 =	sshll.u32 s12, $0xA;
	s12 =	simm.s32 $0x5;
	s9 =	ssub.s32 s9, s10  }
0xf: {  	v12 =	vadd.s32 $0x1982, v0;
	v13 =	vor.u32 $0x3, v0;
	v14 =	vadd.s32 $0x883, v0;
	s11 =	sshll.u32 s28, $0x12;
	s10 =	sshll.u32 s28, $0xF;
	s30 =	sshll.u32 s13, $0xF  }
0x10: {  	v15 =	vadd.s32 $0x1103, v0;
	v16 =	vadd.s32 $0x1983, v0;
	v17 =	vor.u32 $0x4, v0;
	s31 =	sshll.u32 s13, $0x12;
	s13 =	simm.s32 $0x80;
	s8 =	sadd.s32 s8, s9  }
0x11: {  	v18 =	vadd.s32 $0x884, v0;
	v19 =	vadd.s32 $0x1104, v0;
	v20 =	vadd.s32 $0x1984, v0;
	s9 =	sshll.u32 s26, $0xA;
	s25 =	sshrl.u32 s8, $0x3;
	s8 =	sor.u32 $0x400, s8  }
0x12: {  	v21 =	vor.u32 $0x5, v0;
	v22 =	vadd.s32 $0x885, v0;
	v23 =	vadd.s32 $0x1105, v0;
	s9 =	ssub.s32 s9, s10;
	s10 =	ssub.s32 s29, s30;
	s7 =	sadd.s32 s2, s25  }
0x13: {  	v24 =	vadd.s32 $0x1985, v0;
	v25 =	vor.u32 $0x6, v0;
	v26 =	vadd.s32 $0x886, v0;
	s9 =	sadd.s32 s11, s9;
	s8 =	sshrl.u32 s8, $0x3;
	s10 =	sadd.s32 s31, s10  }
0x14: {  	v27 =	vadd.s32 $0x1106, v0;
	v28 =	vadd.s32 $0x1986, v0;
	v29 =	vor.u32 $0x7, v0;
	s11 =	smax.u32 s1, $0x1;
	s9 =	sshrl.u32 s9, $0x3;
	s10 =	sshrl.u32 s10, $0x3  }
0x15: {  	v30 =	vadd.s32 $0x887, v0;
	v31 =	vadd.s32 $0x1107, v0;
	v32 =	vadd.s32 $0x1987, v0;
	s8 =	sadd.s32 s2, s8;
	s9 =	sadd.s32 s2, s9;
	s10 =	sadd.s32 s2, s10  }
.LBB2_1:
0x16: {  	[tilespmem:s3], [sflag:$0x5] =	stream.linear.gather [hbm4b:s6+s3], $0x6400, $0x38;
	[tilespmem:$0xE800] =	vst v63  }
0x17: {  	s1 =	simm.s32 $0x1  }
0x18: {  	s25 =	simm.s32 $0x2;
	s31 =	simm.s32 $0x3;
	_ =	swait.ge [sflag:s12], $0x6400  }
0x19: {  	s0 =	simm.s32 $0x4;
	s26 =	simm.s32 $0x7;
	[sflag:s12] =	ssyncset.done $0x0  }
0x1a: {  	v33 =	vmov s3;
	s18 =	simm.s32 $0x5;
	s29 =	simm.s32 $0x6;
	v34 =	vmov s1;
	v35 =	vmov s25;
	[sflag:s12] =	ssyncadd.s32 $0xFFFF9C00  }
0x1b: {  	v33 =	vshrl.u32 v33, $0x3;
	v36 =	vmov s31;
	v37 =	vmov s0;
	[tilespmem:s14], [sflag:$0x1] =	stream.indirect.gather [hbm4b:s5+s13], $0x40, s3, s13, $0xb8;
	[tilespmem:$0xE800] =	vst v63  }
0x1c: {  	v38 =	vmov s26;
	v39 =	vmov s18;
	v40 =	vmov s29  }
0x1d: {  	v33 =	vshll.u32 v33, v1;
	v38 =	vshrl.u32 v38, $0x3;
	v34 =	vshrl.u32 v34, $0x3;
	[tilespmem:s15], [sflag:$0x2] =	stream.indirect.gather [hbm4b:s5+s13], $0x40, s13, s13, $0xb8;
	[tilespmem:$0xE800] =	vst v63  }
0x1e: {  	v35 =	vshrl.u32 v35, $0x3;
	v36 =	vshrl.u32 v36, $0x3;
	v38 =	vshll.u32 v38, v1;
	_ =	swait.ge [sflag:s16], $0x2000  }
0x1f: {  	v37 =	vshrl.u32 v37, $0x3;
	v55 =	vshrl.u32 v39, $0x3;
	v38 =	vbroadcast v38, $0x0;
	[sflag:s16] =	ssyncset.done $0x0  }
0x20: {  	s25 =	simm.s32 $0x6500;
	v40 =	vshrl.u32 v40, $0x3;
	v33 =	vbroadcast v33, $0x0;
	v34 =	vshll.u32 v34, v1;
	[sflag:s16] =	ssyncadd.s32 $0xFFFFE000  }
0x21: {  	v52 =	vshll.u32 v35, v1;
	v45 =	vbroadcast v34, $0x0;
	v42 =	vadd.s32 v29, v38;
	v41 =	vld [tilespmem:s25+$0xC0]  }
0x22: {  	v53 =	vshll.u32 v36, v1;
	v52 =	vbroadcast v52, $0x0;
	v44 =	vadd.s32 v0, v33;
	v43 =	vld [tilespmem:s25+$0xFFFFFF00]  }
0x23: {  	v54 =	vshll.u32 v37, v1;
	v35 =	vbroadcast v53, $0x0;
	v47 =	vadd.s32 v5, v45;
	v46 =	vld [tilespmem:s25+$0xFFFFFF40]  }
0x24: {  	v36 =	vshll.u32 v55, v1;
	v34 =	vbroadcast v54, $0x0;
	v49 =	vadd.s32 v9, v52;
	v48 =	vld [tilespmem:s25+$0xFFFFFF80]  }
0x25: {  	v56 =	vshll.u32 v40, v1;
	v37 =	vbroadcast v36, $0x0;
	v50 =	vadd.s32 v13, v35;
	v39 =	vld [tilespmem:s25+$0xFFFFFFC0]  }
0x26: {  	v36 =	vbroadcast v56, $0x0;
	v53 =	vadd.s32 v17, v34;
	v51 =	vld [tilespmem:s25+$0x0];
	[tilespmem:v42+s17+$0x0] =	vst.idx.msk $0xffff, v41  }
0x27: {  	v60 =	vadd.s32 v21, v37;
	v59 =	vld [tilespmem:s25+$0x40];
	[tilespmem:v44+s17+$0x0] =	vst.idx.msk $0xffff, v43  }
0x28: {  	v62 =	vadd.s32 v25, v36;
	v61 =	vld [tilespmem:s25+$0x80];
	[tilespmem:v47+s17+$0x0] =	vst.idx.msk $0xffff, v46  }
0x29: {  	v58 =	vadd.s32 v30, v38;
	[tilespmem:v49+s17+$0x0] =	vst.idx.msk $0xffff, v48;
	v57 =	vld [tilespmem:s25+$0xD0]  }
0x2a: {  	v63 =	vadd.s32 v6, v45;
	[tilespmem:v50+s17+$0x0] =	vst.idx.msk $0xffff, v39;
	v47 =	vld [tilespmem:s25+$0xFFFFFF50]  }
0x2b: {  	v55 =	vadd.s32 v10, v52;
	[tilespmem:v53+s17+$0x0] =	vst.idx.msk $0xffff, v51;
	v54 =	vld [tilespmem:s25+$0xFFFFFF90]  }
0x2c: {  	v56 =	vadd.s32 v14, v35;
	[tilespmem:v60+s17+$0x0] =	vst.idx.msk $0xffff, v59;
	v50 =	vld [tilespmem:s25+$0xFFFFFFD0]  }
0x2d: {  	[tilespmem:v62+s17+$0x0] =	vst.idx.msk $0xffff, v61;
	v46 =	vadd.s32 v22, v37;
	v44 =	vld [tilespmem:s25+$0x50]  }
0x2e: {  	v59 =	vadd.s32 v18, v34;
	[tilespmem:v58+s17+$0x0] =	vst.idx.msk $0xffff, v57;
	v58 =	vld [tilespmem:s25+$0x10]  }
0x2f: {  	v57 =	vadd.s32 v31, v38;
	[tilespmem:v63+s17+$0x0] =	vst.idx.msk $0xffff, v47;
	v40 =	vld [tilespmem:s25+$0xE0]  }
0x30: {  	v60 =	vadd.s32 v26, v36;
	[tilespmem:v55+s17+$0x0] =	vst.idx.msk $0xffff, v54;
	v63 =	vld [tilespmem:s25+$0x90]  }
0x31: {  	v62 =	vadd.s32 v2, v33;
	v61 =	vld [tilespmem:s25+$0xFFFFFF10];
	[tilespmem:v56+s17+$0x0] =	vst.idx.msk $0xffff, v50  }
0x32: {  	v51 =	vadd.s32 v7, v45;
	[tilespmem:v46+s17+$0x0] =	vst.idx.msk $0xffff, v44;
	v50 =	vld [tilespmem:s25+$0xFFFFFF60]  }
0x33: {  	v56 =	vadd.s32 v11, v52;
	v55 =	vld [tilespmem:s25+$0xFFFFFFA0];
	[tilespmem:v59+s17+$0x0] =	vst.idx.msk $0xffff, v58  }
0x34: {  	v58 =	vadd.s32 v15, v35;
	[tilespmem:v57+s17+$0x0] =	vst.idx.msk $0xffff, v40;
	v57 =	vld [tilespmem:s25+$0xFFFFFFE0]  }
0x35: {  	[tilespmem:v60+s17+$0x0] =	vst.idx.msk $0xffff, v63;
	v60 =	vadd.s32 v19, v34;
	v59 =	vld [tilespmem:s25+$0x20]  }
0x36: {  	s31 =	simm.s32 $0x9;
	v38 =	vadd.s32 v32, v38;
	[tilespmem:v62+s17+$0x0] =	vst.idx.msk $0xffff, v61;
	v54 =	vld [tilespmem:s25+$0xF0]  }
0x37: {  	s30 =	simm.s32 $0x8;
	v41 =	vadd.s32 v23, v37;
	v53 =	vmov s31;
	[tilespmem:v51+s17+$0x0] =	vst.idx.msk $0xffff, v50;
	v40 =	vld [tilespmem:s25+$0x60]  }
0x38: {  	s18 =	simm.s32 $0xB;
	s29 =	simm.s32 $0xC;
	v43 =	vadd.s32 v27, v36;
	v48 =	vadd.s32 v3, v33;
	v63 =	vmov s30;
	v42 =	vld [tilespmem:s25+$0xA0];
	[tilespmem:v56+s17+$0x0] =	vst.idx.msk $0xffff, v55  }
0x39: {  	s31 =	simm.s32 $0xE;
	v44 =	vmov s18;
	v47 =	vmov s29;
	v46 =	vld [tilespmem:s25+$0xFFFFFF20];
	v39 =	vshrl.u32 v63, $0x3;
	[tilespmem:v58+s17+$0x0] =	vst.idx.msk $0xffff, v57  }
0x3a: {  	s0 =	simm.s32 $0xA;
	s30 =	simm.s32 $0xD;
	v51 =	vadd.s32 v8, v45;
	v49 =	vld [tilespmem:s25+$0xFFFFFF70];
	v45 =	vshll.u32 v39, v1;
	v39 =	vmov s31;
	[tilespmem:v60+s17+$0x0] =	vst.idx.msk $0xffff, v59  }
0x3b: {  	s28 =	simm.s32 $0xF;
	s26 =	simm.s32 $0x10;
	v52 =	vadd.s32 v12, v52;
	v50 =	vld [tilespmem:s25+$0xFFFFFFB0];
	[tilespmem:v38+s17+$0x0] =	vst.idx.msk $0xffff, v54;
	v54 =	vmov s0;
	v38 =	vmov s30  }
.LBB2_2:
0x3c: {  	p0 =	slt.u32 s26, $0x78;
	v53 =	vshrl.u32 v53, $0x3;
	v55 =	vmov s28;
	v56 =	vld [tilespmem:s25+$0xFFFFFFF0];
	v35 =	vadd.s32 v16, v35;
	[tilespmem:v41+s17+$0x0] =	vst.idx.msk $0xffff, v40  }
0x3d: {  	v40 =	vshrl.u32 v54, $0x3;
	v34 =	vadd.s32 v20, v34;
	v41 =	vshrl.u32 v55, $0x3;
	v54 =	vld [tilespmem:s25+$0x30];
	[tilespmem:v43+s17+$0x0] =	vst.idx.msk $0xffff, v42  }
0x3e: {  	v37 =	vadd.s32 v24, v37;
	v42 =	vshrl.u32 v44, $0x3;
	v41 =	vshll.u32 v41, v1;
	[tilespmem:v48+s17+$0x0] =	vst.idx.msk $0xffff, v46;
	v43 =	vld [tilespmem:s25+$0x70]  }
0x3f: {  	v36 =	vadd.s32 v28, v36;
	v44 =	vshrl.u32 v47, $0x3;
	v41 =	vbroadcast v41, $0x0;
	[tilespmem:v51+s17+$0x0] =	vst.idx.msk $0xffff, v49;
	v46 =	vld [tilespmem:s25+$0xB0]  }
0x40: {  	v47 =	vshll.u32 v53, v1;
	v49 =	vadd.s32 v4, v33;
	v33 =	vbroadcast v45, $0x0;
	v48 =	vld [tilespmem:s25+$0xFFFFFF30];
	[tilespmem:v52+s17+$0x0] =	vst.idx.msk $0xffff, v50;
	s25 =	sadd.s32 $0x200, s25  }
0x41: {  	v40 =	vshll.u32 v40, v1;
	v45 =	vbroadcast v47, $0x0;
	v47 =	vld [tilespmem:s25+$0xC0];
	v50 =	vadd.s32 v29, v41;
	[tilespmem:v35+s17+$0x0] =	vst.idx.msk $0xffff, v56  }
0x42: {  	v55 =	vbroadcast v40, $0x0;
	v52 =	vadd.s32 v0, v33;
	v35 =	vshll.u32 v42, v1;
	v51 =	vld [tilespmem:s25+$0xFFFFFF00];
	[tilespmem:v34+s17+$0x0] =	vst.idx.msk $0xffff, v54  }
0x43: {  	v42 =	vadd.s32 v5, v45;
	v35 =	vbroadcast v35, $0x0;
	v34 =	vshll.u32 v44, v1;
	v40 =	vld [tilespmem:s25+$0xFFFFFF40];
	[tilespmem:v37+s17+$0x0] =	vst.idx.msk $0xffff, v43  }
0x44: {  	v44 =	vadd.s32 v9, v55;
	v34 =	vbroadcast v34, $0x0;
	v37 =	vshrl.u32 v38, $0x3;
	v43 =	vld [tilespmem:s25+$0xFFFFFF80];
	[tilespmem:v36+s17+$0x0] =	vst.idx.msk $0xffff, v46  }
0x45: {  	v39 =	vshrl.u32 v39, $0x3;
	v46 =	vadd.s32 v13, v35;
	v36 =	vshll.u32 v37, v1;
	v38 =	vld [tilespmem:s25+$0xFFFFFFC0];
	[tilespmem:v49+s17+$0x0] =	vst.idx.msk $0xffff, v48  }
0x46: {  	v49 =	vadd.s32 v17, v34;
	v37 =	vbroadcast v36, $0x0;
	v36 =	vshll.u32 v39, v1;
	v48 =	vld [tilespmem:s25+$0x0];
	[tilespmem:v50+s17+$0x0] =	vst.idx.msk $0xffff, v47  }
0x47: {  	v36 =	vbroadcast v36, $0x0;
	v47 =	vadd.s32 v30, v41;
	[tilespmem:v52+s17+$0x0] =	vst.idx.msk $0xffff, v51;
	v39 =	vld [tilespmem:s25+$0xD0]  }
0x48: {  	[tilespmem:v42+s17+$0x0] =	vst.idx.msk $0xffff, v40;
	v40 =	vld [tilespmem:s25+$0x40];
	v42 =	vadd.s32 v21, v37  }
0x49: {  	[tilespmem:v44+s17+$0x0] =	vst.idx.msk $0xffff, v43;
	v43 =	vld [tilespmem:s25+$0x80];
	v44 =	vadd.s32 v25, v36  }
0x4a: {  	v51 =	vadd.s32 v6, v45;
	v50 =	vld [tilespmem:s25+$0xFFFFFF50];
	[tilespmem:v46+s17+$0x0] =	vst.idx.msk $0xffff, v38  }
0x4b: {  	v46 =	vadd.s32 v10, v55;
	v38 =	vld [tilespmem:s25+$0xFFFFFF90];
	[tilespmem:v49+s17+$0x0] =	vst.idx.msk $0xffff, v48  }
0x4c: {  	v49 =	vadd.s32 v14, v35;
	v48 =	vld [tilespmem:s25+$0xFFFFFFD0];
	[tilespmem:v47+s17+$0x0] =	vst.idx.msk $0xffff, v39  }
0x4d: {  	[tilespmem:v42+s17+$0x0] =	vst.idx.msk $0xffff, v40;
	v39 =	vld [tilespmem:s25+$0xE0];
	v40 =	vadd.s32 v31, v41  }
0x4e: {  	v47 =	vadd.s32 v18, v34;
	v42 =	vld [tilespmem:s25+$0x10];
	[tilespmem:v44+s17+$0x0] =	vst.idx.msk $0xffff, v43  }
0x4f: {  	v44 =	vadd.s32 v22, v37;
	[tilespmem:v51+s17+$0x0] =	vst.idx.msk $0xffff, v50;
	v43 =	vld [tilespmem:s25+$0x50]  }
0x50: {  	[tilespmem:v46+s17+$0x0] =	vst.idx.msk $0xffff, v38;
	v38 =	vld [tilespmem:s25+$0x90];
	v46 =	vadd.s32 v26, v36  }
0x51: {  	v51 =	vadd.s32 v2, v33;
	v50 =	vld [tilespmem:s25+$0xFFFFFF10];
	[tilespmem:v49+s17+$0x0] =	vst.idx.msk $0xffff, v48  }
0x52: {  	v49 =	vadd.s32 v7, v45;
	v48 =	vld [tilespmem:s25+$0xFFFFFF60];
	[tilespmem:v40+s17+$0x0] =	vst.idx.msk $0xffff, v39  }
0x53: {  	[tilespmem:v47+s17+$0x0] =	vst.idx.msk $0xffff, v42;
	v39 =	vld [tilespmem:s25+$0xF0];
	v47 =	vadd.s32 v32, v41  }
0x54: {  	v56 =	vadd.s32 v11, v55;
	v52 =	vld [tilespmem:s25+$0xFFFFFFA0];
	[tilespmem:v44+s17+$0x0] =	vst.idx.msk $0xffff, v43  }
0x55: {  	v58 =	vadd.s32 v15, v35;
	v57 =	vld [tilespmem:s25+$0xFFFFFFE0];
	[tilespmem:v46+s17+$0x0] =	vst.idx.msk $0xffff, v38  }
0x56: {  	v60 =	vadd.s32 v19, v34;
	[tilespmem:v51+s17+$0x0] =	vst.idx.msk $0xffff, v50;
	v59 =	vld [tilespmem:s25+$0x20]  }
.Ltmp0:
0x57: {  	s1 =	sadd.s32 $0x1, s26;
	v41 =	vadd.s32 v23, v37;
	v38 =	vmov s26;
	[tilespmem:v49+s17+$0x0] =	vst.idx.msk $0xffff, v48;
	v40 =	vld [tilespmem:s25+$0x60];
	(pc) =	sbr.rel @p0 .LBB2_2-.Ltmp0, $4  }
0x58: {  	s28 =	sadd.s32 $0x3, s26;
	v53 =	vmov s1;
	s1 =	sadd.s32 $0x2, s26;
	v43 =	vadd.s32 v27, v36;
	v50 =	vshrl.u32 v38, $0x3;
	v42 =	vld [tilespmem:s25+$0xA0];
	[tilespmem:v47+s17+$0x0] =	vst.idx.msk $0xffff, v39  }
0x59: {  	v54 =	vmov s1;
	s1 =	sadd.s32 $0x4, s26;
	v44 =	vmov s28;
	s28 =	sadd.s32 $0x5, s26;
	v48 =	vadd.s32 v3, v33;
	v46 =	vld [tilespmem:s25+$0xFFFFFF20];
	[tilespmem:v56+s17+$0x0] =	vst.idx.msk $0xffff, v52  }
0x5a: {  	v38 =	vmov s28;
	v51 =	vadd.s32 v8, v45;
	v47 =	vmov s1;
	s1 =	sadd.s32 $0x6, s26;
	v49 =	vld [tilespmem:s25+$0xFFFFFF70];
	[tilespmem:v58+s17+$0x0] =	vst.idx.msk $0xffff, v57  }
0x5b: {  	s28 =	sadd.s32 $0x7, s26;
	v45 =	vshll.u32 v50, v1;
	s26 =	sadd.s32 $0x8, s26;
	v39 =	vmov s1;
	v52 =	vadd.s32 v12, v55;
	v50 =	vld [tilespmem:s25+$0xFFFFFFB0];
	[tilespmem:v60+s17+$0x0] =	vst.idx.msk $0xffff, v59  }
0x5c: {  	_ =	sdelay $0x2  }
0x5d: {  	v53 =	vshrl.u32 v53, $0x3  }
0x5e: {  	v55 =	vmov s28;
	v56 =	vld [tilespmem:s25+$0xFFFFFFF0];
	v35 =	vadd.s32 v16, v35;
	[tilespmem:v41+s17+$0x0] =	vst.idx.msk $0xffff, v40;
	v57 =	vshrl.u32 v54, $0x3  }
0x5f: {  	v59 =	vld [tilespmem:s25+$0x30];
	v34 =	vadd.s32 v20, v34;
	v60 =	vshrl.u32 v44, $0x3;
	v58 =	vshrl.u32 v55, $0x3;
	[tilespmem:v43+s17+$0x0] =	vst.idx.msk $0xffff, v42  }
0x60: {  	v37 =	vadd.s32 v24, v37;
	v62 =	vshrl.u32 v47, $0x3;
	v61 =	vld [tilespmem:s25+$0x70];
	v41 =	vshll.u32 v58, v1;
	[tilespmem:v48+s17+$0x0] =	vst.idx.msk $0xffff, v46  }
0x61: {  	v36 =	vadd.s32 v28, v36;
	v45 =	vbroadcast v45, $0x0;
	v63 =	vld [tilespmem:s25+$0xB0];
	v41 =	vbroadcast v41, $0x0;
	[tilespmem:v51+s17+$0x0] =	vst.idx.msk $0xffff, v49  }
0x62: {  	v33 =	vadd.s32 v4, v33;
	s31 =	sadd.s32 $0x200, s25;
	v38 =	vshrl.u32 v38, $0x3;
	v55 =	vshll.u32 v53, v1;
	v48 =	vld [tilespmem:s25+$0xFFFFFF30];
	[tilespmem:v52+s17+$0x0] =	vst.idx.msk $0xffff, v50  }
0x63: {  	v40 =	vshll.u32 v57, v1;
	v47 =	vbroadcast v55, $0x0;
	v49 =	vld [tilespmem:s31+$0xC0];
	v50 =	vadd.s32 v29, v41;
	[tilespmem:v35+s17+$0x0] =	vst.idx.msk $0xffff, v56  }
0x64: {  	v42 =	vshll.u32 v60, v1;
	v40 =	vbroadcast v40, $0x0;
	v35 =	vld [tilespmem:s31+$0xFFFFFF00];
	v56 =	vadd.s32 v0, v45;
	[tilespmem:v34+s17+$0x0] =	vst.idx.msk $0xffff, v59  }
0x65: {  	v57 =	vld [tilespmem:s31+$0xFFFFFF40];
	v44 =	vshll.u32 v62, v1;
	v42 =	vbroadcast v42, $0x0;
	v58 =	vadd.s32 v5, v47;
	[tilespmem:v37+s17+$0x0] =	vst.idx.msk $0xffff, v61  }
0x66: {  	v38 =	vshll.u32 v38, v1;
	v44 =	vbroadcast v44, $0x0;
	v60 =	vadd.s32 v9, v40;
	v59 =	vld [tilespmem:s31+$0xFFFFFF80];
	[tilespmem:v36+s17+$0x0] =	vst.idx.msk $0xffff, v63  }
0x67: {  	v38 =	vbroadcast v38, $0x0;
	v62 =	vadd.s32 v13, v42;
	v61 =	vld [tilespmem:s31+$0xFFFFFFC0];
	[tilespmem:v33+s17+$0x0] =	vst.idx.msk $0xffff, v48  }
0x68: {  	v39 =	vshrl.u32 v39, $0x3;
	v63 =	vadd.s32 v17, v44;
	v33 =	vld [tilespmem:s31+$0x0];
	[tilespmem:v50+s17+$0x0] =	vst.idx.msk $0xffff, v49  }
0x69: {  	v39 =	vshll.u32 v39, v1;
	v34 =	vld [tilespmem:s31+$0x40];
	[tilespmem:v56+s17+$0x0] =	vst.idx.msk $0xffff, v35;
	v56 =	vadd.s32 v21, v38  }
0x6a: {  	[tilespmem:v58+s17+$0x0] =	vst.idx.msk $0xffff, v57;
	v35 =	vbroadcast v39, $0x0;
	v49 =	vadd.s32 v30, v41;
	v39 =	vld [tilespmem:s31+$0xD0]  }
0x6b: {  	[tilespmem:v60+s17+$0x0] =	vst.idx.msk $0xffff, v59;
	v59 =	vld [tilespmem:s31+$0xFFFFFF50];
	v60 =	vadd.s32 v6, v47  }
0x6c: {  	v57 =	vld [tilespmem:s31+$0x80];
	[tilespmem:v62+s17+$0x0] =	vst.idx.msk $0xffff, v61;
	v58 =	vadd.s32 v25, v35  }
0x6d: {  	v61 =	vld [tilespmem:s31+$0xFFFFFF90];
	v62 =	vadd.s32 v10, v40;
	[tilespmem:v63+s17+$0x0] =	vst.idx.msk $0xffff, v33  }
0x6e: {  	v33 =	vld [tilespmem:s31+$0xFFFFFFD0];
	v63 =	vadd.s32 v14, v42;
	[tilespmem:v56+s17+$0x0] =	vst.idx.msk $0xffff, v34  }
0x6f: {  	v56 =	vadd.s32 v18, v44;
	[tilespmem:v49+s17+$0x0] =	vst.idx.msk $0xffff, v39;
	v49 =	vld [tilespmem:s31+$0x10]  }
0x70: {  	[tilespmem:v60+s17+$0x0] =	vst.idx.msk $0xffff, v59;
	v39 =	vadd.s32 v31, v41;
	v34 =	vld [tilespmem:s31+$0xE0]  }
0x71: {  	[tilespmem:v58+s17+$0x0] =	vst.idx.msk $0xffff, v57;
	v57 =	vld [tilespmem:s31+$0x50];
	v58 =	vadd.s32 v22, v38  }
0x72: {  	[tilespmem:v62+s17+$0x0] =	vst.idx.msk $0xffff, v61;
	v61 =	vld [tilespmem:s31+$0xFFFFFF10];
	v62 =	vadd.s32 v2, v45  }
0x73: {  	v60 =	vadd.s32 v26, v35;
	v59 =	vld [tilespmem:s31+$0x90];
	[tilespmem:v63+s17+$0x0] =	vst.idx.msk $0xffff, v33  }
0x74: {  	v55 =	vadd.s32 v11, v40;
	v54 =	vadd.s32 v32, v41;
	v41 =	vld [tilespmem:s31+$0xFFFFFFA0];
	[tilespmem:v56+s17+$0x0] =	vst.idx.msk $0xffff, v49  }
0x75: {  	v53 =	vadd.s32 v7, v47;
	v63 =	vld [tilespmem:s31+$0xFFFFFF60];
	[tilespmem:v39+s17+$0x0] =	vst.idx.msk $0xffff, v34  }
0x76: {  	v56 =	vld [tilespmem:s31+$0xFFFFFFE0];
	[tilespmem:v58+s17+$0x0] =	vst.idx.msk $0xffff, v57;
	v57 =	vadd.s32 v15, v42  }
0x77: {  	[tilespmem:v62+s17+$0x0] =	vst.idx.msk $0xffff, v61;
	v34 =	vld [tilespmem:s31+$0xF0]  }
0x78: {  	v58 =	vld [tilespmem:s31+$0x20];
	[tilespmem:v60+s17+$0x0] =	vst.idx.msk $0xffff, v59;
	v59 =	vadd.s32 v19, v44  }
0x79: {  	v61 =	vadd.s32 v23, v38;
	[tilespmem:v55+s17+$0x0] =	vst.idx.msk $0xffff, v41;
	v60 =	vld [tilespmem:s31+$0x60]  }
0x7a: {  	[tilespmem:v53+s17+$0x0] =	vst.idx.msk $0xffff, v63;
	v63 =	vadd.s32 v27, v35;
	v62 =	vld [tilespmem:s31+$0xA0]  }
0x7b: {  	v47 =	vadd.s32 v8, v47;
	v55 =	vld [tilespmem:s31+$0xFFFFFF70];
	[tilespmem:v57+s17+$0x0] =	vst.idx.msk $0xffff, v56  }
0x7c: {  	v53 =	vld [tilespmem:s31+$0xFFFFFF20];
	[tilespmem:v54+s17+$0x0] =	vst.idx.msk $0xffff, v34;
	v54 =	vadd.s32 v3, v45  }
0x7d: {  	v40 =	vadd.s32 v12, v40;
	v56 =	vld [tilespmem:s31+$0xFFFFFFB0];
	[tilespmem:v59+s17+$0x0] =	vst.idx.msk $0xffff, v58  }
0x7e: {  	v42 =	vadd.s32 v16, v42;
	v57 =	vld [tilespmem:s31+$0xFFFFFFF0];
	[tilespmem:v61+s17+$0x0] =	vst.idx.msk $0xffff, v60  }
0x7f: {  	v59 =	vadd.s32 v20, v44;
	v58 =	vld [tilespmem:s31+$0x30];
	[tilespmem:v63+s17+$0x0] =	vst.idx.msk $0xffff, v62  }
0x80: {  	v38 =	vadd.s32 v24, v38;
	v60 =	vld [tilespmem:s31+$0x70];
	[tilespmem:v47+s17+$0x0] =	vst.idx.msk $0xffff, v55  }
0x81: {  	v35 =	vadd.s32 v28, v35;
	v61 =	vld [tilespmem:s31+$0xB0];
	[tilespmem:v54+s17+$0x0] =	vst.idx.msk $0xffff, v53  }
0x82: {  	v63 =	vadd.s32 v4, v45;
	[tilespmem:v40+s17+$0x0] =	vst.idx.msk $0xffff, v56;
	v62 =	vld [tilespmem:s31+$0xFFFFFF30]  }
0x83: {  	[tilespmem:v42+s17+$0x0] =	vst.idx.msk $0xffff, v57  }
0x84: {  	[tilespmem:v59+s17+$0x0] =	vst.idx.msk $0xffff, v58  }
0x85: {  	[tilespmem:v38+s17+$0x0] =	vst.idx.msk $0xffff, v60  }
0x86: {  	[tilespmem:v35+s17+$0x0] =	vst.idx.msk $0xffff, v61  }
0x87: {  	s1 =	simm.s32 $0xA400;
	[tilespmem:v63+s17+$0x0] =	vst.idx.msk $0xffff, v62  }
0x88: {  	[hbm4b:s7+s3] =	stream.linear.scatter [tilespmem:s1], [sflag:$0x3], $0x80, $0x38;
	[tilespmem:$0xE800] =	vst v63  }
0x89: {  	s0 =	simm.s32 $0xA488;
	s18 =	sadd.s32 $0x10, s7  }
0x8a: {  	[hbm4b:s18+s3] =	stream.linear.scatter [tilespmem:s0], [sflag:$0x3], $0x80, $0x38;
	[tilespmem:$0xE800] =	vst v63  }
0x8b: {  	s26 =	simm.s32 $0xA510;
	s31 =	sadd.s32 $0x20, s7  }
0x8c: {  	[hbm4b:s31+s3] =	stream.linear.scatter [tilespmem:s26], [sflag:$0x3], $0x80, $0x38;
	[tilespmem:$0xE800] =	vst v63  }
0x8d: {  	s0 =	simm.s32 $0xA598;
	s18 =	sadd.s32 $0x30, s7  }
0x8e: {  	[hbm4b:s18+s3] =	stream.linear.scatter [tilespmem:s0], [sflag:$0x3], $0x80, $0x38;
	[tilespmem:$0xE800] =	vst v63  }
0x8f: {  	s26 =	simm.s32 $0xA620;
	s31 =	sadd.s32 $0x40, s7  }
0x90: {  	[hbm4b:s31+s3] =	stream.linear.scatter [tilespmem:s26], [sflag:$0x3], $0x80, $0x38;
	[tilespmem:$0xE800] =	vst v63  }
0x91: {  	s28 =	simm.s32 $0x2200;
	s0 =	simm.s32 $0xA6A8;
	s18 =	sadd.s32 $0x50, s7  }
0x92: {  	[hbm4b:s18+s3] =	stream.linear.scatter [tilespmem:s0], [sflag:$0x3], $0x80, $0x38;
	[tilespmem:$0xE800] =	vst v63  }
0x93: {  	s29 =	simm.s32 $0xA7B8;
	s26 =	simm.s32 $0xA730;
	s31 =	sadd.s32 $0x60, s7  }
0x94: {  	[hbm4b:s31+s3] =	stream.linear.scatter [tilespmem:s26], [sflag:$0x3], $0x80, $0x38;
	[tilespmem:$0xE800] =	vst v63  }
0x95: {  	s30 =	sadd.s32 $0x70, s7;
	s25 =	simm.s32 $0x440;
	s26 =	sadd.s32 $0x1000, s7  }
.LBB2_4:
0x96: {  	[hbm4b:s30+s3] =	stream.linear.scatter [tilespmem:s29], [sflag:$0x3], $0x80, $0x38;
	[tilespmem:$0xE800] =	vst v63  }
0x97: {  	s1 =	smov.u32 s25;
	s25 =	smov.u32 s28  }
0x98: {  	s31 =	sadd.s32 $0x1100, s28;
	s25 =	sshra.s32 s25, $0x2;
	s29 =	sadd.s32 $0xA400, s1  }
0x99: {  	[hbm4b:s26+s3] =	stream.linear.scatter [tilespmem:s29], [sflag:$0x3], $0x80, $0x38;
	[tilespmem:$0xE800] =	vst v63  }
0x9a: {  	p0 =	sne.s32 s28, $0x7700;
	s28 =	sadd.s32 $0xA488, s1;
	s29 =	sadd.s32 $0x10, s26  }
0x9b: {  	[hbm4b:s29+s3] =	stream.linear.scatter [tilespmem:s28], [sflag:$0x3], $0x80, $0x38;
	[tilespmem:$0xE800] =	vst v63  }
0x9c: {  	s28 =	sadd.s32 $0xA510, s1;
	s29 =	sadd.s32 $0x20, s26  }
0x9d: {  	[hbm4b:s29+s3] =	stream.linear.scatter [tilespmem:s28], [sflag:$0x3], $0x80, $0x38;
	[tilespmem:$0xE800] =	vst v63  }
0x9e: {  	s28 =	sadd.s32 $0xA598, s1;
	s29 =	sadd.s32 $0x30, s26  }
0x9f: {  	[hbm4b:s29+s3] =	stream.linear.scatter [tilespmem:s28], [sflag:$0x3], $0x80, $0x38;
	[tilespmem:$0xE800] =	vst v63  }
0xa0: {  	s28 =	sadd.s32 $0xA620, s1;
	s29 =	sadd.s32 $0x40, s26  }
0xa1: {  	[hbm4b:s29+s3] =	stream.linear.scatter [tilespmem:s28], [sflag:$0x3], $0x80, $0x38;
	[tilespmem:$0xE800] =	vst v63  }
.Ltmp1:
0xa2: {  	s28 =	sadd.s32 $0xA6A8, s1;
	s29 =	sadd.s32 $0x50, s26;
	(pc) =	sbr.rel @p0 .LBB2_4-.Ltmp1, $4  }
0xa3: {  	[hbm4b:s29+s3] =	stream.linear.scatter [tilespmem:s28], [sflag:$0x3], $0x80, $0x38;
	[tilespmem:$0xE800] =	vst v63  }
0xa4: {  	s30 =	sadd.s32 $0x70, s26;
	s28 =	sadd.s32 $0xA730, s1;
	s29 =	sadd.s32 $0x60, s26  }
0xa5: {  	[hbm4b:s29+s3] =	stream.linear.scatter [tilespmem:s28], [sflag:$0x3], $0x80, $0x38;
	[tilespmem:$0xE800] =	vst v63  }
0xa6: {  	s26 =	sadd.s32 $0x1000, s26;
	s29 =	sadd.s32 $0xA7B8, s1;
	s28 =	smov.u32 s31  }
0xa7: {  	[hbm4b:s30+s3] =	stream.linear.scatter [tilespmem:s29], [sflag:$0x3], $0x80, $0x38;
	[tilespmem:$0xE800] =	vst v63  }
0xa8: {  	s1 =	sadd.s32 $0xA400, s25  }
0xa9: {  	[hbm4b:s26+s3] =	stream.linear.scatter [tilespmem:s1], [sflag:$0x3], $0x80, $0x38;
	[tilespmem:$0xE800] =	vst v63  }
0xaa: {  	s31 =	sadd.s32 $0xA488, s25;
	s28 =	sadd.s32 $0x10, s26  }
0xab: {  	[hbm4b:s28+s3] =	stream.linear.scatter [tilespmem:s31], [sflag:$0x3], $0x80, $0x38;
	[tilespmem:$0xE800] =	vst v63  }
0xac: {  	s0 =	sadd.s32 $0xA510, s25;
	s28 =	sadd.s32 $0x20, s26  }
0xad: {  	[hbm4b:s28+s3] =	stream.linear.scatter [tilespmem:s0], [sflag:$0x3], $0x80, $0x38;
	[tilespmem:$0xE800] =	vst v63  }
0xae: {  	s18 =	sadd.s32 $0xA598, s25;
	s29 =	sadd.s32 $0xA620, s25;
	s28 =	sadd.s32 $0x30, s26  }
0xaf: {  	[hbm4b:s28+s3] =	stream.linear.scatter [tilespmem:s18], [sflag:$0x3], $0x80, $0x38;
	[tilespmem:$0xE800] =	vst v63  }
0xb0: {  	s30 =	sadd.s32 $0xA6A8, s25;
	s31 =	sadd.s32 $0xA730, s25;
	s28 =	sadd.s32 $0x40, s26  }
0xb1: {  	[hbm4b:s28+s3] =	stream.linear.scatter [tilespmem:s29], [sflag:$0x3], $0x80, $0x38;
	[tilespmem:$0xE800] =	vst v63  }
0xb2: {  	s0 =	sadd.s32 $0xA7B8, s25;
	s25 =	simm.s32 $0x0;
	s28 =	sadd.s32 $0x50, s26  }
0xb3: {  	[hbm4b:s28+s3] =	stream.linear.scatter [tilespmem:s30], [sflag:$0x3], $0x80, $0x38;
	[tilespmem:$0xE800] =	vst v63  }
0xb4: {  	v33 =	vmov s25;
	s29 =	simm.s32 $0x2;
	s28 =	sadd.s32 $0x60, s26  }
0xb5: {  	v33 =	vshrl.u32 v33, $0x3;
	[hbm4b:s28+s3] =	stream.linear.scatter [tilespmem:s31], [sflag:$0x3], $0x80, $0x38;
	[tilespmem:$0xE800] =	vst v63  }
0xb6: {  	s18 =	sadd.s32 $0x70, s26;
	v33 =	vshll.u32 v33, v1;
	v35 =	vmov s29;
	s29 =	simm.s32 $0x6  }
0xb7: {  	v33 =	vbroadcast v33, $0x0;
	[hbm4b:s18+s3] =	stream.linear.scatter [tilespmem:s0], [sflag:$0x3], $0x80, $0x38;
	[tilespmem:$0xE800] =	vst v63  }
0xb8: {  	s26 =	simm.s32 $0x1;
	s30 =	simm.s32 $0x3;
	v40 =	vmov s29;
	s0 =	simm.s32 $0x100  }
0xb9: {  	v35 =	vshrl.u32 v35, $0x3;
	v44 =	vadd.s32 v0, v33;
	v34 =	vmov s26;
	[tilespmem:s14], [sflag:$0x1] =	stream.indirect.gather [hbm4b:s5+s13], $0x40, s0, s13, $0xb8;
	[tilespmem:$0xE800] =	vst v63  }
0xba: {  	v36 =	vmov s30;
	v52 =	vshll.u32 v35, v1;
	v40 =	vshrl.u32 v40, $0x3;
	s0 =	simm.s32 $0x7  }
0xbb: {  	v34 =	vshrl.u32 v34, $0x3;
	v36 =	vshrl.u32 v36, $0x3;
	v38 =	vmov s0;
	_ =	swait.ge [sflag:s19], $0x2000  }
0xbc: {  	s31 =	simm.s32 $0x4;
	v52 =	vbroadcast v52, $0x0;
	v34 =	vshll.u32 v34, v1;
	v38 =	vshrl.u32 v38, $0x3;
	[sflag:s19] =	ssyncset.done $0x0  }
0xbd: {  	s25 =	simm.s32 $0x8500;
	v37 =	vmov s31;
	v45 =	vbroadcast v34, $0x0;
	v38 =	vshll.u32 v38, v1;
	[sflag:s19] =	ssyncadd.s32 $0xFFFFE000  }
0xbe: {  	v53 =	vshll.u32 v36, v1;
	s18 =	simm.s32 $0x5;
	v37 =	vshrl.u32 v37, $0x3;
	v38 =	vbroadcast v38, $0x0;
	v43 =	vld [tilespmem:s25+$0xFFFFFF00]  }
0xbf: {  	v35 =	vbroadcast v53, $0x0;
	v39 =	vmov s18;
	v47 =	vadd.s32 v5, v45;
	v46 =	vld [tilespmem:s25+$0xFFFFFF40]  }
0xc0: {  	v54 =	vshll.u32 v37, v1;
	v55 =	vshrl.u32 v39, $0x3;
	v41 =	vld [tilespmem:s25+$0xC0];
	v42 =	vadd.s32 v29, v38  }
0xc1: {  	v49 =	vadd.s32 v9, v52;
	v34 =	vbroadcast v54, $0x0;
	v36 =	vshll.u32 v55, v1;
	v48 =	vld [tilespmem:s25+$0xFFFFFF80]  }
0xc2: {  	v56 =	vshll.u32 v40, v1;
	v50 =	vadd.s32 v13, v35;
	v37 =	vbroadcast v36, $0x0;
	v39 =	vld [tilespmem:s25+$0xFFFFFFC0]  }
0xc3: {  	v53 =	vadd.s32 v17, v34;
	v36 =	vbroadcast v56, $0x0;
	v51 =	vld [tilespmem:s25+$0x0];
	[tilespmem:v44+s20+$0x0] =	vst.idx.msk $0xffff, v43  }
0xc4: {  	v59 =	vld [tilespmem:s25+$0x40];
	v60 =	vadd.s32 v21, v37;
	[tilespmem:v47+s20+$0x0] =	vst.idx.msk $0xffff, v46  }
0xc5: {  	v61 =	vld [tilespmem:s25+$0x80];
	v62 =	vadd.s32 v25, v36;
	[tilespmem:v42+s20+$0x0] =	vst.idx.msk $0xffff, v41  }
0xc6: {  	v58 =	vadd.s32 v30, v38;
	[tilespmem:v49+s20+$0x0] =	vst.idx.msk $0xffff, v48;
	v57 =	vld [tilespmem:s25+$0xD0]  }
0xc7: {  	v63 =	vadd.s32 v6, v45;
	[tilespmem:v50+s20+$0x0] =	vst.idx.msk $0xffff, v39;
	v47 =	vld [tilespmem:s25+$0xFFFFFF50]  }
0xc8: {  	v55 =	vadd.s32 v10, v52;
	[tilespmem:v53+s20+$0x0] =	vst.idx.msk $0xffff, v51;
	v54 =	vld [tilespmem:s25+$0xFFFFFF90]  }
0xc9: {  	v56 =	vadd.s32 v14, v35;
	[tilespmem:v60+s20+$0x0] =	vst.idx.msk $0xffff, v59;
	v50 =	vld [tilespmem:s25+$0xFFFFFFD0]  }
0xca: {  	[tilespmem:v62+s20+$0x0] =	vst.idx.msk $0xffff, v61;
	v46 =	vadd.s32 v22, v37;
	v44 =	vld [tilespmem:s25+$0x50]  }
0xcb: {  	v59 =	vadd.s32 v18, v34;
	[tilespmem:v58+s20+$0x0] =	vst.idx.msk $0xffff, v57;
	v58 =	vld [tilespmem:s25+$0x10]  }
0xcc: {  	[tilespmem:v63+s20+$0x0] =	vst.idx.msk $0xffff, v47;
	v57 =	vadd.s32 v31, v38;
	v40 =	vld [tilespmem:s25+$0xE0]  }
0xcd: {  	v60 =	vadd.s32 v26, v36;
	[tilespmem:v55+s20+$0x0] =	vst.idx.msk $0xffff, v54;
	v63 =	vld [tilespmem:s25+$0x90]  }
0xce: {  	v62 =	vadd.s32 v2, v33;
	v61 =	vld [tilespmem:s25+$0xFFFFFF10];
	[tilespmem:v56+s20+$0x0] =	vst.idx.msk $0xffff, v50  }
0xcf: {  	v51 =	vadd.s32 v7, v45;
	[tilespmem:v46+s20+$0x0] =	vst.idx.msk $0xffff, v44;
	v50 =	vld [tilespmem:s25+$0xFFFFFF60]  }
0xd0: {  	v56 =	vadd.s32 v11, v52;
	v55 =	vld [tilespmem:s25+$0xFFFFFFA0];
	[tilespmem:v59+s20+$0x0] =	vst.idx.msk $0xffff, v58  }
0xd1: {  	v58 =	vadd.s32 v15, v35;
	[tilespmem:v57+s20+$0x0] =	vst.idx.msk $0xffff, v40;
	v57 =	vld [tilespmem:s25+$0xFFFFFFE0]  }
0xd2: {  	[tilespmem:v60+s20+$0x0] =	vst.idx.msk $0xffff, v63;
	v60 =	vadd.s32 v19, v34;
	v59 =	vld [tilespmem:s25+$0x20]  }
0xd3: {  	s31 =	simm.s32 $0x9;
	[tilespmem:v62+s20+$0x0] =	vst.idx.msk $0xffff, v61;
	v38 =	vadd.s32 v32, v38;
	v54 =	vld [tilespmem:s25+$0xF0]  }
0xd4: {  	s30 =	simm.s32 $0x8;
	v53 =	vmov s31;
	v41 =	vadd.s32 v23, v37;
	[tilespmem:v51+s20+$0x0] =	vst.idx.msk $0xffff, v50;
	v40 =	vld [tilespmem:s25+$0x60]  }
0xd5: {  	s29 =	simm.s32 $0xC;
	s18 =	simm.s32 $0xB;
	v43 =	vadd.s32 v27, v36;
	v48 =	vadd.s32 v3, v33;
	v63 =	vmov s30;
	v42 =	vld [tilespmem:s25+$0xA0];
	[tilespmem:v56+s20+$0x0] =	vst.idx.msk $0xffff, v55  }
0xd6: {  	s31 =	simm.s32 $0xE;
	v44 =	vmov s18;
	v47 =	vmov s29;
	v46 =	vld [tilespmem:s25+$0xFFFFFF20];
	v39 =	vshrl.u32 v63, $0x3;
	[tilespmem:v58+s20+$0x0] =	vst.idx.msk $0xffff, v57  }
0xd7: {  	s0 =	simm.s32 $0xA;
	s30 =	simm.s32 $0xD;
	v51 =	vadd.s32 v8, v45;
	v49 =	vld [tilespmem:s25+$0xFFFFFF70];
	v45 =	vshll.u32 v39, v1;
	v39 =	vmov s31;
	[tilespmem:v60+s20+$0x0] =	vst.idx.msk $0xffff, v59  }
0xd8: {  	s26 =	simm.s32 $0x10;
	s28 =	simm.s32 $0xF;
	v52 =	vadd.s32 v12, v52;
	v50 =	vld [tilespmem:s25+$0xFFFFFFB0];
	[tilespmem:v38+s20+$0x0] =	vst.idx.msk $0xffff, v54;
	v54 =	vmov s0;
	v38 =	vmov s30  }
.LBB2_6:
0xd9: {  	p0 =	slt.u32 s26, $0x78;
	v53 =	vshrl.u32 v53, $0x3;
	v55 =	vmov s28;
	v56 =	vld [tilespmem:s25+$0xFFFFFFF0];
	v35 =	vadd.s32 v16, v35;
	[tilespmem:v41+s20+$0x0] =	vst.idx.msk $0xffff, v40  }
0xda: {  	v40 =	vshrl.u32 v54, $0x3;
	v34 =	vadd.s32 v20, v34;
	v41 =	vshrl.u32 v55, $0x3;
	v54 =	vld [tilespmem:s25+$0x30];
	[tilespmem:v43+s20+$0x0] =	vst.idx.msk $0xffff, v42  }
0xdb: {  	v37 =	vadd.s32 v24, v37;
	v42 =	vshrl.u32 v44, $0x3;
	v41 =	vshll.u32 v41, v1;
	[tilespmem:v48+s20+$0x0] =	vst.idx.msk $0xffff, v46;
	v43 =	vld [tilespmem:s25+$0x70]  }
0xdc: {  	v36 =	vadd.s32 v28, v36;
	v44 =	vshrl.u32 v47, $0x3;
	v41 =	vbroadcast v41, $0x0;
	[tilespmem:v51+s20+$0x0] =	vst.idx.msk $0xffff, v49;
	v46 =	vld [tilespmem:s25+$0xB0]  }
0xdd: {  	v47 =	vshll.u32 v53, v1;
	v49 =	vadd.s32 v4, v33;
	v33 =	vbroadcast v45, $0x0;
	v48 =	vld [tilespmem:s25+$0xFFFFFF30];
	[tilespmem:v52+s20+$0x0] =	vst.idx.msk $0xffff, v50;
	s25 =	sadd.s32 $0x200, s25  }
0xde: {  	v40 =	vshll.u32 v40, v1;
	v45 =	vbroadcast v47, $0x0;
	v47 =	vld [tilespmem:s25+$0xC0];
	v50 =	vadd.s32 v29, v41;
	[tilespmem:v35+s20+$0x0] =	vst.idx.msk $0xffff, v56  }
0xdf: {  	v55 =	vbroadcast v40, $0x0;
	v52 =	vadd.s32 v0, v33;
	v35 =	vshll.u32 v42, v1;
	v51 =	vld [tilespmem:s25+$0xFFFFFF00];
	[tilespmem:v34+s20+$0x0] =	vst.idx.msk $0xffff, v54  }
0xe0: {  	v42 =	vadd.s32 v5, v45;
	v35 =	vbroadcast v35, $0x0;
	v34 =	vshll.u32 v44, v1;
	v40 =	vld [tilespmem:s25+$0xFFFFFF40];
	[tilespmem:v37+s20+$0x0] =	vst.idx.msk $0xffff, v43  }
0xe1: {  	v44 =	vadd.s32 v9, v55;
	v34 =	vbroadcast v34, $0x0;
	v37 =	vshrl.u32 v38, $0x3;
	v43 =	vld [tilespmem:s25+$0xFFFFFF80];
	[tilespmem:v36+s20+$0x0] =	vst.idx.msk $0xffff, v46  }
0xe2: {  	v39 =	vshrl.u32 v39, $0x3;
	v46 =	vadd.s32 v13, v35;
	v36 =	vshll.u32 v37, v1;
	v38 =	vld [tilespmem:s25+$0xFFFFFFC0];
	[tilespmem:v49+s20+$0x0] =	vst.idx.msk $0xffff, v48  }
0xe3: {  	v49 =	vadd.s32 v17, v34;
	v37 =	vbroadcast v36, $0x0;
	v36 =	vshll.u32 v39, v1;
	v48 =	vld [tilespmem:s25+$0x0];
	[tilespmem:v50+s20+$0x0] =	vst.idx.msk $0xffff, v47  }
0xe4: {  	v36 =	vbroadcast v36, $0x0;
	v47 =	vadd.s32 v30, v41;
	[tilespmem:v52+s20+$0x0] =	vst.idx.msk $0xffff, v51;
	v39 =	vld [tilespmem:s25+$0xD0]  }
0xe5: {  	[tilespmem:v42+s20+$0x0] =	vst.idx.msk $0xffff, v40;
	v40 =	vld [tilespmem:s25+$0x40];
	v42 =	vadd.s32 v21, v37  }
0xe6: {  	[tilespmem:v44+s20+$0x0] =	vst.idx.msk $0xffff, v43;
	v43 =	vld [tilespmem:s25+$0x80];
	v44 =	vadd.s32 v25, v36  }
0xe7: {  	v51 =	vadd.s32 v6, v45;
	v50 =	vld [tilespmem:s25+$0xFFFFFF50];
	[tilespmem:v46+s20+$0x0] =	vst.idx.msk $0xffff, v38  }
0xe8: {  	v46 =	vadd.s32 v10, v55;
	v38 =	vld [tilespmem:s25+$0xFFFFFF90];
	[tilespmem:v49+s20+$0x0] =	vst.idx.msk $0xffff, v48  }
0xe9: {  	v49 =	vadd.s32 v14, v35;
	v48 =	vld [tilespmem:s25+$0xFFFFFFD0];
	[tilespmem:v47+s20+$0x0] =	vst.idx.msk $0xffff, v39  }
0xea: {  	[tilespmem:v42+s20+$0x0] =	vst.idx.msk $0xffff, v40;
	v39 =	vld [tilespmem:s25+$0xE0];
	v40 =	vadd.s32 v31, v41  }
0xeb: {  	v47 =	vadd.s32 v18, v34;
	v42 =	vld [tilespmem:s25+$0x10];
	[tilespmem:v44+s20+$0x0] =	vst.idx.msk $0xffff, v43  }
0xec: {  	v44 =	vadd.s32 v22, v37;
	[tilespmem:v51+s20+$0x0] =	vst.idx.msk $0xffff, v50;
	v43 =	vld [tilespmem:s25+$0x50]  }
0xed: {  	[tilespmem:v46+s20+$0x0] =	vst.idx.msk $0xffff, v38;
	v38 =	vld [tilespmem:s25+$0x90];
	v46 =	vadd.s32 v26, v36  }
0xee: {  	v51 =	vadd.s32 v2, v33;
	v50 =	vld [tilespmem:s25+$0xFFFFFF10];
	[tilespmem:v49+s20+$0x0] =	vst.idx.msk $0xffff, v48  }
0xef: {  	v49 =	vadd.s32 v7, v45;
	v48 =	vld [tilespmem:s25+$0xFFFFFF60];
	[tilespmem:v40+s20+$0x0] =	vst.idx.msk $0xffff, v39  }
0xf0: {  	[tilespmem:v47+s20+$0x0] =	vst.idx.msk $0xffff, v42;
	v39 =	vld [tilespmem:s25+$0xF0];
	v47 =	vadd.s32 v32, v41  }
0xf1: {  	v56 =	vadd.s32 v11, v55;
	v52 =	vld [tilespmem:s25+$0xFFFFFFA0];
	[tilespmem:v44+s20+$0x0] =	vst.idx.msk $0xffff, v43  }
0xf2: {  	v58 =	vadd.s32 v15, v35;
	v57 =	vld [tilespmem:s25+$0xFFFFFFE0];
	[tilespmem:v46+s20+$0x0] =	vst.idx.msk $0xffff, v38  }
0xf3: {  	v60 =	vadd.s32 v19, v34;
	[tilespmem:v51+s20+$0x0] =	vst.idx.msk $0xffff, v50;
	v59 =	vld [tilespmem:s25+$0x20]  }
.Ltmp2:
0xf4: {  	s1 =	sadd.s32 $0x1, s26;
	v41 =	vadd.s32 v23, v37;
	v38 =	vmov s26;
	[tilespmem:v49+s20+$0x0] =	vst.idx.msk $0xffff, v48;
	v40 =	vld [tilespmem:s25+$0x60];
	(pc) =	sbr.rel @p0 .LBB2_6-.Ltmp2, $4  }
0xf5: {  	s28 =	sadd.s32 $0x3, s26;
	v53 =	vmov s1;
	s1 =	sadd.s32 $0x2, s26;
	v43 =	vadd.s32 v27, v36;
	v50 =	vshrl.u32 v38, $0x3;
	v42 =	vld [tilespmem:s25+$0xA0];
	[tilespmem:v47+s20+$0x0] =	vst.idx.msk $0xffff, v39  }
0xf6: {  	v54 =	vmov s1;
	s1 =	sadd.s32 $0x4, s26;
	v44 =	vmov s28;
	s28 =	sadd.s32 $0x5, s26;
	v48 =	vadd.s32 v3, v33;
	v46 =	vld [tilespmem:s25+$0xFFFFFF20];
	[tilespmem:v56+s20+$0x0] =	vst.idx.msk $0xffff, v52  }
0xf7: {  	v38 =	vmov s28;
	v51 =	vadd.s32 v8, v45;
	v47 =	vmov s1;
	s1 =	sadd.s32 $0x6, s26;
	v49 =	vld [tilespmem:s25+$0xFFFFFF70];
	[tilespmem:v58+s20+$0x0] =	vst.idx.msk $0xffff, v57  }
0xf8: {  	s28 =	sadd.s32 $0x7, s26;
	v45 =	vshll.u32 v50, v1;
	s26 =	sadd.s32 $0x8, s26;
	v39 =	vmov s1;
	v52 =	vadd.s32 v12, v55;
	v50 =	vld [tilespmem:s25+$0xFFFFFFB0];
	[tilespmem:v60+s20+$0x0] =	vst.idx.msk $0xffff, v59  }
0xf9: {  	_ =	sdelay $0x2  }
0xfa: {  	v53 =	vshrl.u32 v53, $0x3  }
0xfb: {  	v55 =	vmov s28;
	v56 =	vld [tilespmem:s25+$0xFFFFFFF0];
	v35 =	vadd.s32 v16, v35;
	[tilespmem:v41+s20+$0x0] =	vst.idx.msk $0xffff, v40;
	v57 =	vshrl.u32 v54, $0x3  }
0xfc: {  	v59 =	vld [tilespmem:s25+$0x30];
	v34 =	vadd.s32 v20, v34;
	v60 =	vshrl.u32 v44, $0x3;
	v58 =	vshrl.u32 v55, $0x3;
	[tilespmem:v43+s20+$0x0] =	vst.idx.msk $0xffff, v42  }
0xfd: {  	v37 =	vadd.s32 v24, v37;
	v62 =	vshrl.u32 v47, $0x3;
	v61 =	vld [tilespmem:s25+$0x70];
	v41 =	vshll.u32 v58, v1;
	[tilespmem:v48+s20+$0x0] =	vst.idx.msk $0xffff, v46  }
0xfe: {  	v36 =	vadd.s32 v28, v36;
	v45 =	vbroadcast v45, $0x0;
	v63 =	vld [tilespmem:s25+$0xB0];
	v41 =	vbroadcast v41, $0x0;
	[tilespmem:v51+s20+$0x0] =	vst.idx.msk $0xffff, v49  }
0xff: {  	v33 =	vadd.s32 v4, v33;
	s31 =	sadd.s32 $0x200, s25;
	v38 =	vshrl.u32 v38, $0x3;
	v55 =	vshll.u32 v53, v1;
	v48 =	vld [tilespmem:s25+$0xFFFFFF30];
	[tilespmem:v52+s20+$0x0] =	vst.idx.msk $0xffff, v50  }
0x100: {  	v40 =	vshll.u32 v57, v1;
	v47 =	vbroadcast v55, $0x0;
	v49 =	vld [tilespmem:s31+$0xC0];
	v50 =	vadd.s32 v29, v41;
	[tilespmem:v35+s20+$0x0] =	vst.idx.msk $0xffff, v56  }
0x101: {  	v42 =	vshll.u32 v60, v1;
	v40 =	vbroadcast v40, $0x0;
	v35 =	vld [tilespmem:s31+$0xFFFFFF00];
	v56 =	vadd.s32 v0, v45;
	[tilespmem:v34+s20+$0x0] =	vst.idx.msk $0xffff, v59  }
0x102: {  	v57 =	vld [tilespmem:s31+$0xFFFFFF40];
	v44 =	vshll.u32 v62, v1;
	v42 =	vbroadcast v42, $0x0;
	v58 =	vadd.s32 v5, v47;
	[tilespmem:v37+s20+$0x0] =	vst.idx.msk $0xffff, v61  }
0x103: {  	v38 =	vshll.u32 v38, v1;
	v44 =	vbroadcast v44, $0x0;
	v60 =	vadd.s32 v9, v40;
	v59 =	vld [tilespmem:s31+$0xFFFFFF80];
	[tilespmem:v36+s20+$0x0] =	vst.idx.msk $0xffff, v63  }
0x104: {  	v38 =	vbroadcast v38, $0x0;
	v62 =	vadd.s32 v13, v42;
	v61 =	vld [tilespmem:s31+$0xFFFFFFC0];
	[tilespmem:v33+s20+$0x0] =	vst.idx.msk $0xffff, v48  }
0x105: {  	v39 =	vshrl.u32 v39, $0x3;
	v63 =	vadd.s32 v17, v44;
	v33 =	vld [tilespmem:s31+$0x0];
	[tilespmem:v50+s20+$0x0] =	vst.idx.msk $0xffff, v49  }
0x106: {  	v39 =	vshll.u32 v39, v1;
	v34 =	vld [tilespmem:s31+$0x40];
	[tilespmem:v56+s20+$0x0] =	vst.idx.msk $0xffff, v35;
	v56 =	vadd.s32 v21, v38  }
0x107: {  	[tilespmem:v58+s20+$0x0] =	vst.idx.msk $0xffff, v57;
	v35 =	vbroadcast v39, $0x0;
	v49 =	vadd.s32 v30, v41;
	v39 =	vld [tilespmem:s31+$0xD0]  }
0x108: {  	[tilespmem:v60+s20+$0x0] =	vst.idx.msk $0xffff, v59;
	v59 =	vld [tilespmem:s31+$0xFFFFFF50];
	v60 =	vadd.s32 v6, v47  }
0x109: {  	v57 =	vld [tilespmem:s31+$0x80];
	[tilespmem:v62+s20+$0x0] =	vst.idx.msk $0xffff, v61;
	v58 =	vadd.s32 v25, v35  }
0x10a: {  	v61 =	vld [tilespmem:s31+$0xFFFFFF90];
	v62 =	vadd.s32 v10, v40;
	[tilespmem:v63+s20+$0x0] =	vst.idx.msk $0xffff, v33  }
0x10b: {  	v33 =	vld [tilespmem:s31+$0xFFFFFFD0];
	v63 =	vadd.s32 v14, v42;
	[tilespmem:v56+s20+$0x0] =	vst.idx.msk $0xffff, v34  }
0x10c: {  	v56 =	vadd.s32 v18, v44;
	[tilespmem:v49+s20+$0x0] =	vst.idx.msk $0xffff, v39;
	v49 =	vld [tilespmem:s31+$0x10]  }
0x10d: {  	[tilespmem:v60+s20+$0x0] =	vst.idx.msk $0xffff, v59;
	v39 =	vadd.s32 v31, v41;
	v34 =	vld [tilespmem:s31+$0xE0]  }
0x10e: {  	[tilespmem:v58+s20+$0x0] =	vst.idx.msk $0xffff, v57;
	v57 =	vld [tilespmem:s31+$0x50];
	v58 =	vadd.s32 v22, v38  }
0x10f: {  	[tilespmem:v62+s20+$0x0] =	vst.idx.msk $0xffff, v61;
	v61 =	vld [tilespmem:s31+$0xFFFFFF10];
	v62 =	vadd.s32 v2, v45  }
0x110: {  	v60 =	vadd.s32 v26, v35;
	v59 =	vld [tilespmem:s31+$0x90];
	[tilespmem:v63+s20+$0x0] =	vst.idx.msk $0xffff, v33  }
0x111: {  	v55 =	vadd.s32 v11, v40;
	v54 =	vadd.s32 v32, v41;
	v41 =	vld [tilespmem:s31+$0xFFFFFFA0];
	[tilespmem:v56+s20+$0x0] =	vst.idx.msk $0xffff, v49  }
0x112: {  	v53 =	vadd.s32 v7, v47;
	v63 =	vld [tilespmem:s31+$0xFFFFFF60];
	[tilespmem:v39+s20+$0x0] =	vst.idx.msk $0xffff, v34  }
0x113: {  	v56 =	vld [tilespmem:s31+$0xFFFFFFE0];
	[tilespmem:v58+s20+$0x0] =	vst.idx.msk $0xffff, v57;
	v57 =	vadd.s32 v15, v42  }
0x114: {  	[tilespmem:v62+s20+$0x0] =	vst.idx.msk $0xffff, v61;
	v34 =	vld [tilespmem:s31+$0xF0]  }
0x115: {  	v58 =	vld [tilespmem:s31+$0x20];
	[tilespmem:v60+s20+$0x0] =	vst.idx.msk $0xffff, v59;
	v59 =	vadd.s32 v19, v44  }
0x116: {  	v61 =	vadd.s32 v23, v38;
	[tilespmem:v55+s20+$0x0] =	vst.idx.msk $0xffff, v41;
	v60 =	vld [tilespmem:s31+$0x60]  }
0x117: {  	[tilespmem:v53+s20+$0x0] =	vst.idx.msk $0xffff, v63;
	v63 =	vadd.s32 v27, v35;
	v62 =	vld [tilespmem:s31+$0xA0]  }
0x118: {  	v47 =	vadd.s32 v8, v47;
	v55 =	vld [tilespmem:s31+$0xFFFFFF70];
	[tilespmem:v57+s20+$0x0] =	vst.idx.msk $0xffff, v56  }
0x119: {  	v53 =	vld [tilespmem:s31+$0xFFFFFF20];
	[tilespmem:v54+s20+$0x0] =	vst.idx.msk $0xffff, v34;
	v54 =	vadd.s32 v3, v45  }
0x11a: {  	v40 =	vadd.s32 v12, v40;
	v56 =	vld [tilespmem:s31+$0xFFFFFFB0];
	[tilespmem:v59+s20+$0x0] =	vst.idx.msk $0xffff, v58  }
0x11b: {  	v42 =	vadd.s32 v16, v42;
	v57 =	vld [tilespmem:s31+$0xFFFFFFF0];
	[tilespmem:v61+s20+$0x0] =	vst.idx.msk $0xffff, v60  }
0x11c: {  	v59 =	vadd.s32 v20, v44;
	v58 =	vld [tilespmem:s31+$0x30];
	[tilespmem:v63+s20+$0x0] =	vst.idx.msk $0xffff, v62  }
0x11d: {  	v38 =	vadd.s32 v24, v38;
	v60 =	vld [tilespmem:s31+$0x70];
	[tilespmem:v47+s20+$0x0] =	vst.idx.msk $0xffff, v55  }
0x11e: {  	v35 =	vadd.s32 v28, v35;
	v61 =	vld [tilespmem:s31+$0xB0];
	[tilespmem:v54+s20+$0x0] =	vst.idx.msk $0xffff, v53  }
0x11f: {  	v63 =	vadd.s32 v4, v45;
	[tilespmem:v40+s20+$0x0] =	vst.idx.msk $0xffff, v56;
	v62 =	vld [tilespmem:s31+$0xFFFFFF30]  }
0x120: {  	[tilespmem:v42+s20+$0x0] =	vst.idx.msk $0xffff, v57  }
0x121: {  	[tilespmem:v59+s20+$0x0] =	vst.idx.msk $0xffff, v58  }
0x122: {  	[tilespmem:v38+s20+$0x0] =	vst.idx.msk $0xffff, v60  }
0x123: {  	[tilespmem:v35+s20+$0x0] =	vst.idx.msk $0xffff, v61  }
0x124: {  	s1 =	simm.s32 $0xC600;
	[tilespmem:v63+s20+$0x0] =	vst.idx.msk $0xffff, v62  }
0x125: {  	[hbm4b:s8+s3] =	stream.linear.scatter [tilespmem:s1], [sflag:$0x4], $0x80, $0x38;
	[tilespmem:$0xE800] =	vst v63  }
0x126: {  	s0 =	simm.s32 $0xC688;
	s18 =	sadd.s32 $0x10, s8  }
0x127: {  	[hbm4b:s18+s3] =	stream.linear.scatter [tilespmem:s0], [sflag:$0x4], $0x80, $0x38;
	[tilespmem:$0xE800] =	vst v63  }
0x128: {  	s26 =	simm.s32 $0xC710;
	s31 =	sadd.s32 $0x20, s8  }
0x129: {  	[hbm4b:s31+s3] =	stream.linear.scatter [tilespmem:s26], [sflag:$0x4], $0x80, $0x38;
	[tilespmem:$0xE800] =	vst v63  }
0x12a: {  	s0 =	simm.s32 $0xC798;
	s18 =	sadd.s32 $0x30, s8  }
0x12b: {  	[hbm4b:s18+s3] =	stream.linear.scatter [tilespmem:s0], [sflag:$0x4], $0x80, $0x38;
	[tilespmem:$0xE800] =	vst v63  }
0x12c: {  	s26 =	simm.s32 $0xC820;
	s31 =	sadd.s32 $0x40, s8  }
0x12d: {  	[hbm4b:s31+s3] =	stream.linear.scatter [tilespmem:s26], [sflag:$0x4], $0x80, $0x38;
	[tilespmem:$0xE800] =	vst v63  }
0x12e: {  	s28 =	simm.s32 $0x2200;
	s0 =	simm.s32 $0xC8A8;
	s18 =	sadd.s32 $0x50, s8  }
0x12f: {  	[hbm4b:s18+s3] =	stream.linear.scatter [tilespmem:s0], [sflag:$0x4], $0x80, $0x38;
	[tilespmem:$0xE800] =	vst v63  }
0x130: {  	s29 =	simm.s32 $0xC9B8;
	s26 =	simm.s32 $0xC930;
	s31 =	sadd.s32 $0x60, s8  }
0x131: {  	[hbm4b:s31+s3] =	stream.linear.scatter [tilespmem:s26], [sflag:$0x4], $0x80, $0x38;
	[tilespmem:$0xE800] =	vst v63  }
0x132: {  	s30 =	sadd.s32 $0x70, s8;
	s25 =	simm.s32 $0x440;
	s26 =	sadd.s32 $0x1000, s8  }
.LBB2_8:
0x133: {  	[hbm4b:s30+s3] =	stream.linear.scatter [tilespmem:s29], [sflag:$0x4], $0x80, $0x38;
	[tilespmem:$0xE800] =	vst v63  }
0x134: {  	s1 =	smov.u32 s25;
	s25 =	smov.u32 s28  }
0x135: {  	s31 =	sadd.s32 $0x1100, s28;
	s25 =	sshra.s32 s25, $0x2;
	s29 =	sadd.s32 $0xC600, s1  }
0x136: {  	[hbm4b:s26+s3] =	stream.linear.scatter [tilespmem:s29], [sflag:$0x4], $0x80, $0x38;
	[tilespmem:$0xE800] =	vst v63  }
0x137: {  	p0 =	sne.s32 s28, $0x7700;
	s28 =	sadd.s32 $0xC688, s1;
	s29 =	sadd.s32 $0x10, s26  }
0x138: {  	[hbm4b:s29+s3] =	stream.linear.scatter [tilespmem:s28], [sflag:$0x4], $0x80, $0x38;
	[tilespmem:$0xE800] =	vst v63  }
0x139: {  	s28 =	sadd.s32 $0xC710, s1;
	s29 =	sadd.s32 $0x20, s26  }
0x13a: {  	[hbm4b:s29+s3] =	stream.linear.scatter [tilespmem:s28], [sflag:$0x4], $0x80, $0x38;
	[tilespmem:$0xE800] =	vst v63  }
0x13b: {  	s28 =	sadd.s32 $0xC798, s1;
	s29 =	sadd.s32 $0x30, s26  }
0x13c: {  	[hbm4b:s29+s3] =	stream.linear.scatter [tilespmem:s28], [sflag:$0x4], $0x80, $0x38;
	[tilespmem:$0xE800] =	vst v63  }
0x13d: {  	s28 =	sadd.s32 $0xC820, s1;
	s29 =	sadd.s32 $0x40, s26  }
0x13e: {  	[hbm4b:s29+s3] =	stream.linear.scatter [tilespmem:s28], [sflag:$0x4], $0x80, $0x38;
	[tilespmem:$0xE800] =	vst v63  }
.Ltmp3:
0x13f: {  	s28 =	sadd.s32 $0xC8A8, s1;
	s29 =	sadd.s32 $0x50, s26;
	(pc) =	sbr.rel @p0 .LBB2_8-.Ltmp3, $4  }
0x140: {  	[hbm4b:s29+s3] =	stream.linear.scatter [tilespmem:s28], [sflag:$0x4], $0x80, $0x38;
	[tilespmem:$0xE800] =	vst v63  }
0x141: {  	s30 =	sadd.s32 $0x70, s26;
	s28 =	sadd.s32 $0xC930, s1;
	s29 =	sadd.s32 $0x60, s26  }
0x142: {  	[hbm4b:s29+s3] =	stream.linear.scatter [tilespmem:s28], [sflag:$0x4], $0x80, $0x38;
	[tilespmem:$0xE800] =	vst v63  }
0x143: {  	s26 =	sadd.s32 $0x1000, s26;
	s29 =	sadd.s32 $0xC9B8, s1;
	s28 =	smov.u32 s31  }
0x144: {  	[hbm4b:s30+s3] =	stream.linear.scatter [tilespmem:s29], [sflag:$0x4], $0x80, $0x38;
	[tilespmem:$0xE800] =	vst v63  }
0x145: {  	s1 =	sadd.s32 $0xC600, s25  }
0x146: {  	[hbm4b:s26+s3] =	stream.linear.scatter [tilespmem:s1], [sflag:$0x4], $0x80, $0x38;
	[tilespmem:$0xE800] =	vst v63  }
0x147: {  	s29 =	sadd.s32 $0xC688, s25;
	s28 =	sadd.s32 $0x10, s26  }
0x148: {  	[hbm4b:s28+s3] =	stream.linear.scatter [tilespmem:s29], [sflag:$0x4], $0x80, $0x38;
	[tilespmem:$0xE800] =	vst v63  }
0x149: {  	s30 =	sadd.s32 $0xC710, s25;
	s31 =	sadd.s32 $0x20, s26  }
0x14a: {  	[hbm4b:s31+s3] =	stream.linear.scatter [tilespmem:s30], [sflag:$0x4], $0x80, $0x38;
	[tilespmem:$0xE800] =	vst v63  }
0x14b: {  	s0 =	sadd.s32 $0xC798, s25;
	s18 =	sadd.s32 $0x30, s26  }
0x14c: {  	[hbm4b:s18+s3] =	stream.linear.scatter [tilespmem:s0], [sflag:$0x4], $0x80, $0x38;
	[tilespmem:$0xE800] =	vst v63  }
0x14d: {  	s29 =	sadd.s32 $0xC820, s25;
	s30 =	sadd.s32 $0x40, s26  }
0x14e: {  	[hbm4b:s30+s3] =	stream.linear.scatter [tilespmem:s29], [sflag:$0x4], $0x80, $0x38;
	[tilespmem:$0xE800] =	vst v63  }
0x14f: {  	s31 =	sadd.s32 $0xC8A8, s25;
	s0 =	sadd.s32 $0x50, s26  }
0x150: {  	[hbm4b:s0+s3] =	stream.linear.scatter [tilespmem:s31], [sflag:$0x4], $0x80, $0x38;
	[tilespmem:$0xE800] =	vst v63  }
0x151: {  	s18 =	sadd.s32 $0xC930, s25;
	s29 =	sadd.s32 $0x60, s26  }
0x152: {  	[hbm4b:s29+s3] =	stream.linear.scatter [tilespmem:s18], [sflag:$0x4], $0x80, $0x38;
	[tilespmem:$0xE800] =	vst v63  }
0x153: {  	s30 =	sadd.s32 $0xC9B8, s25;
	s31 =	sadd.s32 $0x70, s26  }
0x154: {  	[hbm4b:s31+s3] =	stream.linear.scatter [tilespmem:s30], [sflag:$0x4], $0x80, $0x38;
	[tilespmem:$0xE800] =	vst v63  }
0x155: {  	s25 =	simm.s32 $0x1  }
0x156: {  	[tilespmem:s15], [sflag:$0x2] =	stream.indirect.gather [hbm4b:s5+s13], $0x40, s21, s13, $0xb8;
	[tilespmem:$0xE800] =	vst v63  }
.LBB2_10:
0x157: {  	s1 =	simm.s32 $0x0;
	s30 =	simm.s32 $0x1;
	s26 =	simm.s32 $0x2  }
0x158: {  	s31 =	simm.s32 $0x3;
	s0 =	simm.s32 $0x4;
	s28 =	simm.s32 $0x7;
	v33 =	vmov s1;
	v34 =	vmov s30;
	v35 =	vmov s26  }
0x159: {  	_ =	swait.ge [sflag:s22], $0x2000;
	s18 =	simm.s32 $0x5;
	v36 =	vmov s31;
	v37 =	vmov s0;
	v38 =	vmov s28  }
0x15a: {  	[sflag:s22] =	ssyncset.done $0x0;
	v39 =	vmov s18;
	s30 =	simm.s32 $0x6;
	v33 =	vshrl.u32 v33, $0x3;
	v38 =	vshrl.u32 v38, $0x3  }
0x15b: {  	[sflag:s22] =	ssyncadd.s32 $0xFFFFE000;
	v40 =	vmov s30;
	v34 =	vshrl.u32 v34, $0x3;
	v35 =	vshrl.u32 v35, $0x3  }
0x15c: {  	v36 =	vshrl.u32 v36, $0x3;
	v37 =	vshrl.u32 v37, $0x3;
	_ =	swait.ge [sflag:s16], $0x2000;
	v38 =	vshll.u32 v38, v1  }
0x15d: {  	v55 =	vshrl.u32 v39, $0x3;
	v33 =	vshll.u32 v33, v1;
	[sflag:s16] =	ssyncset.done $0x0;
	v38 =	vbroadcast v38, $0x0  }
0x15e: {  	s26 =	simm.s32 $0x6500;
	v34 =	vshll.u32 v34, v1;
	v52 =	vshll.u32 v35, v1;
	v33 =	vbroadcast v33, $0x0;
	[sflag:s16] =	ssyncadd.s32 $0xFFFFE000  }
0x15f: {  	v53 =	vshll.u32 v36, v1;
	v45 =	vbroadcast v34, $0x0;
	v41 =	vld [tilespmem:s26+$0xC0];
	v42 =	vadd.s32 v29, v38  }
0x160: {  	v54 =	vshll.u32 v37, v1;
	v52 =	vbroadcast v52, $0x0;
	v43 =	vld [tilespmem:s26+$0xFFFFFF00];
	v44 =	vadd.s32 v0, v33  }
0x161: {  	v36 =	vshll.u32 v55, v1;
	v35 =	vbroadcast v53, $0x0;
	v46 =	vld [tilespmem:s26+$0xFFFFFF40];
	v47 =	vadd.s32 v5, v45  }
0x162: {  	v40 =	vshrl.u32 v40, $0x3;
	v34 =	vbroadcast v54, $0x0;
	v48 =	vld [tilespmem:s26+$0xFFFFFF80];
	v49 =	vadd.s32 v9, v52  }
0x163: {  	v37 =	vbroadcast v36, $0x0;
	v56 =	vshll.u32 v40, v1;
	v39 =	vld [tilespmem:s26+$0xFFFFFFC0];
	v50 =	vadd.s32 v13, v35  }
0x164: {  	v36 =	vbroadcast v56, $0x0;
	v51 =	vld [tilespmem:s26+$0x0];
	v53 =	vadd.s32 v17, v34;
	[tilespmem:v42+s17+$0x0] =	vst.idx.msk $0xffff, v41  }
0x165: {  	v59 =	vld [tilespmem:s26+$0x40];
	v60 =	vadd.s32 v21, v37;
	[tilespmem:v44+s17+$0x0] =	vst.idx.msk $0xffff, v43  }
0x166: {  	v61 =	vld [tilespmem:s26+$0x80];
	v62 =	vadd.s32 v25, v36;
	[tilespmem:v47+s17+$0x0] =	vst.idx.msk $0xffff, v46  }
0x167: {  	v58 =	vadd.s32 v30, v38;
	[tilespmem:v49+s17+$0x0] =	vst.idx.msk $0xffff, v48;
	v57 =	vld [tilespmem:s26+$0xD0]  }
0x168: {  	v63 =	vadd.s32 v6, v45;
	[tilespmem:v50+s17+$0x0] =	vst.idx.msk $0xffff, v39;
	v47 =	vld [tilespmem:s26+$0xFFFFFF50]  }
0x169: {  	v55 =	vadd.s32 v10, v52;
	[tilespmem:v53+s17+$0x0] =	vst.idx.msk $0xffff, v51;
	v54 =	vld [tilespmem:s26+$0xFFFFFF90]  }
0x16a: {  	v56 =	vadd.s32 v14, v35;
	[tilespmem:v60+s17+$0x0] =	vst.idx.msk $0xffff, v59;
	v50 =	vld [tilespmem:s26+$0xFFFFFFD0]  }
0x16b: {  	v46 =	vadd.s32 v22, v37;
	[tilespmem:v62+s17+$0x0] =	vst.idx.msk $0xffff, v61;
	v44 =	vld [tilespmem:s26+$0x50]  }
0x16c: {  	v59 =	vadd.s32 v18, v34;
	[tilespmem:v58+s17+$0x0] =	vst.idx.msk $0xffff, v57;
	v58 =	vld [tilespmem:s26+$0x10]  }
0x16d: {  	v57 =	vadd.s32 v31, v38;
	[tilespmem:v63+s17+$0x0] =	vst.idx.msk $0xffff, v47;
	v40 =	vld [tilespmem:s26+$0xE0]  }
0x16e: {  	v60 =	vadd.s32 v26, v36;
	[tilespmem:v55+s17+$0x0] =	vst.idx.msk $0xffff, v54;
	v63 =	vld [tilespmem:s26+$0x90]  }
0x16f: {  	v61 =	vld [tilespmem:s26+$0xFFFFFF10];
	v62 =	vadd.s32 v2, v33;
	[tilespmem:v56+s17+$0x0] =	vst.idx.msk $0xffff, v50  }
0x170: {  	v51 =	vadd.s32 v7, v45;
	[tilespmem:v46+s17+$0x0] =	vst.idx.msk $0xffff, v44;
	v50 =	vld [tilespmem:s26+$0xFFFFFF60]  }
0x171: {  	v56 =	vadd.s32 v11, v52;
	v55 =	vld [tilespmem:s26+$0xFFFFFFA0];
	[tilespmem:v59+s17+$0x0] =	vst.idx.msk $0xffff, v58  }
0x172: {  	v58 =	vadd.s32 v15, v35;
	[tilespmem:v57+s17+$0x0] =	vst.idx.msk $0xffff, v40;
	v57 =	vld [tilespmem:s26+$0xFFFFFFE0]  }
0x173: {  	[tilespmem:v60+s17+$0x0] =	vst.idx.msk $0xffff, v63;
	v60 =	vadd.s32 v19, v34;
	v59 =	vld [tilespmem:s26+$0x20]  }
0x174: {  	s0 =	simm.s32 $0x9;
	v38 =	vadd.s32 v32, v38;
	[tilespmem:v62+s17+$0x0] =	vst.idx.msk $0xffff, v61;
	v54 =	vld [tilespmem:s26+$0xF0]  }
0x175: {  	s31 =	simm.s32 $0x8;
	v41 =	vadd.s32 v23, v37;
	v53 =	vmov s0;
	[tilespmem:v51+s17+$0x0] =	vst.idx.msk $0xffff, v50;
	v40 =	vld [tilespmem:s26+$0x60]  }
0x176: {  	s28 =	simm.s32 $0xB;
	s30 =	simm.s32 $0xC;
	v43 =	vadd.s32 v27, v36;
	v48 =	vadd.s32 v3, v33;
	v63 =	vmov s31;
	v42 =	vld [tilespmem:s26+$0xA0];
	[tilespmem:v56+s17+$0x0] =	vst.idx.msk $0xffff, v55  }
0x177: {  	v44 =	vmov s28;
	v47 =	vmov s30;
	v46 =	vld [tilespmem:s26+$0xFFFFFF20];
	s31 =	simm.s32 $0xE;
	v39 =	vshrl.u32 v63, $0x3;
	[tilespmem:v58+s17+$0x0] =	vst.idx.msk $0xffff, v57  }
0x178: {  	s18 =	simm.s32 $0xA;
	s28 =	simm.s32 $0xD;
	v51 =	vadd.s32 v8, v45;
	v49 =	vld [tilespmem:s26+$0xFFFFFF70];
	v45 =	vshll.u32 v39, v1;
	v39 =	vmov s31;
	[tilespmem:v60+s17+$0x0] =	vst.idx.msk $0xffff, v59  }
0x179: {  	s29 =	simm.s32 $0xF;
	v52 =	vadd.s32 v12, v52;
	v50 =	vld [tilespmem:s26+$0xFFFFFFB0];
	[tilespmem:v38+s17+$0x0] =	vst.idx.msk $0xffff, v54;
	v54 =	vmov s18;
	v38 =	vmov s28;
	s28 =	simm.s32 $0x10  }
.LBB2_11:
0x17a: {  	p0 =	slt.u32 s28, $0x78;
	v53 =	vshrl.u32 v53, $0x3;
	v55 =	vmov s29;
	v56 =	vld [tilespmem:s26+$0xFFFFFFF0];
	v35 =	vadd.s32 v16, v35;
	[tilespmem:v41+s17+$0x0] =	vst.idx.msk $0xffff, v40  }
0x17b: {  	v40 =	vshrl.u32 v54, $0x3;
	v34 =	vadd.s32 v20, v34;
	v41 =	vshrl.u32 v55, $0x3;
	v54 =	vld [tilespmem:s26+$0x30];
	[tilespmem:v43+s17+$0x0] =	vst.idx.msk $0xffff, v42  }
0x17c: {  	v37 =	vadd.s32 v24, v37;
	v42 =	vshrl.u32 v44, $0x3;
	v41 =	vshll.u32 v41, v1;
	[tilespmem:v48+s17+$0x0] =	vst.idx.msk $0xffff, v46;
	v43 =	vld [tilespmem:s26+$0x70]  }
0x17d: {  	v36 =	vadd.s32 v28, v36;
	v44 =	vshrl.u32 v47, $0x3;
	v41 =	vbroadcast v41, $0x0;
	[tilespmem:v51+s17+$0x0] =	vst.idx.msk $0xffff, v49;
	v46 =	vld [tilespmem:s26+$0xB0]  }
0x17e: {  	v47 =	vshll.u32 v53, v1;
	v49 =	vadd.s32 v4, v33;
	v33 =	vbroadcast v45, $0x0;
	v48 =	vld [tilespmem:s26+$0xFFFFFF30];
	[tilespmem:v52+s17+$0x0] =	vst.idx.msk $0xffff, v50;
	s26 =	sadd.s32 $0x200, s26  }
0x17f: {  	v40 =	vshll.u32 v40, v1;
	v45 =	vbroadcast v47, $0x0;
	v47 =	vld [tilespmem:s26+$0xC0];
	v50 =	vadd.s32 v29, v41;
	[tilespmem:v35+s17+$0x0] =	vst.idx.msk $0xffff, v56  }
0x180: {  	v55 =	vbroadcast v40, $0x0;
	v52 =	vadd.s32 v0, v33;
	v35 =	vshll.u32 v42, v1;
	v51 =	vld [tilespmem:s26+$0xFFFFFF00];
	[tilespmem:v34+s17+$0x0] =	vst.idx.msk $0xffff, v54  }
0x181: {  	v42 =	vadd.s32 v5, v45;
	v35 =	vbroadcast v35, $0x0;
	v34 =	vshll.u32 v44, v1;
	v40 =	vld [tilespmem:s26+$0xFFFFFF40];
	[tilespmem:v37+s17+$0x0] =	vst.idx.msk $0xffff, v43  }
0x182: {  	v44 =	vadd.s32 v9, v55;
	v34 =	vbroadcast v34, $0x0;
	v37 =	vshrl.u32 v38, $0x3;
	v43 =	vld [tilespmem:s26+$0xFFFFFF80];
	[tilespmem:v36+s17+$0x0] =	vst.idx.msk $0xffff, v46  }
0x183: {  	v39 =	vshrl.u32 v39, $0x3;
	v46 =	vadd.s32 v13, v35;
	v36 =	vshll.u32 v37, v1;
	v38 =	vld [tilespmem:s26+$0xFFFFFFC0];
	[tilespmem:v49+s17+$0x0] =	vst.idx.msk $0xffff, v48  }
0x184: {  	v49 =	vadd.s32 v17, v34;
	v37 =	vbroadcast v36, $0x0;
	v36 =	vshll.u32 v39, v1;
	v48 =	vld [tilespmem:s26+$0x0];
	[tilespmem:v50+s17+$0x0] =	vst.idx.msk $0xffff, v47  }
0x185: {  	v36 =	vbroadcast v36, $0x0;
	v47 =	vadd.s32 v30, v41;
	[tilespmem:v52+s17+$0x0] =	vst.idx.msk $0xffff, v51;
	v39 =	vld [tilespmem:s26+$0xD0]  }
0x186: {  	[tilespmem:v42+s17+$0x0] =	vst.idx.msk $0xffff, v40;
	v40 =	vld [tilespmem:s26+$0x40];
	v42 =	vadd.s32 v21, v37  }
0x187: {  	[tilespmem:v44+s17+$0x0] =	vst.idx.msk $0xffff, v43;
	v43 =	vld [tilespmem:s26+$0x80];
	v44 =	vadd.s32 v25, v36  }
0x188: {  	v51 =	vadd.s32 v6, v45;
	v50 =	vld [tilespmem:s26+$0xFFFFFF50];
	[tilespmem:v46+s17+$0x0] =	vst.idx.msk $0xffff, v38  }
0x189: {  	v46 =	vadd.s32 v10, v55;
	v38 =	vld [tilespmem:s26+$0xFFFFFF90];
	[tilespmem:v49+s17+$0x0] =	vst.idx.msk $0xffff, v48  }
0x18a: {  	v49 =	vadd.s32 v14, v35;
	v48 =	vld [tilespmem:s26+$0xFFFFFFD0];
	[tilespmem:v47+s17+$0x0] =	vst.idx.msk $0xffff, v39  }
0x18b: {  	[tilespmem:v42+s17+$0x0] =	vst.idx.msk $0xffff, v40;
	v39 =	vld [tilespmem:s26+$0xE0];
	v40 =	vadd.s32 v31, v41  }
0x18c: {  	v47 =	vadd.s32 v18, v34;
	v42 =	vld [tilespmem:s26+$0x10];
	[tilespmem:v44+s17+$0x0] =	vst.idx.msk $0xffff, v43  }
0x18d: {  	v44 =	vadd.s32 v22, v37;
	[tilespmem:v51+s17+$0x0] =	vst.idx.msk $0xffff, v50;
	v43 =	vld [tilespmem:s26+$0x50]  }
0x18e: {  	[tilespmem:v46+s17+$0x0] =	vst.idx.msk $0xffff, v38;
	v38 =	vld [tilespmem:s26+$0x90];
	v46 =	vadd.s32 v26, v36  }
0x18f: {  	v51 =	vadd.s32 v2, v33;
	v50 =	vld [tilespmem:s26+$0xFFFFFF10];
	[tilespmem:v49+s17+$0x0] =	vst.idx.msk $0xffff, v48  }
0x190: {  	v49 =	vadd.s32 v7, v45;
	v48 =	vld [tilespmem:s26+$0xFFFFFF60];
	[tilespmem:v40+s17+$0x0] =	vst.idx.msk $0xffff, v39  }
0x191: {  	[tilespmem:v47+s17+$0x0] =	vst.idx.msk $0xffff, v42;
	v39 =	vld [tilespmem:s26+$0xF0];
	v47 =	vadd.s32 v32, v41  }
0x192: {  	v56 =	vadd.s32 v11, v55;
	v52 =	vld [tilespmem:s26+$0xFFFFFFA0];
	[tilespmem:v44+s17+$0x0] =	vst.idx.msk $0xffff, v43  }
0x193: {  	v58 =	vadd.s32 v15, v35;
	v57 =	vld [tilespmem:s26+$0xFFFFFFE0];
	[tilespmem:v46+s17+$0x0] =	vst.idx.msk $0xffff, v38  }
0x194: {  	v60 =	vadd.s32 v19, v34;
	[tilespmem:v51+s17+$0x0] =	vst.idx.msk $0xffff, v50;
	v59 =	vld [tilespmem:s26+$0x20]  }
.Ltmp4:
0x195: {  	s1 =	sadd.s32 $0x1, s28;
	v41 =	vadd.s32 v23, v37;
	v38 =	vmov s28;
	[tilespmem:v49+s17+$0x0] =	vst.idx.msk $0xffff, v48;
	v40 =	vld [tilespmem:s26+$0x60];
	(pc) =	sbr.rel @p0 .LBB2_11-.Ltmp4, $4  }
0x196: {  	s29 =	sadd.s32 $0x3, s28;
	v53 =	vmov s1;
	s1 =	sadd.s32 $0x2, s28;
	v43 =	vadd.s32 v27, v36;
	v50 =	vshrl.u32 v38, $0x3;
	v42 =	vld [tilespmem:s26+$0xA0];
	[tilespmem:v47+s17+$0x0] =	vst.idx.msk $0xffff, v39  }
0x197: {  	v54 =	vmov s1;
	s1 =	sadd.s32 $0x4, s28;
	v44 =	vmov s29;
	s29 =	sadd.s32 $0x5, s28;
	v48 =	vadd.s32 v3, v33;
	v46 =	vld [tilespmem:s26+$0xFFFFFF20];
	[tilespmem:v56+s17+$0x0] =	vst.idx.msk $0xffff, v52  }
0x198: {  	v38 =	vmov s29;
	v51 =	vadd.s32 v8, v45;
	v47 =	vmov s1;
	s1 =	sadd.s32 $0x6, s28;
	v49 =	vld [tilespmem:s26+$0xFFFFFF70];
	[tilespmem:v58+s17+$0x0] =	vst.idx.msk $0xffff, v57  }
0x199: {  	s29 =	sadd.s32 $0x7, s28;
	v45 =	vshll.u32 v50, v1;
	s28 =	sadd.s32 $0x8, s28;
	v39 =	vmov s1;
	v52 =	vadd.s32 v12, v55;
	v50 =	vld [tilespmem:s26+$0xFFFFFFB0];
	[tilespmem:v60+s17+$0x0] =	vst.idx.msk $0xffff, v59  }
0x19a: {  	_ =	sdelay $0x2  }
0x19b: {  	v53 =	vshrl.u32 v53, $0x3  }
0x19c: {  	v55 =	vmov s29;
	v56 =	vld [tilespmem:s26+$0xFFFFFFF0];
	v35 =	vadd.s32 v16, v35;
	[tilespmem:v41+s17+$0x0] =	vst.idx.msk $0xffff, v40;
	v57 =	vshrl.u32 v54, $0x3  }
0x19d: {  	v59 =	vld [tilespmem:s26+$0x30];
	v34 =	vadd.s32 v20, v34;
	v60 =	vshrl.u32 v44, $0x3;
	v58 =	vshrl.u32 v55, $0x3;
	[tilespmem:v43+s17+$0x0] =	vst.idx.msk $0xffff, v42  }
0x19e: {  	v37 =	vadd.s32 v24, v37;
	v62 =	vshrl.u32 v47, $0x3;
	v61 =	vld [tilespmem:s26+$0x70];
	v41 =	vshll.u32 v58, v1;
	[tilespmem:v48+s17+$0x0] =	vst.idx.msk $0xffff, v46  }
0x19f: {  	v36 =	vadd.s32 v28, v36;
	v45 =	vbroadcast v45, $0x0;
	v63 =	vld [tilespmem:s26+$0xB0];
	v41 =	vbroadcast v41, $0x0;
	[tilespmem:v51+s17+$0x0] =	vst.idx.msk $0xffff, v49  }
0x1a0: {  	v33 =	vadd.s32 v4, v33;
	s28 =	sadd.s32 $0x200, s26;
	v38 =	vshrl.u32 v38, $0x3;
	v55 =	vshll.u32 v53, v1;
	v48 =	vld [tilespmem:s26+$0xFFFFFF30];
	[tilespmem:v52+s17+$0x0] =	vst.idx.msk $0xffff, v50  }
0x1a1: {  	v40 =	vshll.u32 v57, v1;
	v47 =	vbroadcast v55, $0x0;
	v49 =	vld [tilespmem:s28+$0xC0];
	v50 =	vadd.s32 v29, v41;
	[tilespmem:v35+s17+$0x0] =	vst.idx.msk $0xffff, v56  }
0x1a2: {  	v42 =	vshll.u32 v60, v1;
	v40 =	vbroadcast v40, $0x0;
	v35 =	vld [tilespmem:s28+$0xFFFFFF00];
	v56 =	vadd.s32 v0, v45;
	[tilespmem:v34+s17+$0x0] =	vst.idx.msk $0xffff, v59  }
0x1a3: {  	v57 =	vld [tilespmem:s28+$0xFFFFFF40];
	v44 =	vshll.u32 v62, v1;
	v42 =	vbroadcast v42, $0x0;
	v58 =	vadd.s32 v5, v47;
	[tilespmem:v37+s17+$0x0] =	vst.idx.msk $0xffff, v61  }
0x1a4: {  	v38 =	vshll.u32 v38, v1;
	v44 =	vbroadcast v44, $0x0;
	v60 =	vadd.s32 v9, v40;
	v59 =	vld [tilespmem:s28+$0xFFFFFF80];
	[tilespmem:v36+s17+$0x0] =	vst.idx.msk $0xffff, v63  }
0x1a5: {  	v38 =	vbroadcast v38, $0x0;
	v62 =	vadd.s32 v13, v42;
	v61 =	vld [tilespmem:s28+$0xFFFFFFC0];
	[tilespmem:v33+s17+$0x0] =	vst.idx.msk $0xffff, v48  }
0x1a6: {  	v39 =	vshrl.u32 v39, $0x3;
	v63 =	vadd.s32 v17, v44;
	v33 =	vld [tilespmem:s28+$0x0];
	[tilespmem:v50+s17+$0x0] =	vst.idx.msk $0xffff, v49  }
0x1a7: {  	v39 =	vshll.u32 v39, v1;
	v34 =	vld [tilespmem:s28+$0x40];
	[tilespmem:v56+s17+$0x0] =	vst.idx.msk $0xffff, v35;
	v56 =	vadd.s32 v21, v38  }
0x1a8: {  	[tilespmem:v58+s17+$0x0] =	vst.idx.msk $0xffff, v57;
	v35 =	vbroadcast v39, $0x0;
	v49 =	vadd.s32 v30, v41;
	v39 =	vld [tilespmem:s28+$0xD0]  }
0x1a9: {  	[tilespmem:v60+s17+$0x0] =	vst.idx.msk $0xffff, v59;
	v59 =	vld [tilespmem:s28+$0xFFFFFF50];
	v60 =	vadd.s32 v6, v47  }
0x1aa: {  	v57 =	vld [tilespmem:s28+$0x80];
	[tilespmem:v62+s17+$0x0] =	vst.idx.msk $0xffff, v61;
	v58 =	vadd.s32 v25, v35  }
0x1ab: {  	v61 =	vld [tilespmem:s28+$0xFFFFFF90];
	v62 =	vadd.s32 v10, v40;
	[tilespmem:v63+s17+$0x0] =	vst.idx.msk $0xffff, v33  }
0x1ac: {  	v33 =	vld [tilespmem:s28+$0xFFFFFFD0];
	v63 =	vadd.s32 v14, v42;
	[tilespmem:v56+s17+$0x0] =	vst.idx.msk $0xffff, v34  }
0x1ad: {  	v56 =	vadd.s32 v18, v44;
	[tilespmem:v49+s17+$0x0] =	vst.idx.msk $0xffff, v39;
	v49 =	vld [tilespmem:s28+$0x10]  }
0x1ae: {  	[tilespmem:v60+s17+$0x0] =	vst.idx.msk $0xffff, v59;
	v39 =	vadd.s32 v31, v41;
	v34 =	vld [tilespmem:s28+$0xE0]  }
0x1af: {  	[tilespmem:v58+s17+$0x0] =	vst.idx.msk $0xffff, v57;
	v57 =	vld [tilespmem:s28+$0x50];
	v58 =	vadd.s32 v22, v38  }
0x1b0: {  	[tilespmem:v62+s17+$0x0] =	vst.idx.msk $0xffff, v61;
	v61 =	vld [tilespmem:s28+$0xFFFFFF10];
	v62 =	vadd.s32 v2, v45  }
0x1b1: {  	v60 =	vadd.s32 v26, v35;
	v59 =	vld [tilespmem:s28+$0x90];
	[tilespmem:v63+s17+$0x0] =	vst.idx.msk $0xffff, v33  }
0x1b2: {  	v55 =	vadd.s32 v11, v40;
	v54 =	vadd.s32 v32, v41;
	v41 =	vld [tilespmem:s28+$0xFFFFFFA0];
	[tilespmem:v56+s17+$0x0] =	vst.idx.msk $0xffff, v49  }
0x1b3: {  	v53 =	vadd.s32 v7, v47;
	v63 =	vld [tilespmem:s28+$0xFFFFFF60];
	[tilespmem:v39+s17+$0x0] =	vst.idx.msk $0xffff, v34  }
0x1b4: {  	v56 =	vld [tilespmem:s28+$0xFFFFFFE0];
	[tilespmem:v58+s17+$0x0] =	vst.idx.msk $0xffff, v57;
	v57 =	vadd.s32 v15, v42  }
0x1b5: {  	[tilespmem:v62+s17+$0x0] =	vst.idx.msk $0xffff, v61;
	v34 =	vld [tilespmem:s28+$0xF0]  }
0x1b6: {  	v58 =	vld [tilespmem:s28+$0x20];
	[tilespmem:v60+s17+$0x0] =	vst.idx.msk $0xffff, v59;
	v59 =	vadd.s32 v19, v44  }
0x1b7: {  	v61 =	vadd.s32 v23, v38;
	[tilespmem:v55+s17+$0x0] =	vst.idx.msk $0xffff, v41;
	v60 =	vld [tilespmem:s28+$0x60]  }
0x1b8: {  	[tilespmem:v53+s17+$0x0] =	vst.idx.msk $0xffff, v63;
	v63 =	vadd.s32 v27, v35;
	v62 =	vld [tilespmem:s28+$0xA0]  }
0x1b9: {  	v47 =	vadd.s32 v8, v47;
	v55 =	vld [tilespmem:s28+$0xFFFFFF70];
	[tilespmem:v57+s17+$0x0] =	vst.idx.msk $0xffff, v56  }
0x1ba: {  	v53 =	vld [tilespmem:s28+$0xFFFFFF20];
	[tilespmem:v54+s17+$0x0] =	vst.idx.msk $0xffff, v34;
	v54 =	vadd.s32 v3, v45  }
0x1bb: {  	v40 =	vadd.s32 v12, v40;
	v56 =	vld [tilespmem:s28+$0xFFFFFFB0];
	[tilespmem:v59+s17+$0x0] =	vst.idx.msk $0xffff, v58  }
0x1bc: {  	v42 =	vadd.s32 v16, v42;
	v57 =	vld [tilespmem:s28+$0xFFFFFFF0];
	[tilespmem:v61+s17+$0x0] =	vst.idx.msk $0xffff, v60  }
0x1bd: {  	v59 =	vadd.s32 v20, v44;
	v58 =	vld [tilespmem:s28+$0x30];
	[tilespmem:v63+s17+$0x0] =	vst.idx.msk $0xffff, v62  }
0x1be: {  	s26 =	sshll.u32 s25, $0x1;
	v38 =	vadd.s32 v24, v38;
	v60 =	vld [tilespmem:s28+$0x70];
	[tilespmem:v47+s17+$0x0] =	vst.idx.msk $0xffff, v55  }
0x1bf: {  	s1 =	sadd.s32 s4, s26;
	v35 =	vadd.s32 v28, v35;
	v61 =	vld [tilespmem:s28+$0xB0];
	[tilespmem:v54+s17+$0x0] =	vst.idx.msk $0xffff, v53  }
0x1c0: {  	v63 =	vadd.s32 v4, v45;
	[tilespmem:v40+s17+$0x0] =	vst.idx.msk $0xffff, v56;
	v62 =	vld [tilespmem:s28+$0xFFFFFF30];
	s28 =	sshrl.u32 s1, $0x5  }
0x1c1: {  	[tilespmem:v42+s17+$0x0] =	vst.idx.msk $0xffff, v57;
	s1 =	sshll.u32 s1, $0xA;
	s29 =	sshll.u32 s28, $0xF  }
0x1c2: {  	[tilespmem:v59+s17+$0x0] =	vst.idx.msk $0xffff, v58;
	s28 =	sshll.u32 s28, $0x12;
	s1 =	ssub.s32 s1, s29  }
0x1c3: {  	[tilespmem:v38+s17+$0x0] =	vst.idx.msk $0xffff, v60;
	s1 =	sadd.s32 s28, s1  }
0x1c4: {  	[tilespmem:v35+s17+$0x0] =	vst.idx.msk $0xffff, v61;
	s1 =	sshrl.u32 s1, $0x3  }
0x1c5: {  	s18 =	simm.s32 $0xA400;
	[tilespmem:v63+s17+$0x0] =	vst.idx.msk $0xffff, v62;
	s29 =	sadd.s32 s2, s1  }
0x1c6: {  	[hbm4b:s29+s3] =	stream.linear.scatter [tilespmem:s18], [sflag:$0x3], $0x80, $0x38;
	[tilespmem:$0xE800] =	vst v63  }
0x1c7: {  	s0 =	simm.s32 $0xA488;
	s28 =	sadd.s32 $0x10, s29  }
0x1c8: {  	[hbm4b:s28+s3] =	stream.linear.scatter [tilespmem:s0], [sflag:$0x3], $0x80, $0x38;
	[tilespmem:$0xE800] =	vst v63  }
0x1c9: {  	s18 =	simm.s32 $0xA510;
	s28 =	sadd.s32 $0x20, s29  }
0x1ca: {  	[hbm4b:s28+s3] =	stream.linear.scatter [tilespmem:s18], [sflag:$0x3], $0x80, $0x38;
	[tilespmem:$0xE800] =	vst v63  }
0x1cb: {  	s0 =	simm.s32 $0xA598;
	s28 =	sadd.s32 $0x30, s29  }
0x1cc: {  	[hbm4b:s28+s3] =	stream.linear.scatter [tilespmem:s0], [sflag:$0x3], $0x80, $0x38;
	[tilespmem:$0xE800] =	vst v63  }
0x1cd: {  	s18 =	simm.s32 $0xA620;
	s28 =	sadd.s32 $0x40, s29  }
0x1ce: {  	[hbm4b:s28+s3] =	stream.linear.scatter [tilespmem:s18], [sflag:$0x3], $0x80, $0x38;
	[tilespmem:$0xE800] =	vst v63  }
0x1cf: {  	s30 =	simm.s32 $0x2200;
	s0 =	simm.s32 $0xA6A8;
	s28 =	sadd.s32 $0x50, s29  }
0x1d0: {  	[hbm4b:s28+s3] =	stream.linear.scatter [tilespmem:s0], [sflag:$0x3], $0x80, $0x38;
	[tilespmem:$0xE800] =	vst v63  }
0x1d1: {  	s31 =	simm.s32 $0xA7B8;
	s18 =	simm.s32 $0xA730;
	s28 =	sadd.s32 $0x60, s29  }
0x1d2: {  	[hbm4b:s28+s3] =	stream.linear.scatter [tilespmem:s18], [sflag:$0x3], $0x80, $0x38;
	[tilespmem:$0xE800] =	vst v63  }
0x1d3: {  	s1 =	sadd.s32 $0x70, s29;
	s29 =	sadd.s32 $0x1000, s29;
	s28 =	simm.s32 $0x440  }
.LBB2_13:
0x1d4: {  	[hbm4b:s1+s3] =	stream.linear.scatter [tilespmem:s31], [sflag:$0x3], $0x80, $0x38;
	[tilespmem:$0xE800] =	vst v63  }
0x1d5: {  	s1 =	smov.u32 s28;
	s28 =	smov.u32 s30  }
0x1d6: {  	s0 =	sadd.s32 $0x1100, s30;
	s28 =	sshra.s32 s28, $0x2;
	s31 =	sadd.s32 $0xA400, s1  }
0x1d7: {  	[hbm4b:s29+s3] =	stream.linear.scatter [tilespmem:s31], [sflag:$0x3], $0x80, $0x38;
	[tilespmem:$0xE800] =	vst v63  }
0x1d8: {  	p0 =	sne.s32 s30, $0x7700;
	s30 =	sadd.s32 $0xA488, s1;
	s31 =	sadd.s32 $0x10, s29  }
0x1d9: {  	[hbm4b:s31+s3] =	stream.linear.scatter [tilespmem:s30], [sflag:$0x3], $0x80, $0x38;
	[tilespmem:$0xE800] =	vst v63  }
0x1da: {  	s30 =	sadd.s32 $0xA510, s1;
	s31 =	sadd.s32 $0x20, s29  }
0x1db: {  	[hbm4b:s31+s3] =	stream.linear.scatter [tilespmem:s30], [sflag:$0x3], $0x80, $0x38;
	[tilespmem:$0xE800] =	vst v63  }
0x1dc: {  	s30 =	sadd.s32 $0xA598, s1;
	s31 =	sadd.s32 $0x30, s29  }
0x1dd: {  	[hbm4b:s31+s3] =	stream.linear.scatter [tilespmem:s30], [sflag:$0x3], $0x80, $0x38;
	[tilespmem:$0xE800] =	vst v63  }
0x1de: {  	s30 =	sadd.s32 $0xA620, s1;
	s31 =	sadd.s32 $0x40, s29  }
0x1df: {  	[hbm4b:s31+s3] =	stream.linear.scatter [tilespmem:s30], [sflag:$0x3], $0x80, $0x38;
	[tilespmem:$0xE800] =	vst v63  }
0x1e0: {  	s30 =	sadd.s32 $0xA6A8, s1;
	s31 =	sadd.s32 $0x50, s29  }
0x1e1: {  	[hbm4b:s31+s3] =	stream.linear.scatter [tilespmem:s30], [sflag:$0x3], $0x80, $0x38;
	[tilespmem:$0xE800] =	vst v63  }
.Ltmp5:
0x1e2: {  	_ = 	snop;
	(pc) =	sbr.rel @p0 .LBB2_13-.Ltmp5, $4  }
0x1e3: {  	s30 =	sadd.s32 $0xA730, s1;
	s31 =	sadd.s32 $0x60, s29  }
0x1e4: {  	[hbm4b:s31+s3] =	stream.linear.scatter [tilespmem:s30], [sflag:$0x3], $0x80, $0x38;
	[tilespmem:$0xE800] =	vst v63  }
0x1e5: {  	s31 =	sadd.s32 $0xA7B8, s1  }
0x1e6: {  	s1 =	sadd.s32 $0x70, s29;
	s29 =	sadd.s32 $0x1000, s29;
	s30 =	smov.u32 s0  }
0x1e7: {  	[hbm4b:s1+s3] =	stream.linear.scatter [tilespmem:s31], [sflag:$0x3], $0x80, $0x38;
	[tilespmem:$0xE800] =	vst v63  }
0x1e8: {  	s0 =	sadd.s32 $0xA400, s28  }
0x1e9: {  	[hbm4b:s29+s3] =	stream.linear.scatter [tilespmem:s0], [sflag:$0x3], $0x80, $0x38;
	[tilespmem:$0xE800] =	vst v63  }
0x1ea: {  	s1 =	sadd.s32 $0xA488, s28;
	s18 =	sadd.s32 $0x10, s29  }
0x1eb: {  	[hbm4b:s18+s3] =	stream.linear.scatter [tilespmem:s1], [sflag:$0x3], $0x80, $0x38;
	[tilespmem:$0xE800] =	vst v63  }
0x1ec: {  	s1 =	sadd.s32 $0xA510, s28;
	s18 =	sadd.s32 $0x20, s29  }
0x1ed: {  	[hbm4b:s18+s3] =	stream.linear.scatter [tilespmem:s1], [sflag:$0x3], $0x80, $0x38;
	[tilespmem:$0xE800] =	vst v63  }
0x1ee: {  	s1 =	sadd.s32 $0xA598, s28;
	s18 =	sadd.s32 $0x30, s29  }
0x1ef: {  	[hbm4b:s18+s3] =	stream.linear.scatter [tilespmem:s1], [sflag:$0x3], $0x80, $0x38;
	[tilespmem:$0xE800] =	vst v63  }
0x1f0: {  	s1 =	sadd.s32 $0xA620, s28;
	s18 =	sadd.s32 $0x40, s29  }
0x1f1: {  	[hbm4b:s18+s3] =	stream.linear.scatter [tilespmem:s1], [sflag:$0x3], $0x80, $0x38;
	[tilespmem:$0xE800] =	vst v63  }
0x1f2: {  	s1 =	sadd.s32 $0xA6A8, s28;
	s18 =	sadd.s32 $0x50, s29  }
0x1f3: {  	[hbm4b:s18+s3] =	stream.linear.scatter [tilespmem:s1], [sflag:$0x3], $0x80, $0x38;
	[tilespmem:$0xE800] =	vst v63  }
0x1f4: {  	s1 =	sadd.s32 $0xA730, s28;
	s18 =	sadd.s32 $0x60, s29  }
0x1f5: {  	[hbm4b:s18+s3] =	stream.linear.scatter [tilespmem:s1], [sflag:$0x3], $0x80, $0x38;
	[tilespmem:$0xE800] =	vst v63  }
0x1f6: {  	s1 =	sadd.s32 $0xA7B8, s28;
	s18 =	sadd.s32 $0x70, s29  }
0x1f7: {  	[hbm4b:s18+s3] =	stream.linear.scatter [tilespmem:s1], [sflag:$0x3], $0x80, $0x38;
	[tilespmem:$0xE800] =	vst v63  }
0x1f8: {  	s18 =	sshll.u32 s25, $0x8  }
0x1f9: {  	s29 =	simm.s32 $0x7;
	s28 =	sand.u32 $0x3FFFFF00, s18  }
0x1fa: {  	v38 =	vmov s29;
	s1 =	simm.s32 $0x0;
	s18 =	simm.s32 $0x1;
	s0 =	sadd.s32 $0x100, s28  }
0x1fb: {  	v38 =	vshrl.u32 v38, $0x3;
	v33 =	vmov s1;
	[tilespmem:s14], [sflag:$0x1] =	stream.indirect.gather [hbm4b:s5+s13], $0x40, s0, s13, $0xb8;
	[tilespmem:$0xE800] =	vst v63  }
0x1fc: {  	s1 =	simm.s32 $0x2;
	v38 =	vshll.u32 v38, v1;
	v33 =	vshrl.u32 v33, $0x3;
	v34 =	vmov s18;
	s18 =	simm.s32 $0x3;
	_ =	swait.ge [sflag:s23], $0x2000  }
0x1fd: {  	v35 =	vmov s1;
	s1 =	simm.s32 $0x4;
	v38 =	vbroadcast v38, $0x0;
	v36 =	vmov s18;
	[sflag:s23] =	ssyncset.done $0x0  }
0x1fe: {  	s18 =	simm.s32 $0x5;
	v37 =	vmov s1;
	v33 =	vshll.u32 v33, v1;
	v34 =	vshrl.u32 v34, $0x3;
	[sflag:s23] =	ssyncadd.s32 $0xFFFFE000  }
0x1ff: {  	v35 =	vshrl.u32 v35, $0x3;
	v39 =	vmov s18;
	v36 =	vshrl.u32 v36, $0x3;
	_ =	swait.ge [sflag:s19], $0x2000  }
0x200: {  	s18 =	simm.s32 $0x6;
	v37 =	vshrl.u32 v37, $0x3;
	v33 =	vbroadcast v33, $0x0;
	v34 =	vshll.u32 v34, v1;
	[sflag:s19] =	ssyncset.done $0x0  }
0x201: {  	s29 =	simm.s32 $0x8500;
	v52 =	vshll.u32 v35, v1;
	v42 =	vadd.s32 v29, v38;
	v40 =	vmov s18;
	[sflag:s19] =	ssyncadd.s32 $0xFFFFE000  }
0x202: {  	v45 =	vbroadcast v34, $0x0;
	v52 =	vbroadcast v52, $0x0;
	v53 =	vshll.u32 v36, v1;
	v41 =	vld [tilespmem:s29+$0xC0]  }
0x203: {  	v54 =	vshll.u32 v37, v1;
	v55 =	vshrl.u32 v39, $0x3;
	v44 =	vadd.s32 v0, v33;
	v43 =	vld [tilespmem:s29+$0xFFFFFF00]  }
0x204: {  	v35 =	vbroadcast v53, $0x0;
	v34 =	vbroadcast v54, $0x0;
	v47 =	vadd.s32 v5, v45;
	v46 =	vld [tilespmem:s29+$0xFFFFFF40]  }
0x205: {  	v36 =	vshll.u32 v55, v1;
	v40 =	vshrl.u32 v40, $0x3;
	v49 =	vadd.s32 v9, v52;
	v48 =	vld [tilespmem:s29+$0xFFFFFF80]  }
0x206: {  	v37 =	vbroadcast v36, $0x0;
	v56 =	vshll.u32 v40, v1;
	v50 =	vadd.s32 v13, v35;
	v39 =	vld [tilespmem:s29+$0xFFFFFFC0]  }
0x207: {  	v53 =	vadd.s32 v17, v34;
	v36 =	vbroadcast v56, $0x0;
	v51 =	vld [tilespmem:s29+$0x0];
	[tilespmem:v42+s20+$0x0] =	vst.idx.msk $0xffff, v41  }
0x208: {  	v60 =	vadd.s32 v21, v37;
	v59 =	vld [tilespmem:s29+$0x40];
	[tilespmem:v44+s20+$0x0] =	vst.idx.msk $0xffff, v43  }
0x209: {  	v61 =	vld [tilespmem:s29+$0x80];
	v62 =	vadd.s32 v25, v36;
	[tilespmem:v47+s20+$0x0] =	vst.idx.msk $0xffff, v46  }
0x20a: {  	v58 =	vadd.s32 v30, v38;
	[tilespmem:v49+s20+$0x0] =	vst.idx.msk $0xffff, v48;
	v57 =	vld [tilespmem:s29+$0xD0]  }
0x20b: {  	v63 =	vadd.s32 v6, v45;
	[tilespmem:v50+s20+$0x0] =	vst.idx.msk $0xffff, v39;
	v47 =	vld [tilespmem:s29+$0xFFFFFF50]  }
0x20c: {  	v55 =	vadd.s32 v10, v52;
	[tilespmem:v53+s20+$0x0] =	vst.idx.msk $0xffff, v51;
	v54 =	vld [tilespmem:s29+$0xFFFFFF90]  }
0x20d: {  	v56 =	vadd.s32 v14, v35;
	[tilespmem:v60+s20+$0x0] =	vst.idx.msk $0xffff, v59;
	v50 =	vld [tilespmem:s29+$0xFFFFFFD0]  }
0x20e: {  	[tilespmem:v62+s20+$0x0] =	vst.idx.msk $0xffff, v61;
	v46 =	vadd.s32 v22, v37;
	v44 =	vld [tilespmem:s29+$0x50]  }
0x20f: {  	v59 =	vadd.s32 v18, v34;
	[tilespmem:v58+s20+$0x0] =	vst.idx.msk $0xffff, v57;
	v58 =	vld [tilespmem:s29+$0x10]  }
0x210: {  	v57 =	vadd.s32 v31, v38;
	[tilespmem:v63+s20+$0x0] =	vst.idx.msk $0xffff, v47;
	v40 =	vld [tilespmem:s29+$0xE0]  }
0x211: {  	v62 =	vadd.s32 v2, v33;
	v61 =	vld [tilespmem:s29+$0xFFFFFF10];
	[tilespmem:v55+s20+$0x0] =	vst.idx.msk $0xffff, v54  }
0x212: {  	v60 =	vadd.s32 v26, v36;
	v63 =	vld [tilespmem:s29+$0x90];
	[tilespmem:v56+s20+$0x0] =	vst.idx.msk $0xffff, v50  }
0x213: {  	v51 =	vadd.s32 v7, v45;
	[tilespmem:v46+s20+$0x0] =	vst.idx.msk $0xffff, v44;
	v50 =	vld [tilespmem:s29+$0xFFFFFF60]  }
0x214: {  	v56 =	vadd.s32 v11, v52;
	v55 =	vld [tilespmem:s29+$0xFFFFFFA0];
	[tilespmem:v59+s20+$0x0] =	vst.idx.msk $0xffff, v58  }
0x215: {  	v58 =	vadd.s32 v15, v35;
	[tilespmem:v57+s20+$0x0] =	vst.idx.msk $0xffff, v40;
	v57 =	vld [tilespmem:s29+$0xFFFFFFE0]  }
0x216: {  	v38 =	vadd.s32 v32, v38;
	[tilespmem:v62+s20+$0x0] =	vst.idx.msk $0xffff, v61;
	v54 =	vld [tilespmem:s29+$0xF0]  }
0x217: {  	s18 =	simm.s32 $0x9;
	[tilespmem:v60+s20+$0x0] =	vst.idx.msk $0xffff, v63;
	v60 =	vadd.s32 v19, v34;
	v59 =	vld [tilespmem:s29+$0x20]  }
0x218: {  	s1 =	simm.s32 $0x8;
	v41 =	vadd.s32 v23, v37;
	v53 =	vmov s18;
	[tilespmem:v51+s20+$0x0] =	vst.idx.msk $0xffff, v50;
	v40 =	vld [tilespmem:s29+$0x60]  }
0x219: {  	s18 =	simm.s32 $0xB;
	v43 =	vadd.s32 v27, v36;
	v48 =	vadd.s32 v3, v33;
	v63 =	vmov s1;
	v42 =	vld [tilespmem:s29+$0xA0];
	[tilespmem:v56+s20+$0x0] =	vst.idx.msk $0xffff, v55  }
0x21a: {  	v44 =	vmov s18;
	s18 =	simm.s32 $0xD;
	v52 =	vadd.s32 v12, v52;
	v46 =	vld [tilespmem:s29+$0xFFFFFF20];
	s1 =	simm.s32 $0xA;
	v39 =	vshrl.u32 v63, $0x3;
	[tilespmem:v58+s20+$0x0] =	vst.idx.msk $0xffff, v57  }
0x21b: {  	v51 =	vadd.s32 v8, v45;
	v49 =	vld [tilespmem:s29+$0xFFFFFF70];
	[tilespmem:v38+s20+$0x0] =	vst.idx.msk $0xffff, v54;
	v54 =	vmov s1;
	s1 =	simm.s32 $0xC;
	v38 =	vmov s18;
	s18 =	simm.s32 $0xE  }
0x21c: {  	s31 =	simm.s32 $0xF;
	s30 =	simm.s32 $0x10;
	v45 =	vshll.u32 v39, v1;
	v50 =	vld [tilespmem:s29+$0xFFFFFFB0];
	[tilespmem:v60+s20+$0x0] =	vst.idx.msk $0xffff, v59;
	v47 =	vmov s1;
	v39 =	vmov s18  }
.LBB2_15:
0x21d: {  	p0 =	slt.u32 s30, $0x78;
	v53 =	vshrl.u32 v53, $0x3;
	v55 =	vmov s31;
	v56 =	vld [tilespmem:s29+$0xFFFFFFF0];
	v35 =	vadd.s32 v16, v35;
	[tilespmem:v41+s20+$0x0] =	vst.idx.msk $0xffff, v40  }
0x21e: {  	v40 =	vshrl.u32 v54, $0x3;
	v34 =	vadd.s32 v20, v34;
	v41 =	vshrl.u32 v55, $0x3;
	v54 =	vld [tilespmem:s29+$0x30];
	[tilespmem:v43+s20+$0x0] =	vst.idx.msk $0xffff, v42  }
0x21f: {  	v37 =	vadd.s32 v24, v37;
	v42 =	vshrl.u32 v44, $0x3;
	v41 =	vshll.u32 v41, v1;
	[tilespmem:v48+s20+$0x0] =	vst.idx.msk $0xffff, v46;
	v43 =	vld [tilespmem:s29+$0x70]  }
0x220: {  	v36 =	vadd.s32 v28, v36;
	v44 =	vshrl.u32 v47, $0x3;
	v41 =	vbroadcast v41, $0x0;
	[tilespmem:v51+s20+$0x0] =	vst.idx.msk $0xffff, v49;
	v46 =	vld [tilespmem:s29+$0xB0]  }
0x221: {  	v47 =	vshll.u32 v53, v1;
	v49 =	vadd.s32 v4, v33;
	v33 =	vbroadcast v45, $0x0;
	v48 =	vld [tilespmem:s29+$0xFFFFFF30];
	[tilespmem:v52+s20+$0x0] =	vst.idx.msk $0xffff, v50;
	s29 =	sadd.s32 $0x200, s29  }
0x222: {  	v40 =	vshll.u32 v40, v1;
	v45 =	vbroadcast v47, $0x0;
	v47 =	vld [tilespmem:s29+$0xC0];
	v50 =	vadd.s32 v29, v41;
	[tilespmem:v35+s20+$0x0] =	vst.idx.msk $0xffff, v56  }
0x223: {  	v55 =	vbroadcast v40, $0x0;
	v52 =	vadd.s32 v0, v33;
	v35 =	vshll.u32 v42, v1;
	v51 =	vld [tilespmem:s29+$0xFFFFFF00];
	[tilespmem:v34+s20+$0x0] =	vst.idx.msk $0xffff, v54  }
0x224: {  	v42 =	vadd.s32 v5, v45;
	v35 =	vbroadcast v35, $0x0;
	v34 =	vshll.u32 v44, v1;
	v40 =	vld [tilespmem:s29+$0xFFFFFF40];
	[tilespmem:v37+s20+$0x0] =	vst.idx.msk $0xffff, v43  }
0x225: {  	v44 =	vadd.s32 v9, v55;
	v34 =	vbroadcast v34, $0x0;
	v37 =	vshrl.u32 v38, $0x3;
	v43 =	vld [tilespmem:s29+$0xFFFFFF80];
	[tilespmem:v36+s20+$0x0] =	vst.idx.msk $0xffff, v46  }
0x226: {  	v39 =	vshrl.u32 v39, $0x3;
	v46 =	vadd.s32 v13, v35;
	v36 =	vshll.u32 v37, v1;
	v38 =	vld [tilespmem:s29+$0xFFFFFFC0];
	[tilespmem:v49+s20+$0x0] =	vst.idx.msk $0xffff, v48  }
0x227: {  	v49 =	vadd.s32 v17, v34;
	v37 =	vbroadcast v36, $0x0;
	v36 =	vshll.u32 v39, v1;
	v48 =	vld [tilespmem:s29+$0x0];
	[tilespmem:v50+s20+$0x0] =	vst.idx.msk $0xffff, v47  }
0x228: {  	v36 =	vbroadcast v36, $0x0;
	v47 =	vadd.s32 v30, v41;
	[tilespmem:v52+s20+$0x0] =	vst.idx.msk $0xffff, v51;
	v39 =	vld [tilespmem:s29+$0xD0]  }
0x229: {  	[tilespmem:v42+s20+$0x0] =	vst.idx.msk $0xffff, v40;
	v40 =	vld [tilespmem:s29+$0x40];
	v42 =	vadd.s32 v21, v37  }
0x22a: {  	[tilespmem:v44+s20+$0x0] =	vst.idx.msk $0xffff, v43;
	v43 =	vld [tilespmem:s29+$0x80];
	v44 =	vadd.s32 v25, v36  }
0x22b: {  	v51 =	vadd.s32 v6, v45;
	v50 =	vld [tilespmem:s29+$0xFFFFFF50];
	[tilespmem:v46+s20+$0x0] =	vst.idx.msk $0xffff, v38  }
0x22c: {  	v46 =	vadd.s32 v10, v55;
	v38 =	vld [tilespmem:s29+$0xFFFFFF90];
	[tilespmem:v49+s20+$0x0] =	vst.idx.msk $0xffff, v48  }
0x22d: {  	v49 =	vadd.s32 v14, v35;
	v48 =	vld [tilespmem:s29+$0xFFFFFFD0];
	[tilespmem:v47+s20+$0x0] =	vst.idx.msk $0xffff, v39  }
0x22e: {  	[tilespmem:v42+s20+$0x0] =	vst.idx.msk $0xffff, v40;
	v39 =	vld [tilespmem:s29+$0xE0];
	v40 =	vadd.s32 v31, v41  }
0x22f: {  	v47 =	vadd.s32 v18, v34;
	v42 =	vld [tilespmem:s29+$0x10];
	[tilespmem:v44+s20+$0x0] =	vst.idx.msk $0xffff, v43  }
0x230: {  	v44 =	vadd.s32 v22, v37;
	[tilespmem:v51+s20+$0x0] =	vst.idx.msk $0xffff, v50;
	v43 =	vld [tilespmem:s29+$0x50]  }
0x231: {  	[tilespmem:v46+s20+$0x0] =	vst.idx.msk $0xffff, v38;
	v38 =	vld [tilespmem:s29+$0x90];
	v46 =	vadd.s32 v26, v36  }
0x232: {  	v51 =	vadd.s32 v2, v33;
	v50 =	vld [tilespmem:s29+$0xFFFFFF10];
	[tilespmem:v49+s20+$0x0] =	vst.idx.msk $0xffff, v48  }
0x233: {  	v49 =	vadd.s32 v7, v45;
	v48 =	vld [tilespmem:s29+$0xFFFFFF60];
	[tilespmem:v40+s20+$0x0] =	vst.idx.msk $0xffff, v39  }
0x234: {  	[tilespmem:v47+s20+$0x0] =	vst.idx.msk $0xffff, v42;
	v39 =	vld [tilespmem:s29+$0xF0];
	v47 =	vadd.s32 v32, v41  }
0x235: {  	v56 =	vadd.s32 v11, v55;
	v52 =	vld [tilespmem:s29+$0xFFFFFFA0];
	[tilespmem:v44+s20+$0x0] =	vst.idx.msk $0xffff, v43  }
0x236: {  	v58 =	vadd.s32 v15, v35;
	v57 =	vld [tilespmem:s29+$0xFFFFFFE0];
	[tilespmem:v46+s20+$0x0] =	vst.idx.msk $0xffff, v38  }
0x237: {  	v60 =	vadd.s32 v19, v34;
	[tilespmem:v51+s20+$0x0] =	vst.idx.msk $0xffff, v50;
	v59 =	vld [tilespmem:s29+$0x20]  }
.Ltmp6:
0x238: {  	s0 =	sadd.s32 $0x1, s30;
	v41 =	vadd.s32 v23, v37;
	v38 =	vmov s30;
	[tilespmem:v49+s20+$0x0] =	vst.idx.msk $0xffff, v48;
	v40 =	vld [tilespmem:s29+$0x60];
	(pc) =	sbr.rel @p0 .LBB2_15-.Ltmp6, $4  }
0x239: {  	s1 =	sadd.s32 $0x3, s30;
	v53 =	vmov s0;
	s0 =	sadd.s32 $0x2, s30;
	v43 =	vadd.s32 v27, v36;
	v50 =	vshrl.u32 v38, $0x3;
	v42 =	vld [tilespmem:s29+$0xA0];
	[tilespmem:v47+s20+$0x0] =	vst.idx.msk $0xffff, v39  }
0x23a: {  	v54 =	vmov s0;
	s0 =	sadd.s32 $0x4, s30;
	v44 =	vmov s1;
	s1 =	sadd.s32 $0x5, s30;
	v48 =	vadd.s32 v3, v33;
	v46 =	vld [tilespmem:s29+$0xFFFFFF20];
	[tilespmem:v56+s20+$0x0] =	vst.idx.msk $0xffff, v52  }
0x23b: {  	v38 =	vmov s1;
	v51 =	vadd.s32 v8, v45;
	v47 =	vmov s0;
	s0 =	sadd.s32 $0x6, s30;
	v49 =	vld [tilespmem:s29+$0xFFFFFF70];
	[tilespmem:v58+s20+$0x0] =	vst.idx.msk $0xffff, v57  }
0x23c: {  	s31 =	sadd.s32 $0x7, s30;
	v45 =	vshll.u32 v50, v1;
	s30 =	sadd.s32 $0x8, s30;
	v39 =	vmov s0;
	v52 =	vadd.s32 v12, v55;
	v50 =	vld [tilespmem:s29+$0xFFFFFFB0];
	[tilespmem:v60+s20+$0x0] =	vst.idx.msk $0xffff, v59  }
0x23d: {  	_ =	sdelay $0x2  }
0x23e: {  	v53 =	vshrl.u32 v53, $0x3  }
0x23f: {  	v55 =	vmov s31;
	v56 =	vld [tilespmem:s29+$0xFFFFFFF0];
	v35 =	vadd.s32 v16, v35;
	[tilespmem:v41+s20+$0x0] =	vst.idx.msk $0xffff, v40;
	v57 =	vshrl.u32 v54, $0x3  }
0x240: {  	v59 =	vld [tilespmem:s29+$0x30];
	v34 =	vadd.s32 v20, v34;
	v60 =	vshrl.u32 v44, $0x3;
	v58 =	vshrl.u32 v55, $0x3;
	[tilespmem:v43+s20+$0x0] =	vst.idx.msk $0xffff, v42  }
0x241: {  	v37 =	vadd.s32 v24, v37;
	v62 =	vshrl.u32 v47, $0x3;
	v61 =	vld [tilespmem:s29+$0x70];
	v41 =	vshll.u32 v58, v1;
	[tilespmem:v48+s20+$0x0] =	vst.idx.msk $0xffff, v46  }
0x242: {  	v36 =	vadd.s32 v28, v36;
	v45 =	vbroadcast v45, $0x0;
	v63 =	vld [tilespmem:s29+$0xB0];
	v41 =	vbroadcast v41, $0x0;
	[tilespmem:v51+s20+$0x0] =	vst.idx.msk $0xffff, v49  }
0x243: {  	v33 =	vadd.s32 v4, v33;
	v38 =	vshrl.u32 v38, $0x3;
	v55 =	vshll.u32 v53, v1;
	v48 =	vld [tilespmem:s29+$0xFFFFFF30];
	s29 =	sadd.s32 $0x200, s29;
	[tilespmem:v52+s20+$0x0] =	vst.idx.msk $0xffff, v50  }
0x244: {  	v40 =	vshll.u32 v57, v1;
	v47 =	vbroadcast v55, $0x0;
	v49 =	vld [tilespmem:s29+$0xC0];
	v50 =	vadd.s32 v29, v41;
	[tilespmem:v35+s20+$0x0] =	vst.idx.msk $0xffff, v56  }
0x245: {  	v42 =	vshll.u32 v60, v1;
	v40 =	vbroadcast v40, $0x0;
	v35 =	vld [tilespmem:s29+$0xFFFFFF00];
	v56 =	vadd.s32 v0, v45;
	[tilespmem:v34+s20+$0x0] =	vst.idx.msk $0xffff, v59  }
0x246: {  	v44 =	vshll.u32 v62, v1;
	v42 =	vbroadcast v42, $0x0;
	v57 =	vld [tilespmem:s29+$0xFFFFFF40];
	v58 =	vadd.s32 v5, v47;
	[tilespmem:v37+s20+$0x0] =	vst.idx.msk $0xffff, v61  }
0x247: {  	v38 =	vshll.u32 v38, v1;
	v44 =	vbroadcast v44, $0x0;
	v60 =	vadd.s32 v9, v40;
	v59 =	vld [tilespmem:s29+$0xFFFFFF80];
	[tilespmem:v36+s20+$0x0] =	vst.idx.msk $0xffff, v63  }
0x248: {  	v38 =	vbroadcast v38, $0x0;
	v62 =	vadd.s32 v13, v42;
	v61 =	vld [tilespmem:s29+$0xFFFFFFC0];
	[tilespmem:v33+s20+$0x0] =	vst.idx.msk $0xffff, v48  }
0x249: {  	v39 =	vshrl.u32 v39, $0x3;
	v63 =	vadd.s32 v17, v44;
	v33 =	vld [tilespmem:s29+$0x0];
	[tilespmem:v50+s20+$0x0] =	vst.idx.msk $0xffff, v49  }
0x24a: {  	v39 =	vshll.u32 v39, v1;
	v34 =	vld [tilespmem:s29+$0x40];
	[tilespmem:v56+s20+$0x0] =	vst.idx.msk $0xffff, v35;
	v56 =	vadd.s32 v21, v38  }
0x24b: {  	[tilespmem:v58+s20+$0x0] =	vst.idx.msk $0xffff, v57;
	v35 =	vbroadcast v39, $0x0;
	v49 =	vadd.s32 v30, v41;
	v39 =	vld [tilespmem:s29+$0xD0]  }
0x24c: {  	[tilespmem:v60+s20+$0x0] =	vst.idx.msk $0xffff, v59;
	v59 =	vld [tilespmem:s29+$0xFFFFFF50];
	v60 =	vadd.s32 v6, v47  }
0x24d: {  	v57 =	vld [tilespmem:s29+$0x80];
	[tilespmem:v62+s20+$0x0] =	vst.idx.msk $0xffff, v61;
	v58 =	vadd.s32 v25, v35  }
0x24e: {  	v61 =	vld [tilespmem:s29+$0xFFFFFF90];
	v62 =	vadd.s32 v10, v40;
	[tilespmem:v63+s20+$0x0] =	vst.idx.msk $0xffff, v33  }
0x24f: {  	v33 =	vld [tilespmem:s29+$0xFFFFFFD0];
	v63 =	vadd.s32 v14, v42;
	[tilespmem:v56+s20+$0x0] =	vst.idx.msk $0xffff, v34  }
0x250: {  	v56 =	vadd.s32 v18, v44;
	[tilespmem:v49+s20+$0x0] =	vst.idx.msk $0xffff, v39;
	v49 =	vld [tilespmem:s29+$0x10]  }
0x251: {  	[tilespmem:v60+s20+$0x0] =	vst.idx.msk $0xffff, v59;
	v39 =	vadd.s32 v31, v41;
	v34 =	vld [tilespmem:s29+$0xE0]  }
0x252: {  	[tilespmem:v58+s20+$0x0] =	vst.idx.msk $0xffff, v57;
	v57 =	vld [tilespmem:s29+$0x50];
	v58 =	vadd.s32 v22, v38  }
0x253: {  	[tilespmem:v62+s20+$0x0] =	vst.idx.msk $0xffff, v61;
	v61 =	vld [tilespmem:s29+$0xFFFFFF10];
	v62 =	vadd.s32 v2, v45  }
0x254: {  	v60 =	vadd.s32 v26, v35;
	v59 =	vld [tilespmem:s29+$0x90];
	[tilespmem:v63+s20+$0x0] =	vst.idx.msk $0xffff, v33  }
0x255: {  	v55 =	vadd.s32 v11, v40;
	v54 =	vadd.s32 v32, v41;
	v41 =	vld [tilespmem:s29+$0xFFFFFFA0];
	[tilespmem:v56+s20+$0x0] =	vst.idx.msk $0xffff, v49  }
0x256: {  	v53 =	vadd.s32 v7, v47;
	v63 =	vld [tilespmem:s29+$0xFFFFFF60];
	[tilespmem:v39+s20+$0x0] =	vst.idx.msk $0xffff, v34  }
0x257: {  	v56 =	vld [tilespmem:s29+$0xFFFFFFE0];
	[tilespmem:v58+s20+$0x0] =	vst.idx.msk $0xffff, v57;
	v57 =	vadd.s32 v15, v42  }
0x258: {  	[tilespmem:v62+s20+$0x0] =	vst.idx.msk $0xffff, v61;
	v34 =	vld [tilespmem:s29+$0xF0]  }
0x259: {  	v58 =	vld [tilespmem:s29+$0x20];
	[tilespmem:v60+s20+$0x0] =	vst.idx.msk $0xffff, v59;
	v59 =	vadd.s32 v19, v44  }
0x25a: {  	v61 =	vadd.s32 v23, v38;
	[tilespmem:v55+s20+$0x0] =	vst.idx.msk $0xffff, v41;
	v60 =	vld [tilespmem:s29+$0x60]  }
0x25b: {  	[tilespmem:v53+s20+$0x0] =	vst.idx.msk $0xffff, v63;
	v63 =	vadd.s32 v27, v35;
	v62 =	vld [tilespmem:s29+$0xA0]  }
0x25c: {  	v47 =	vadd.s32 v8, v47;
	v55 =	vld [tilespmem:s29+$0xFFFFFF70];
	[tilespmem:v57+s20+$0x0] =	vst.idx.msk $0xffff, v56  }
0x25d: {  	v53 =	vld [tilespmem:s29+$0xFFFFFF20];
	[tilespmem:v54+s20+$0x0] =	vst.idx.msk $0xffff, v34;
	v54 =	vadd.s32 v3, v45  }
0x25e: {  	v40 =	vadd.s32 v12, v40;
	v56 =	vld [tilespmem:s29+$0xFFFFFFB0];
	[tilespmem:v59+s20+$0x0] =	vst.idx.msk $0xffff, v58  }
0x25f: {  	v42 =	vadd.s32 v16, v42;
	v57 =	vld [tilespmem:s29+$0xFFFFFFF0];
	[tilespmem:v61+s20+$0x0] =	vst.idx.msk $0xffff, v60  }
0x260: {  	v59 =	vadd.s32 v20, v44;
	v58 =	vld [tilespmem:s29+$0x30];
	[tilespmem:v63+s20+$0x0] =	vst.idx.msk $0xffff, v62  }
0x261: {  	s0 =	sadd.s32 s26, s4;
	v38 =	vadd.s32 v24, v38;
	v60 =	vld [tilespmem:s29+$0x70];
	[tilespmem:v47+s20+$0x0] =	vst.idx.msk $0xffff, v55  }
0x262: {  	s0 =	sadd.s32 $0x1, s0;
	v35 =	vadd.s32 v28, v35;
	v61 =	vld [tilespmem:s29+$0xB0];
	[tilespmem:v54+s20+$0x0] =	vst.idx.msk $0xffff, v53  }
0x263: {  	s1 =	sshrl.u32 s0, $0x5;
	v63 =	vadd.s32 v4, v45;
	[tilespmem:v40+s20+$0x0] =	vst.idx.msk $0xffff, v56;
	v62 =	vld [tilespmem:s29+$0xFFFFFF30]  }
0x264: {  	s0 =	sshll.u32 s0, $0xA;
	s18 =	sshll.u32 s1, $0xF;
	[tilespmem:v42+s20+$0x0] =	vst.idx.msk $0xffff, v57  }
0x265: {  	s1 =	sshll.u32 s1, $0x12;
	s0 =	ssub.s32 s0, s18;
	[tilespmem:v59+s20+$0x0] =	vst.idx.msk $0xffff, v58  }
0x266: {  	s0 =	sadd.s32 s1, s0;
	[tilespmem:v38+s20+$0x0] =	vst.idx.msk $0xffff, v60  }
0x267: {  	s0 =	sshrl.u32 s0, $0x3;
	[tilespmem:v35+s20+$0x0] =	vst.idx.msk $0xffff, v61  }
0x268: {  	s18 =	simm.s32 $0xC600;
	s0 =	sadd.s32 s2, s0;
	[tilespmem:v63+s20+$0x0] =	vst.idx.msk $0xffff, v62  }
0x269: {  	[hbm4b:s0+s3] =	stream.linear.scatter [tilespmem:s18], [sflag:$0x4], $0x80, $0x38;
	[tilespmem:$0xE800] =	vst v63  }
0x26a: {  	s26 =	simm.s32 $0xC688;
	s18 =	sadd.s32 $0x10, s0  }
0x26b: {  	[hbm4b:s18+s3] =	stream.linear.scatter [tilespmem:s26], [sflag:$0x4], $0x80, $0x38;
	[tilespmem:$0xE800] =	vst v63  }
0x26c: {  	s26 =	simm.s32 $0xC710;
	s18 =	sadd.s32 $0x20, s0  }
0x26d: {  	[hbm4b:s18+s3] =	stream.linear.scatter [tilespmem:s26], [sflag:$0x4], $0x80, $0x38;
	[tilespmem:$0xE800] =	vst v63  }
0x26e: {  	s26 =	simm.s32 $0xC798;
	s18 =	sadd.s32 $0x30, s0  }
0x26f: {  	[hbm4b:s18+s3] =	stream.linear.scatter [tilespmem:s26], [sflag:$0x4], $0x80, $0x38;
	[tilespmem:$0xE800] =	vst v63  }
0x270: {  	s26 =	simm.s32 $0xC820;
	s18 =	sadd.s32 $0x40, s0  }
0x271: {  	[hbm4b:s18+s3] =	stream.linear.scatter [tilespmem:s26], [sflag:$0x4], $0x80, $0x38;
	[tilespmem:$0xE800] =	vst v63  }
0x272: {  	s30 =	simm.s32 $0x2200;
	s26 =	simm.s32 $0xC8A8;
	s18 =	sadd.s32 $0x50, s0  }
0x273: {  	[hbm4b:s18+s3] =	stream.linear.scatter [tilespmem:s26], [sflag:$0x4], $0x80, $0x38;
	[tilespmem:$0xE800] =	vst v63  }
0x274: {  	s31 =	simm.s32 $0xC9B8;
	s26 =	simm.s32 $0xC930;
	s18 =	sadd.s32 $0x60, s0  }
0x275: {  	[hbm4b:s18+s3] =	stream.linear.scatter [tilespmem:s26], [sflag:$0x4], $0x80, $0x38;
	[tilespmem:$0xE800] =	vst v63  }
0x276: {  	s1 =	sadd.s32 $0x70, s0;
	s29 =	sadd.s32 $0x1000, s0;
	s26 =	simm.s32 $0x440  }
.LBB2_17:
0x277: {  	[hbm4b:s1+s3] =	stream.linear.scatter [tilespmem:s31], [sflag:$0x4], $0x80, $0x38;
	[tilespmem:$0xE800] =	vst v63  }
0x278: {  	s0 =	smov.u32 s26;
	s1 =	smov.u32 s30  }
0x279: {  	s18 =	sadd.s32 $0x1100, s30;
	s26 =	sshra.s32 s1, $0x2;
	s1 =	sadd.s32 $0xC600, s0  }
0x27a: {  	[hbm4b:s29+s3] =	stream.linear.scatter [tilespmem:s1], [sflag:$0x4], $0x80, $0x38;
	[tilespmem:$0xE800] =	vst v63  }
0x27b: {  	p0 =	sne.s32 s30, $0x7700;
	s30 =	sadd.s32 $0x10, s29;
	s1 =	sadd.s32 $0xC688, s0  }
0x27c: {  	[hbm4b:s30+s3] =	stream.linear.scatter [tilespmem:s1], [sflag:$0x4], $0x80, $0x38;
	[tilespmem:$0xE800] =	vst v63  }
0x27d: {  	s1 =	sadd.s32 $0xC710, s0;
	s30 =	sadd.s32 $0x20, s29  }
0x27e: {  	[hbm4b:s30+s3] =	stream.linear.scatter [tilespmem:s1], [sflag:$0x4], $0x80, $0x38;
	[tilespmem:$0xE800] =	vst v63  }
0x27f: {  	s1 =	sadd.s32 $0xC798, s0;
	s30 =	sadd.s32 $0x30, s29  }
0x280: {  	[hbm4b:s30+s3] =	stream.linear.scatter [tilespmem:s1], [sflag:$0x4], $0x80, $0x38;
	[tilespmem:$0xE800] =	vst v63  }
0x281: {  	s1 =	sadd.s32 $0xC820, s0;
	s30 =	sadd.s32 $0x40, s29  }
0x282: {  	[hbm4b:s30+s3] =	stream.linear.scatter [tilespmem:s1], [sflag:$0x4], $0x80, $0x38;
	[tilespmem:$0xE800] =	vst v63  }
.Ltmp7:
0x283: {  	s1 =	sadd.s32 $0xC8A8, s0;
	s30 =	sadd.s32 $0x50, s29;
	(pc) =	sbr.rel @p0 .LBB2_17-.Ltmp7, $4  }
0x284: {  	[hbm4b:s30+s3] =	stream.linear.scatter [tilespmem:s1], [sflag:$0x4], $0x80, $0x38;
	[tilespmem:$0xE800] =	vst v63  }
0x285: {  	s31 =	sadd.s32 $0xC9B8, s0;
	s1 =	sadd.s32 $0xC930, s0;
	s30 =	sadd.s32 $0x60, s29  }
0x286: {  	[hbm4b:s30+s3] =	stream.linear.scatter [tilespmem:s1], [sflag:$0x4], $0x80, $0x38;
	[tilespmem:$0xE800] =	vst v63  }
0x287: {  	s1 =	sadd.s32 $0x70, s29;
	s29 =	sadd.s32 $0x1000, s29;
	s30 =	smov.u32 s18  }
0x288: {  	[hbm4b:s1+s3] =	stream.linear.scatter [tilespmem:s31], [sflag:$0x4], $0x80, $0x38;
	[tilespmem:$0xE800] =	vst v63  }
0x289: {  	s0 =	sadd.s32 $0xC600, s26  }
0x28a: {  	[hbm4b:s29+s3] =	stream.linear.scatter [tilespmem:s0], [sflag:$0x4], $0x80, $0x38;
	[tilespmem:$0xE800] =	vst v63  }
0x28b: {  	s30 =	sadd.s32 $0xC688, s26;
	s31 =	sadd.s32 $0x10, s29  }
0x28c: {  	[hbm4b:s31+s3] =	stream.linear.scatter [tilespmem:s30], [sflag:$0x4], $0x80, $0x38;
	[tilespmem:$0xE800] =	vst v63  }
0x28d: {  	s1 =	sadd.s32 $0xC710, s26;
	s18 =	sadd.s32 $0x20, s29  }
0x28e: {  	[hbm4b:s18+s3] =	stream.linear.scatter [tilespmem:s1], [sflag:$0x4], $0x80, $0x38;
	[tilespmem:$0xE800] =	vst v63  }
0x28f: {  	s30 =	sadd.s32 $0xC798, s26;
	s31 =	sadd.s32 $0x30, s29  }
0x290: {  	[hbm4b:s31+s3] =	stream.linear.scatter [tilespmem:s30], [sflag:$0x4], $0x80, $0x38;
	[tilespmem:$0xE800] =	vst v63  }
0x291: {  	s1 =	sadd.s32 $0xC820, s26;
	s18 =	sadd.s32 $0x40, s29  }
0x292: {  	[hbm4b:s18+s3] =	stream.linear.scatter [tilespmem:s1], [sflag:$0x4], $0x80, $0x38;
	[tilespmem:$0xE800] =	vst v63  }
0x293: {  	s25 =	sadd.s32 $0x1, s25;
	s30 =	sadd.s32 $0xC8A8, s26;
	s31 =	sadd.s32 $0x50, s29  }
0x294: {  	[hbm4b:s31+s3] =	stream.linear.scatter [tilespmem:s30], [sflag:$0x4], $0x80, $0x38;
	[tilespmem:$0xE800] =	vst v63  }
0x295: {  	p0 =	sne.s32 s25, $0x63;
	s1 =	sadd.s32 $0xC930, s26;
	s18 =	sadd.s32 $0x60, s29  }
0x296: {  	[hbm4b:s18+s3] =	stream.linear.scatter [tilespmem:s1], [sflag:$0x4], $0x80, $0x38;
	[tilespmem:$0xE800] =	vst v63  }
.Ltmp8:
0x297: {  	_ = 	snop;
	(pc) =	sbr.rel @p0 .LBB2_10-.Ltmp8, $4  }
0x298: {  	s26 =	sadd.s32 $0xC9B8, s26;
	s30 =	sadd.s32 $0x70, s29  }
0x299: {  	[hbm4b:s30+s3] =	stream.linear.scatter [tilespmem:s26], [sflag:$0x4], $0x80, $0x38;
	[tilespmem:$0xE800] =	vst v63  }
0x29a: {  	s31 =	sadd.s32 $0x180, s28  }
0x29b: {  	[tilespmem:s15], [sflag:$0x2] =	stream.indirect.gather [hbm4b:s5+s13], $0x40, s31, s13, $0xb8;
	[tilespmem:$0xE800] =	vst v63  }
0x29c: {  	s0 =	simm.s32 $0x0;
	s18 =	simm.s32 $0x1;
	s1 =	simm.s32 $0x2  }
0x29d: {  	s25 =	simm.s32 $0x3;
	s26 =	simm.s32 $0x4;
	s29 =	simm.s32 $0x5;
	v33 =	vmov s0;
	v34 =	vmov s18;
	v35 =	vmov s1  }
0x29e: {  	_ =	swait.ge [sflag:s22], $0x2000;
	s30 =	simm.s32 $0x6;
	s18 =	simm.s32 $0x7;
	v36 =	vmov s25;
	v37 =	vmov s26;
	v39 =	vmov s29  }
0x29f: {  	[sflag:s22] =	ssyncset.done $0x0;
	v40 =	vmov s30;
	v33 =	vshrl.u32 v33, $0x3;
	v38 =	vmov s18  }
0x2a0: {  	[sflag:s22] =	ssyncadd.s32 $0xFFFFE000;
	v34 =	vshrl.u32 v34, $0x3;
	v35 =	vshrl.u32 v35, $0x3;
	v36 =	vshrl.u32 v36, $0x3  }
0x2a1: {  	v37 =	vshrl.u32 v37, $0x3;
	v55 =	vshrl.u32 v39, $0x3;
	v33 =	vshll.u32 v33, v1;
	_ =	swait.ge [sflag:s16], $0x2000  }
0x2a2: {  	v38 =	vshrl.u32 v38, $0x3;
	v34 =	vshll.u32 v34, v1;
	[sflag:s16] =	ssyncset.done $0x0;
	v33 =	vbroadcast v33, $0x0  }
0x2a3: {  	s25 =	simm.s32 $0x6500;
	v40 =	vshrl.u32 v40, $0x3;
	v38 =	vshll.u32 v38, v1;
	v45 =	vbroadcast v34, $0x0;
	[sflag:s16] =	ssyncadd.s32 $0xFFFFE000  }
0x2a4: {  	v52 =	vshll.u32 v35, v1;
	v38 =	vbroadcast v38, $0x0;
	v43 =	vld [tilespmem:s25+$0xFFFFFF00];
	v44 =	vadd.s32 v0, v33  }
0x2a5: {  	v53 =	vshll.u32 v36, v1;
	v52 =	vbroadcast v52, $0x0;
	v46 =	vld [tilespmem:s25+$0xFFFFFF40];
	v47 =	vadd.s32 v5, v45  }
0x2a6: {  	v54 =	vshll.u32 v37, v1;
	v35 =	vbroadcast v53, $0x0;
	v41 =	vld [tilespmem:s25+$0xC0];
	v42 =	vadd.s32 v29, v38  }
0x2a7: {  	v36 =	vshll.u32 v55, v1;
	v34 =	vbroadcast v54, $0x0;
	v48 =	vld [tilespmem:s25+$0xFFFFFF80];
	v49 =	vadd.s32 v9, v52  }
0x2a8: {  	v56 =	vshll.u32 v40, v1;
	v37 =	vbroadcast v36, $0x0;
	v39 =	vld [tilespmem:s25+$0xFFFFFFC0];
	v50 =	vadd.s32 v13, v35  }
0x2a9: {  	v36 =	vbroadcast v56, $0x0;
	v51 =	vld [tilespmem:s25+$0x0];
	v53 =	vadd.s32 v17, v34;
	[tilespmem:v44+s17+$0x0] =	vst.idx.msk $0xffff, v43  }
0x2aa: {  	v59 =	vld [tilespmem:s25+$0x40];
	v60 =	vadd.s32 v21, v37;
	[tilespmem:v47+s17+$0x0] =	vst.idx.msk $0xffff, v46  }
0x2ab: {  	v61 =	vld [tilespmem:s25+$0x80];
	v62 =	vadd.s32 v25, v36;
	[tilespmem:v42+s17+$0x0] =	vst.idx.msk $0xffff, v41  }
0x2ac: {  	v58 =	vadd.s32 v30, v38;
	[tilespmem:v49+s17+$0x0] =	vst.idx.msk $0xffff, v48;
	v57 =	vld [tilespmem:s25+$0xD0]  }
0x2ad: {  	v63 =	vadd.s32 v6, v45;
	[tilespmem:v50+s17+$0x0] =	vst.idx.msk $0xffff, v39;
	v47 =	vld [tilespmem:s25+$0xFFFFFF50]  }
0x2ae: {  	v55 =	vadd.s32 v10, v52;
	[tilespmem:v53+s17+$0x0] =	vst.idx.msk $0xffff, v51;
	v54 =	vld [tilespmem:s25+$0xFFFFFF90]  }
0x2af: {  	v56 =	vadd.s32 v14, v35;
	[tilespmem:v60+s17+$0x0] =	vst.idx.msk $0xffff, v59;
	v50 =	vld [tilespmem:s25+$0xFFFFFFD0]  }
0x2b0: {  	[tilespmem:v62+s17+$0x0] =	vst.idx.msk $0xffff, v61;
	v46 =	vadd.s32 v22, v37;
	v44 =	vld [tilespmem:s25+$0x50]  }
0x2b1: {  	v59 =	vadd.s32 v18, v34;
	[tilespmem:v58+s17+$0x0] =	vst.idx.msk $0xffff, v57;
	v58 =	vld [tilespmem:s25+$0x10]  }
0x2b2: {  	[tilespmem:v63+s17+$0x0] =	vst.idx.msk $0xffff, v47;
	v57 =	vadd.s32 v31, v38;
	v40 =	vld [tilespmem:s25+$0xE0]  }
0x2b3: {  	v60 =	vadd.s32 v26, v36;
	[tilespmem:v55+s17+$0x0] =	vst.idx.msk $0xffff, v54;
	v63 =	vld [tilespmem:s25+$0x90]  }
0x2b4: {  	v62 =	vadd.s32 v2, v33;
	v61 =	vld [tilespmem:s25+$0xFFFFFF10];
	[tilespmem:v56+s17+$0x0] =	vst.idx.msk $0xffff, v50  }
0x2b5: {  	v51 =	vadd.s32 v7, v45;
	[tilespmem:v46+s17+$0x0] =	vst.idx.msk $0xffff, v44;
	v50 =	vld [tilespmem:s25+$0xFFFFFF60]  }
0x2b6: {  	v56 =	vadd.s32 v11, v52;
	v55 =	vld [tilespmem:s25+$0xFFFFFFA0];
	[tilespmem:v59+s17+$0x0] =	vst.idx.msk $0xffff, v58  }
0x2b7: {  	v58 =	vadd.s32 v15, v35;
	[tilespmem:v57+s17+$0x0] =	vst.idx.msk $0xffff, v40;
	v57 =	vld [tilespmem:s25+$0xFFFFFFE0]  }
0x2b8: {  	[tilespmem:v60+s17+$0x0] =	vst.idx.msk $0xffff, v63;
	v60 =	vadd.s32 v19, v34;
	v59 =	vld [tilespmem:s25+$0x20]  }
0x2b9: {  	s1 =	simm.s32 $0x9;
	[tilespmem:v62+s17+$0x0] =	vst.idx.msk $0xffff, v61;
	v38 =	vadd.s32 v32, v38;
	v54 =	vld [tilespmem:s25+$0xF0]  }
0x2ba: {  	s31 =	simm.s32 $0x8;
	v53 =	vmov s1;
	v41 =	vadd.s32 v23, v37;
	[tilespmem:v51+s17+$0x0] =	vst.idx.msk $0xffff, v50;
	v40 =	vld [tilespmem:s25+$0x60]  }
0x2bb: {  	s26 =	simm.s32 $0xB;
	s29 =	simm.s32 $0xC;
	v43 =	vadd.s32 v27, v36;
	v48 =	vadd.s32 v3, v33;
	v63 =	vmov s31;
	v42 =	vld [tilespmem:s25+$0xA0];
	[tilespmem:v56+s17+$0x0] =	vst.idx.msk $0xffff, v55  }
0x2bc: {  	v44 =	vmov s26;
	v47 =	vmov s29;
	v46 =	vld [tilespmem:s25+$0xFFFFFF20];
	s31 =	simm.s32 $0xE;
	v39 =	vshrl.u32 v63, $0x3;
	[tilespmem:v58+s17+$0x0] =	vst.idx.msk $0xffff, v57  }
0x2bd: {  	s30 =	simm.s32 $0xD;
	s18 =	simm.s32 $0xA;
	v51 =	vadd.s32 v8, v45;
	v49 =	vld [tilespmem:s25+$0xFFFFFF70];
	v45 =	vshll.u32 v39, v1;
	v39 =	vmov s31;
	[tilespmem:v60+s17+$0x0] =	vst.idx.msk $0xffff, v59  }
0x2be: {  	s28 =	simm.s32 $0xF;
	s26 =	simm.s32 $0x10;
	v52 =	vadd.s32 v12, v52;
	v50 =	vld [tilespmem:s25+$0xFFFFFFB0];
	[tilespmem:v38+s17+$0x0] =	vst.idx.msk $0xffff, v54;
	v54 =	vmov s18;
	v38 =	vmov s30  }
.LBB2_20:
0x2bf: {  	p0 =	slt.u32 s26, $0x78;
	v53 =	vshrl.u32 v53, $0x3;
	v55 =	vmov s28;
	v56 =	vld [tilespmem:s25+$0xFFFFFFF0];
	v35 =	vadd.s32 v16, v35;
	[tilespmem:v41+s17+$0x0] =	vst.idx.msk $0xffff, v40  }
0x2c0: {  	v40 =	vshrl.u32 v54, $0x3;
	v34 =	vadd.s32 v20, v34;
	v41 =	vshrl.u32 v55, $0x3;
	v54 =	vld [tilespmem:s25+$0x30];
	[tilespmem:v43+s17+$0x0] =	vst.idx.msk $0xffff, v42  }
0x2c1: {  	v37 =	vadd.s32 v24, v37;
	v42 =	vshrl.u32 v44, $0x3;
	v41 =	vshll.u32 v41, v1;
	[tilespmem:v48+s17+$0x0] =	vst.idx.msk $0xffff, v46;
	v43 =	vld [tilespmem:s25+$0x70]  }
0x2c2: {  	v36 =	vadd.s32 v28, v36;
	v44 =	vshrl.u32 v47, $0x3;
	v41 =	vbroadcast v41, $0x0;
	[tilespmem:v51+s17+$0x0] =	vst.idx.msk $0xffff, v49;
	v46 =	vld [tilespmem:s25+$0xB0]  }
0x2c3: {  	v47 =	vshll.u32 v53, v1;
	v49 =	vadd.s32 v4, v33;
	v33 =	vbroadcast v45, $0x0;
	v48 =	vld [tilespmem:s25+$0xFFFFFF30];
	[tilespmem:v52+s17+$0x0] =	vst.idx.msk $0xffff, v50;
	s25 =	sadd.s32 $0x200, s25  }
0x2c4: {  	v40 =	vshll.u32 v40, v1;
	v45 =	vbroadcast v47, $0x0;
	v47 =	vld [tilespmem:s25+$0xC0];
	v50 =	vadd.s32 v29, v41;
	[tilespmem:v35+s17+$0x0] =	vst.idx.msk $0xffff, v56  }
0x2c5: {  	v55 =	vbroadcast v40, $0x0;
	v52 =	vadd.s32 v0, v33;
	v35 =	vshll.u32 v42, v1;
	v51 =	vld [tilespmem:s25+$0xFFFFFF00];
	[tilespmem:v34+s17+$0x0] =	vst.idx.msk $0xffff, v54  }
0x2c6: {  	v42 =	vadd.s32 v5, v45;
	v35 =	vbroadcast v35, $0x0;
	v34 =	vshll.u32 v44, v1;
	v40 =	vld [tilespmem:s25+$0xFFFFFF40];
	[tilespmem:v37+s17+$0x0] =	vst.idx.msk $0xffff, v43  }
0x2c7: {  	v44 =	vadd.s32 v9, v55;
	v34 =	vbroadcast v34, $0x0;
	v37 =	vshrl.u32 v38, $0x3;
	v43 =	vld [tilespmem:s25+$0xFFFFFF80];
	[tilespmem:v36+s17+$0x0] =	vst.idx.msk $0xffff, v46  }
0x2c8: {  	v39 =	vshrl.u32 v39, $0x3;
	v46 =	vadd.s32 v13, v35;
	v36 =	vshll.u32 v37, v1;
	v38 =	vld [tilespmem:s25+$0xFFFFFFC0];
	[tilespmem:v49+s17+$0x0] =	vst.idx.msk $0xffff, v48  }
0x2c9: {  	v49 =	vadd.s32 v17, v34;
	v37 =	vbroadcast v36, $0x0;
	v36 =	vshll.u32 v39, v1;
	v48 =	vld [tilespmem:s25+$0x0];
	[tilespmem:v50+s17+$0x0] =	vst.idx.msk $0xffff, v47  }
0x2ca: {  	v36 =	vbroadcast v36, $0x0;
	v47 =	vadd.s32 v30, v41;
	[tilespmem:v52+s17+$0x0] =	vst.idx.msk $0xffff, v51;
	v39 =	vld [tilespmem:s25+$0xD0]  }
0x2cb: {  	[tilespmem:v42+s17+$0x0] =	vst.idx.msk $0xffff, v40;
	v40 =	vld [tilespmem:s25+$0x40];
	v42 =	vadd.s32 v21, v37  }
0x2cc: {  	[tilespmem:v44+s17+$0x0] =	vst.idx.msk $0xffff, v43;
	v43 =	vld [tilespmem:s25+$0x80];
	v44 =	vadd.s32 v25, v36  }
0x2cd: {  	v51 =	vadd.s32 v6, v45;
	v50 =	vld [tilespmem:s25+$0xFFFFFF50];
	[tilespmem:v46+s17+$0x0] =	vst.idx.msk $0xffff, v38  }
0x2ce: {  	v46 =	vadd.s32 v10, v55;
	v38 =	vld [tilespmem:s25+$0xFFFFFF90];
	[tilespmem:v49+s17+$0x0] =	vst.idx.msk $0xffff, v48  }
0x2cf: {  	v49 =	vadd.s32 v14, v35;
	v48 =	vld [tilespmem:s25+$0xFFFFFFD0];
	[tilespmem:v47+s17+$0x0] =	vst.idx.msk $0xffff, v39  }
0x2d0: {  	[tilespmem:v42+s17+$0x0] =	vst.idx.msk $0xffff, v40;
	v39 =	vld [tilespmem:s25+$0xE0];
	v40 =	vadd.s32 v31, v41  }
0x2d1: {  	v47 =	vadd.s32 v18, v34;
	v42 =	vld [tilespmem:s25+$0x10];
	[tilespmem:v44+s17+$0x0] =	vst.idx.msk $0xffff, v43  }
0x2d2: {  	v44 =	vadd.s32 v22, v37;
	[tilespmem:v51+s17+$0x0] =	vst.idx.msk $0xffff, v50;
	v43 =	vld [tilespmem:s25+$0x50]  }
0x2d3: {  	[tilespmem:v46+s17+$0x0] =	vst.idx.msk $0xffff, v38;
	v38 =	vld [tilespmem:s25+$0x90];
	v46 =	vadd.s32 v26, v36  }
0x2d4: {  	v51 =	vadd.s32 v2, v33;
	v50 =	vld [tilespmem:s25+$0xFFFFFF10];
	[tilespmem:v49+s17+$0x0] =	vst.idx.msk $0xffff, v48  }
0x2d5: {  	v49 =	vadd.s32 v7, v45;
	v48 =	vld [tilespmem:s25+$0xFFFFFF60];
	[tilespmem:v40+s17+$0x0] =	vst.idx.msk $0xffff, v39  }
0x2d6: {  	[tilespmem:v47+s17+$0x0] =	vst.idx.msk $0xffff, v42;
	v39 =	vld [tilespmem:s25+$0xF0];
	v47 =	vadd.s32 v32, v41  }
0x2d7: {  	v56 =	vadd.s32 v11, v55;
	v52 =	vld [tilespmem:s25+$0xFFFFFFA0];
	[tilespmem:v44+s17+$0x0] =	vst.idx.msk $0xffff, v43  }
0x2d8: {  	v58 =	vadd.s32 v15, v35;
	v57 =	vld [tilespmem:s25+$0xFFFFFFE0];
	[tilespmem:v46+s17+$0x0] =	vst.idx.msk $0xffff, v38  }
0x2d9: {  	v60 =	vadd.s32 v19, v34;
	[tilespmem:v51+s17+$0x0] =	vst.idx.msk $0xffff, v50;
	v59 =	vld [tilespmem:s25+$0x20]  }
.Ltmp9:
0x2da: {  	s0 =	sadd.s32 $0x1, s26;
	v41 =	vadd.s32 v23, v37;
	v38 =	vmov s26;
	[tilespmem:v49+s17+$0x0] =	vst.idx.msk $0xffff, v48;
	v40 =	vld [tilespmem:s25+$0x60];
	(pc) =	sbr.rel @p0 .LBB2_20-.Ltmp9, $4  }
0x2db: {  	s1 =	sadd.s32 $0x3, s26;
	v53 =	vmov s0;
	s0 =	sadd.s32 $0x2, s26;
	v43 =	vadd.s32 v27, v36;
	v50 =	vshrl.u32 v38, $0x3;
	v42 =	vld [tilespmem:s25+$0xA0];
	[tilespmem:v47+s17+$0x0] =	vst.idx.msk $0xffff, v39  }
0x2dc: {  	v54 =	vmov s0;
	s0 =	sadd.s32 $0x4, s26;
	v44 =	vmov s1;
	s1 =	sadd.s32 $0x5, s26;
	v48 =	vadd.s32 v3, v33;
	v46 =	vld [tilespmem:s25+$0xFFFFFF20];
	[tilespmem:v56+s17+$0x0] =	vst.idx.msk $0xffff, v52  }
0x2dd: {  	v38 =	vmov s1;
	v51 =	vadd.s32 v8, v45;
	v47 =	vmov s0;
	s0 =	sadd.s32 $0x6, s26;
	v49 =	vld [tilespmem:s25+$0xFFFFFF70];
	[tilespmem:v58+s17+$0x0] =	vst.idx.msk $0xffff, v57  }
0x2de: {  	s28 =	sadd.s32 $0x7, s26;
	v45 =	vshll.u32 v50, v1;
	s26 =	sadd.s32 $0x8, s26;
	v39 =	vmov s0;
	v52 =	vadd.s32 v12, v55;
	v50 =	vld [tilespmem:s25+$0xFFFFFFB0];
	[tilespmem:v60+s17+$0x0] =	vst.idx.msk $0xffff, v59  }
0x2df: {  	_ =	sdelay $0x2  }
0x2e0: {  	v53 =	vshrl.u32 v53, $0x3  }
0x2e1: {  	v55 =	vmov s28;
	v56 =	vld [tilespmem:s25+$0xFFFFFFF0];
	v35 =	vadd.s32 v16, v35;
	[tilespmem:v41+s17+$0x0] =	vst.idx.msk $0xffff, v40;
	v57 =	vshrl.u32 v54, $0x3  }
0x2e2: {  	v59 =	vld [tilespmem:s25+$0x30];
	v34 =	vadd.s32 v20, v34;
	v60 =	vshrl.u32 v44, $0x3;
	v58 =	vshrl.u32 v55, $0x3;
	[tilespmem:v43+s17+$0x0] =	vst.idx.msk $0xffff, v42  }
0x2e3: {  	v37 =	vadd.s32 v24, v37;
	v62 =	vshrl.u32 v47, $0x3;
	v61 =	vld [tilespmem:s25+$0x70];
	v41 =	vshll.u32 v58, v1;
	[tilespmem:v48+s17+$0x0] =	vst.idx.msk $0xffff, v46  }
0x2e4: {  	v36 =	vadd.s32 v28, v36;
	v45 =	vbroadcast v45, $0x0;
	v63 =	vld [tilespmem:s25+$0xB0];
	v41 =	vbroadcast v41, $0x0;
	[tilespmem:v51+s17+$0x0] =	vst.idx.msk $0xffff, v49  }
0x2e5: {  	v33 =	vadd.s32 v4, v33;
	s1 =	sadd.s32 $0x200, s25;
	v38 =	vshrl.u32 v38, $0x3;
	v55 =	vshll.u32 v53, v1;
	v48 =	vld [tilespmem:s25+$0xFFFFFF30];
	[tilespmem:v52+s17+$0x0] =	vst.idx.msk $0xffff, v50  }
0x2e6: {  	v40 =	vshll.u32 v57, v1;
	v47 =	vbroadcast v55, $0x0;
	v49 =	vld [tilespmem:s1+$0xC0];
	v50 =	vadd.s32 v29, v41;
	[tilespmem:v35+s17+$0x0] =	vst.idx.msk $0xffff, v56  }
0x2e7: {  	v42 =	vshll.u32 v60, v1;
	v40 =	vbroadcast v40, $0x0;
	v35 =	vld [tilespmem:s1+$0xFFFFFF00];
	v56 =	vadd.s32 v0, v45;
	[tilespmem:v34+s17+$0x0] =	vst.idx.msk $0xffff, v59  }
0x2e8: {  	v57 =	vld [tilespmem:s1+$0xFFFFFF40];
	v44 =	vshll.u32 v62, v1;
	v42 =	vbroadcast v42, $0x0;
	v58 =	vadd.s32 v5, v47;
	[tilespmem:v37+s17+$0x0] =	vst.idx.msk $0xffff, v61  }
0x2e9: {  	v38 =	vshll.u32 v38, v1;
	v44 =	vbroadcast v44, $0x0;
	v60 =	vadd.s32 v9, v40;
	v59 =	vld [tilespmem:s1+$0xFFFFFF80];
	[tilespmem:v36+s17+$0x0] =	vst.idx.msk $0xffff, v63  }
0x2ea: {  	v38 =	vbroadcast v38, $0x0;
	v62 =	vadd.s32 v13, v42;
	v61 =	vld [tilespmem:s1+$0xFFFFFFC0];
	[tilespmem:v33+s17+$0x0] =	vst.idx.msk $0xffff, v48  }
0x2eb: {  	v39 =	vshrl.u32 v39, $0x3;
	v63 =	vadd.s32 v17, v44;
	v33 =	vld [tilespmem:s1+$0x0];
	[tilespmem:v50+s17+$0x0] =	vst.idx.msk $0xffff, v49  }
0x2ec: {  	v39 =	vshll.u32 v39, v1;
	v34 =	vld [tilespmem:s1+$0x40];
	[tilespmem:v56+s17+$0x0] =	vst.idx.msk $0xffff, v35;
	v56 =	vadd.s32 v21, v38  }
0x2ed: {  	[tilespmem:v58+s17+$0x0] =	vst.idx.msk $0xffff, v57;
	v35 =	vbroadcast v39, $0x0;
	v49 =	vadd.s32 v30, v41;
	v39 =	vld [tilespmem:s1+$0xD0]  }
0x2ee: {  	[tilespmem:v60+s17+$0x0] =	vst.idx.msk $0xffff, v59;
	v59 =	vld [tilespmem:s1+$0xFFFFFF50];
	v60 =	vadd.s32 v6, v47  }
0x2ef: {  	v57 =	vld [tilespmem:s1+$0x80];
	[tilespmem:v62+s17+$0x0] =	vst.idx.msk $0xffff, v61;
	v58 =	vadd.s32 v25, v35  }
0x2f0: {  	v61 =	vld [tilespmem:s1+$0xFFFFFF90];
	v62 =	vadd.s32 v10, v40;
	[tilespmem:v63+s17+$0x0] =	vst.idx.msk $0xffff, v33  }
0x2f1: {  	v33 =	vld [tilespmem:s1+$0xFFFFFFD0];
	v63 =	vadd.s32 v14, v42;
	[tilespmem:v56+s17+$0x0] =	vst.idx.msk $0xffff, v34  }
0x2f2: {  	v56 =	vadd.s32 v18, v44;
	[tilespmem:v49+s17+$0x0] =	vst.idx.msk $0xffff, v39;
	v49 =	vld [tilespmem:s1+$0x10]  }
0x2f3: {  	[tilespmem:v60+s17+$0x0] =	vst.idx.msk $0xffff, v59;
	v39 =	vadd.s32 v31, v41;
	v34 =	vld [tilespmem:s1+$0xE0]  }
0x2f4: {  	[tilespmem:v58+s17+$0x0] =	vst.idx.msk $0xffff, v57;
	v57 =	vld [tilespmem:s1+$0x50];
	v58 =	vadd.s32 v22, v38  }
0x2f5: {  	[tilespmem:v62+s17+$0x0] =	vst.idx.msk $0xffff, v61;
	v61 =	vld [tilespmem:s1+$0xFFFFFF10];
	v62 =	vadd.s32 v2, v45  }
0x2f6: {  	v60 =	vadd.s32 v26, v35;
	v59 =	vld [tilespmem:s1+$0x90];
	[tilespmem:v63+s17+$0x0] =	vst.idx.msk $0xffff, v33  }
0x2f7: {  	v55 =	vadd.s32 v11, v40;
	v54 =	vadd.s32 v32, v41;
	v41 =	vld [tilespmem:s1+$0xFFFFFFA0];
	[tilespmem:v56+s17+$0x0] =	vst.idx.msk $0xffff, v49  }
0x2f8: {  	v53 =	vadd.s32 v7, v47;
	v63 =	vld [tilespmem:s1+$0xFFFFFF60];
	[tilespmem:v39+s17+$0x0] =	vst.idx.msk $0xffff, v34  }
0x2f9: {  	v56 =	vld [tilespmem:s1+$0xFFFFFFE0];
	[tilespmem:v58+s17+$0x0] =	vst.idx.msk $0xffff, v57;
	v57 =	vadd.s32 v15, v42  }
0x2fa: {  	[tilespmem:v62+s17+$0x0] =	vst.idx.msk $0xffff, v61;
	v34 =	vld [tilespmem:s1+$0xF0]  }
0x2fb: {  	v58 =	vld [tilespmem:s1+$0x20];
	[tilespmem:v60+s17+$0x0] =	vst.idx.msk $0xffff, v59;
	v59 =	vadd.s32 v19, v44  }
0x2fc: {  	v61 =	vadd.s32 v23, v38;
	[tilespmem:v55+s17+$0x0] =	vst.idx.msk $0xffff, v41;
	v60 =	vld [tilespmem:s1+$0x60]  }
0x2fd: {  	[tilespmem:v53+s17+$0x0] =	vst.idx.msk $0xffff, v63;
	v63 =	vadd.s32 v27, v35;
	v62 =	vld [tilespmem:s1+$0xA0]  }
0x2fe: {  	v47 =	vadd.s32 v8, v47;
	v55 =	vld [tilespmem:s1+$0xFFFFFF70];
	[tilespmem:v57+s17+$0x0] =	vst.idx.msk $0xffff, v56  }
0x2ff: {  	v53 =	vld [tilespmem:s1+$0xFFFFFF20];
	[tilespmem:v54+s17+$0x0] =	vst.idx.msk $0xffff, v34;
	v54 =	vadd.s32 v3, v45  }
0x300: {  	v40 =	vadd.s32 v12, v40;
	v56 =	vld [tilespmem:s1+$0xFFFFFFB0];
	[tilespmem:v59+s17+$0x0] =	vst.idx.msk $0xffff, v58  }
0x301: {  	v42 =	vadd.s32 v16, v42;
	v57 =	vld [tilespmem:s1+$0xFFFFFFF0];
	[tilespmem:v61+s17+$0x0] =	vst.idx.msk $0xffff, v60  }
0x302: {  	v59 =	vadd.s32 v20, v44;
	v58 =	vld [tilespmem:s1+$0x30];
	[tilespmem:v63+s17+$0x0] =	vst.idx.msk $0xffff, v62  }
0x303: {  	v38 =	vadd.s32 v24, v38;
	v60 =	vld [tilespmem:s1+$0x70];
	[tilespmem:v47+s17+$0x0] =	vst.idx.msk $0xffff, v55  }
0x304: {  	v35 =	vadd.s32 v28, v35;
	v61 =	vld [tilespmem:s1+$0xB0];
	[tilespmem:v54+s17+$0x0] =	vst.idx.msk $0xffff, v53  }
0x305: {  	v63 =	vadd.s32 v4, v45;
	[tilespmem:v40+s17+$0x0] =	vst.idx.msk $0xffff, v56;
	v62 =	vld [tilespmem:s1+$0xFFFFFF30]  }
0x306: {  	[tilespmem:v42+s17+$0x0] =	vst.idx.msk $0xffff, v57  }
0x307: {  	[tilespmem:v59+s17+$0x0] =	vst.idx.msk $0xffff, v58  }
0x308: {  	[tilespmem:v38+s17+$0x0] =	vst.idx.msk $0xffff, v60  }
0x309: {  	[tilespmem:v35+s17+$0x0] =	vst.idx.msk $0xffff, v61  }
0x30a: {  	s0 =	simm.s32 $0xA400;
	[tilespmem:v63+s17+$0x0] =	vst.idx.msk $0xffff, v62  }
0x30b: {  	[hbm4b:s9+s3] =	stream.linear.scatter [tilespmem:s0], [sflag:$0x3], $0x80, $0x38;
	[tilespmem:$0xE800] =	vst v63  }
0x30c: {  	s18 =	simm.s32 $0xA488;
	s1 =	sadd.s32 $0x10, s9  }
0x30d: {  	[hbm4b:s1+s3] =	stream.linear.scatter [tilespmem:s18], [sflag:$0x3], $0x80, $0x38;
	[tilespmem:$0xE800] =	vst v63  }
0x30e: {  	s26 =	sadd.s32 $0x20, s9;
	s30 =	simm.s32 $0xA598;
	s25 =	simm.s32 $0xA510  }
0x30f: {  	[hbm4b:s26+s3] =	stream.linear.scatter [tilespmem:s25], [sflag:$0x3], $0x80, $0x38;
	[tilespmem:$0xE800] =	vst v63  }
0x310: {  	s31 =	sadd.s32 $0x30, s9;
	s28 =	simm.s32 $0x2200;
	s29 =	simm.s32 $0xA7B8  }
0x311: {  	[hbm4b:s31+s3] =	stream.linear.scatter [tilespmem:s30], [sflag:$0x3], $0x80, $0x38;
	[tilespmem:$0xE800] =	vst v63  }
0x312: {  	s1 =	simm.s32 $0xA620;
	s18 =	sadd.s32 $0x40, s9;
	s25 =	simm.s32 $0xA6A8  }
0x313: {  	[hbm4b:s18+s3] =	stream.linear.scatter [tilespmem:s1], [sflag:$0x3], $0x80, $0x38;
	[tilespmem:$0xE800] =	vst v63  }
0x314: {  	s26 =	sadd.s32 $0x50, s9;
	s30 =	simm.s32 $0xA730;
	s31 =	sadd.s32 $0x60, s9  }
0x315: {  	[hbm4b:s26+s3] =	stream.linear.scatter [tilespmem:s25], [sflag:$0x3], $0x80, $0x38;
	[tilespmem:$0xE800] =	vst v63  }
0x316: {  	s1 =	sadd.s32 $0x70, s9;
	s25 =	simm.s32 $0x440;
	s26 =	sadd.s32 $0x1000, s9  }
0x317: {  	[hbm4b:s31+s3] =	stream.linear.scatter [tilespmem:s30], [sflag:$0x3], $0x80, $0x38;
	[tilespmem:$0xE800] =	vst v63  }
.LBB2_22:
0x318: {  	[hbm4b:s1+s3] =	stream.linear.scatter [tilespmem:s29], [sflag:$0x3], $0x80, $0x38;
	[tilespmem:$0xE800] =	vst v63  }
0x319: {  	s0 =	smov.u32 s25;
	s1 =	smov.u32 s28  }
0x31a: {  	s18 =	sadd.s32 $0x1100, s28;
	s25 =	sshra.s32 s1, $0x2;
	s1 =	sadd.s32 $0xA400, s0  }
0x31b: {  	[hbm4b:s26+s3] =	stream.linear.scatter [tilespmem:s1], [sflag:$0x3], $0x80, $0x38;
	[tilespmem:$0xE800] =	vst v63  }
0x31c: {  	p0 =	sne.s32 s28, $0x7700;
	s28 =	sadd.s32 $0x10, s26;
	s1 =	sadd.s32 $0xA488, s0  }
0x31d: {  	[hbm4b:s28+s3] =	stream.linear.scatter [tilespmem:s1], [sflag:$0x3], $0x80, $0x38;
	[tilespmem:$0xE800] =	vst v63  }
0x31e: {  	s1 =	sadd.s32 $0xA510, s0;
	s28 =	sadd.s32 $0x20, s26  }
0x31f: {  	[hbm4b:s28+s3] =	stream.linear.scatter [tilespmem:s1], [sflag:$0x3], $0x80, $0x38;
	[tilespmem:$0xE800] =	vst v63  }
0x320: {  	s1 =	sadd.s32 $0xA598, s0;
	s28 =	sadd.s32 $0x30, s26  }
0x321: {  	[hbm4b:s28+s3] =	stream.linear.scatter [tilespmem:s1], [sflag:$0x3], $0x80, $0x38;
	[tilespmem:$0xE800] =	vst v63  }
0x322: {  	s1 =	sadd.s32 $0xA620, s0;
	s28 =	sadd.s32 $0x40, s26  }
0x323: {  	[hbm4b:s28+s3] =	stream.linear.scatter [tilespmem:s1], [sflag:$0x3], $0x80, $0x38;
	[tilespmem:$0xE800] =	vst v63  }
.Ltmp10:
0x324: {  	s1 =	sadd.s32 $0xA6A8, s0;
	s28 =	sadd.s32 $0x50, s26;
	(pc) =	sbr.rel @p0 .LBB2_22-.Ltmp10, $4  }
0x325: {  	[hbm4b:s28+s3] =	stream.linear.scatter [tilespmem:s1], [sflag:$0x3], $0x80, $0x38;
	[tilespmem:$0xE800] =	vst v63  }
0x326: {  	s29 =	sadd.s32 $0xA7B8, s0;
	s1 =	sadd.s32 $0xA730, s0;
	s28 =	sadd.s32 $0x60, s26  }
0x327: {  	[hbm4b:s28+s3] =	stream.linear.scatter [tilespmem:s1], [sflag:$0x3], $0x80, $0x38;
	[tilespmem:$0xE800] =	vst v63  }
0x328: {  	s1 =	sadd.s32 $0x70, s26;
	s26 =	sadd.s32 $0x1000, s26;
	s28 =	smov.u32 s18  }
0x329: {  	[hbm4b:s1+s3] =	stream.linear.scatter [tilespmem:s29], [sflag:$0x3], $0x80, $0x38;
	[tilespmem:$0xE800] =	vst v63  }
0x32a: {  	s0 =	sadd.s32 $0xA400, s25  }
0x32b: {  	[hbm4b:s26+s3] =	stream.linear.scatter [tilespmem:s0], [sflag:$0x3], $0x80, $0x38;
	[tilespmem:$0xE800] =	vst v63  }
0x32c: {  	s30 =	sadd.s32 $0xA488, s25;
	s31 =	sadd.s32 $0x10, s26  }
0x32d: {  	[hbm4b:s31+s3] =	stream.linear.scatter [tilespmem:s30], [sflag:$0x3], $0x80, $0x38;
	[tilespmem:$0xE800] =	vst v63  }
0x32e: {  	s18 =	sadd.s32 $0xA510, s25;
	s29 =	sadd.s32 $0x20, s26  }
0x32f: {  	[hbm4b:s29+s3] =	stream.linear.scatter [tilespmem:s18], [sflag:$0x3], $0x80, $0x38;
	[tilespmem:$0xE800] =	vst v63  }
0x330: {  	s30 =	sadd.s32 $0xA598, s25;
	s31 =	sadd.s32 $0x30, s26  }
0x331: {  	[hbm4b:s31+s3] =	stream.linear.scatter [tilespmem:s30], [sflag:$0x3], $0x80, $0x38;
	[tilespmem:$0xE800] =	vst v63  }
0x332: {  	s1 =	sadd.s32 $0xA730, s25;
	s18 =	sadd.s32 $0xA620, s25;
	s29 =	sadd.s32 $0x40, s26  }
0x333: {  	[hbm4b:s29+s3] =	stream.linear.scatter [tilespmem:s18], [sflag:$0x3], $0x80, $0x38;
	[tilespmem:$0xE800] =	vst v63  }
0x334: {  	s30 =	sadd.s32 $0xA6A8, s25;
	s31 =	sadd.s32 $0x50, s26;
	s18 =	sadd.s32 $0x60, s26  }
0x335: {  	[hbm4b:s31+s3] =	stream.linear.scatter [tilespmem:s30], [sflag:$0x3], $0x80, $0x38;
	[tilespmem:$0xE800] =	vst v63  }
0x336: {  	s29 =	sadd.s32 $0xA7B8, s25;
	s25 =	simm.s32 $0x3;
	s30 =	sadd.s32 $0x70, s26  }
0x337: {  	[hbm4b:s18+s3] =	stream.linear.scatter [tilespmem:s1], [sflag:$0x3], $0x80, $0x38;
	[tilespmem:$0xE800] =	vst v63  }
0x338: {  	v36 =	vmov s25;
	s31 =	simm.s32 $0x0;
	s26 =	simm.s32 $0x4;
	s18 =	simm.s32 $0x2  }
0x339: {  	v36 =	vshrl.u32 v36, $0x3;
	v33 =	vmov s31;
	[hbm4b:s30+s3] =	stream.linear.scatter [tilespmem:s29], [sflag:$0x3], $0x80, $0x38;
	[tilespmem:$0xE800] =	vst v63  }
0x33a: {  	v37 =	vmov s26;
	v53 =	vshll.u32 v36, v1;
	v35 =	vmov s18;
	s18 =	simm.s32 $0x7;
	_ =	swait.ge [sflag:s23], $0x2000  }
0x33b: {  	s1 =	simm.s32 $0x1;
	v33 =	vshrl.u32 v33, $0x3;
	v37 =	vshrl.u32 v37, $0x3;
	v38 =	vmov s18;
	[sflag:s23] =	ssyncset.done $0x0  }
0x33c: {  	v34 =	vmov s1;
	v33 =	vshll.u32 v33, v1;
	v38 =	vshrl.u32 v38, $0x3;
	[sflag:s23] =	ssyncadd.s32 $0xFFFFE000  }
0x33d: {  	v54 =	vshll.u32 v37, v1;
	v34 =	vshrl.u32 v34, $0x3;
	v38 =	vshll.u32 v38, v1;
	_ =	swait.ge [sflag:s19], $0x2000  }
0x33e: {  	s29 =	simm.s32 $0x5;
	s30 =	simm.s32 $0x6;
	v35 =	vshrl.u32 v35, $0x3;
	v33 =	vbroadcast v33, $0x0;
	v38 =	vbroadcast v38, $0x0;
	[sflag:s19] =	ssyncset.done $0x0  }
0x33f: {  	s25 =	simm.s32 $0x8500;
	v39 =	vmov s29;
	v40 =	vmov s30;
	v34 =	vshll.u32 v34, v1;
	[sflag:s19] =	ssyncadd.s32 $0xFFFFE000  }
0x340: {  	v52 =	vshll.u32 v35, v1;
	v45 =	vbroadcast v34, $0x0;
	v42 =	vadd.s32 v29, v38;
	v41 =	vld [tilespmem:s25+$0xC0]  }
0x341: {  	v35 =	vbroadcast v53, $0x0;
	v44 =	vadd.s32 v0, v33;
	v52 =	vbroadcast v52, $0x0;
	v43 =	vld [tilespmem:s25+$0xFFFFFF00]  }
0x342: {  	v34 =	vbroadcast v54, $0x0;
	v55 =	vshrl.u32 v39, $0x3;
	v47 =	vadd.s32 v5, v45;
	v46 =	vld [tilespmem:s25+$0xFFFFFF40]  }
0x343: {  	v40 =	vshrl.u32 v40, $0x3;
	v36 =	vshll.u32 v55, v1;
	v49 =	vadd.s32 v9, v52;
	v48 =	vld [tilespmem:s25+$0xFFFFFF80]  }
0x344: {  	v50 =	vadd.s32 v13, v35;
	v56 =	vshll.u32 v40, v1;
	v37 =	vbroadcast v36, $0x0;
	v39 =	vld [tilespmem:s25+$0xFFFFFFC0]  }
0x345: {  	v53 =	vadd.s32 v17, v34;
	v36 =	vbroadcast v56, $0x0;
	v51 =	vld [tilespmem:s25+$0x0];
	[tilespmem:v42+s20+$0x0] =	vst.idx.msk $0xffff, v41  }
0x346: {  	v60 =	vadd.s32 v21, v37;
	v59 =	vld [tilespmem:s25+$0x40];
	[tilespmem:v44+s20+$0x0] =	vst.idx.msk $0xffff, v43  }
0x347: {  	v62 =	vadd.s32 v25, v36;
	v61 =	vld [tilespmem:s25+$0x80];
	[tilespmem:v47+s20+$0x0] =	vst.idx.msk $0xffff, v46  }
0x348: {  	v58 =	vadd.s32 v30, v38;
	[tilespmem:v49+s20+$0x0] =	vst.idx.msk $0xffff, v48;
	v57 =	vld [tilespmem:s25+$0xD0]  }
0x349: {  	v63 =	vadd.s32 v6, v45;
	[tilespmem:v50+s20+$0x0] =	vst.idx.msk $0xffff, v39;
	v47 =	vld [tilespmem:s25+$0xFFFFFF50]  }
0x34a: {  	v55 =	vadd.s32 v10, v52;
	[tilespmem:v53+s20+$0x0] =	vst.idx.msk $0xffff, v51;
	v54 =	vld [tilespmem:s25+$0xFFFFFF90]  }
0x34b: {  	v56 =	vadd.s32 v14, v35;
	[tilespmem:v60+s20+$0x0] =	vst.idx.msk $0xffff, v59;
	v50 =	vld [tilespmem:s25+$0xFFFFFFD0]  }
0x34c: {  	[tilespmem:v62+s20+$0x0] =	vst.idx.msk $0xffff, v61;
	v46 =	vadd.s32 v22, v37;
	v44 =	vld [tilespmem:s25+$0x50]  }
0x34d: {  	v59 =	vadd.s32 v18, v34;
	[tilespmem:v58+s20+$0x0] =	vst.idx.msk $0xffff, v57;
	v58 =	vld [tilespmem:s25+$0x10]  }
0x34e: {  	v57 =	vadd.s32 v31, v38;
	[tilespmem:v63+s20+$0x0] =	vst.idx.msk $0xffff, v47;
	v40 =	vld [tilespmem:s25+$0xE0]  }
0x34f: {  	v60 =	vadd.s32 v26, v36;
	[tilespmem:v55+s20+$0x0] =	vst.idx.msk $0xffff, v54;
	v63 =	vld [tilespmem:s25+$0x90]  }
0x350: {  	v62 =	vadd.s32 v2, v33;
	v61 =	vld [tilespmem:s25+$0xFFFFFF10];
	[tilespmem:v56+s20+$0x0] =	vst.idx.msk $0xffff, v50  }
0x351: {  	v51 =	vadd.s32 v7, v45;
	[tilespmem:v46+s20+$0x0] =	vst.idx.msk $0xffff, v44;
	v50 =	vld [tilespmem:s25+$0xFFFFFF60]  }
0x352: {  	v56 =	vadd.s32 v11, v52;
	v55 =	vld [tilespmem:s25+$0xFFFFFFA0];
	[tilespmem:v59+s20+$0x0] =	vst.idx.msk $0xffff, v58  }
0x353: {  	v58 =	vadd.s32 v15, v35;
	[tilespmem:v57+s20+$0x0] =	vst.idx.msk $0xffff, v40;
	v57 =	vld [tilespmem:s25+$0xFFFFFFE0]  }
0x354: {  	[tilespmem:v60+s20+$0x0] =	vst.idx.msk $0xffff, v63;
	v60 =	vadd.s32 v19, v34;
	v59 =	vld [tilespmem:s25+$0x20]  }
0x355: {  	s1 =	simm.s32 $0x9;
	v38 =	vadd.s32 v32, v38;
	[tilespmem:v62+s20+$0x0] =	vst.idx.msk $0xffff, v61;
	v54 =	vld [tilespmem:s25+$0xF0]  }
0x356: {  	s31 =	simm.s32 $0x8;
	v41 =	vadd.s32 v23, v37;
	v53 =	vmov s1;
	[tilespmem:v51+s20+$0x0] =	vst.idx.msk $0xffff, v50;
	v40 =	vld [tilespmem:s25+$0x60]  }
0x357: {  	s26 =	simm.s32 $0xB;
	s29 =	simm.s32 $0xC;
	v43 =	vadd.s32 v27, v36;
	v48 =	vadd.s32 v3, v33;
	v63 =	vmov s31;
	v42 =	vld [tilespmem:s25+$0xA0];
	[tilespmem:v56+s20+$0x0] =	vst.idx.msk $0xffff, v55  }
0x358: {  	v44 =	vmov s26;
	v47 =	vmov s29;
	v46 =	vld [tilespmem:s25+$0xFFFFFF20];
	s31 =	simm.s32 $0xE;
	v39 =	vshrl.u32 v63, $0x3;
	[tilespmem:v58+s20+$0x0] =	vst.idx.msk $0xffff, v57  }
0x359: {  	s18 =	simm.s32 $0xA;
	s30 =	simm.s32 $0xD;
	v51 =	vadd.s32 v8, v45;
	v49 =	vld [tilespmem:s25+$0xFFFFFF70];
	v45 =	vshll.u32 v39, v1;
	v39 =	vmov s31;
	[tilespmem:v60+s20+$0x0] =	vst.idx.msk $0xffff, v59  }
0x35a: {  	s28 =	simm.s32 $0xF;
	s26 =	simm.s32 $0x10;
	v52 =	vadd.s32 v12, v52;
	v50 =	vld [tilespmem:s25+$0xFFFFFFB0];
	[tilespmem:v38+s20+$0x0] =	vst.idx.msk $0xffff, v54;
	v54 =	vmov s18;
	v38 =	vmov s30  }
.LBB2_24:
0x35b: {  	p0 =	slt.u32 s26, $0x78;
	v53 =	vshrl.u32 v53, $0x3;
	v55 =	vmov s28;
	v56 =	vld [tilespmem:s25+$0xFFFFFFF0];
	v35 =	vadd.s32 v16, v35;
	[tilespmem:v41+s20+$0x0] =	vst.idx.msk $0xffff, v40  }
0x35c: {  	v40 =	vshrl.u32 v54, $0x3;
	v34 =	vadd.s32 v20, v34;
	v41 =	vshrl.u32 v55, $0x3;
	v54 =	vld [tilespmem:s25+$0x30];
	[tilespmem:v43+s20+$0x0] =	vst.idx.msk $0xffff, v42  }
0x35d: {  	v37 =	vadd.s32 v24, v37;
	v42 =	vshrl.u32 v44, $0x3;
	v41 =	vshll.u32 v41, v1;
	[tilespmem:v48+s20+$0x0] =	vst.idx.msk $0xffff, v46;
	v43 =	vld [tilespmem:s25+$0x70]  }
0x35e: {  	v36 =	vadd.s32 v28, v36;
	v44 =	vshrl.u32 v47, $0x3;
	v41 =	vbroadcast v41, $0x0;
	[tilespmem:v51+s20+$0x0] =	vst.idx.msk $0xffff, v49;
	v46 =	vld [tilespmem:s25+$0xB0]  }
0x35f: {  	v47 =	vshll.u32 v53, v1;
	v49 =	vadd.s32 v4, v33;
	v33 =	vbroadcast v45, $0x0;
	v48 =	vld [tilespmem:s25+$0xFFFFFF30];
	[tilespmem:v52+s20+$0x0] =	vst.idx.msk $0xffff, v50;
	s25 =	sadd.s32 $0x200, s25  }
0x360: {  	v40 =	vshll.u32 v40, v1;
	v45 =	vbroadcast v47, $0x0;
	v47 =	vld [tilespmem:s25+$0xC0];
	v50 =	vadd.s32 v29, v41;
	[tilespmem:v35+s20+$0x0] =	vst.idx.msk $0xffff, v56  }
0x361: {  	v55 =	vbroadcast v40, $0x0;
	v52 =	vadd.s32 v0, v33;
	v35 =	vshll.u32 v42, v1;
	v51 =	vld [tilespmem:s25+$0xFFFFFF00];
	[tilespmem:v34+s20+$0x0] =	vst.idx.msk $0xffff, v54  }
0x362: {  	v42 =	vadd.s32 v5, v45;
	v35 =	vbroadcast v35, $0x0;
	v34 =	vshll.u32 v44, v1;
	v40 =	vld [tilespmem:s25+$0xFFFFFF40];
	[tilespmem:v37+s20+$0x0] =	vst.idx.msk $0xffff, v43  }
0x363: {  	v44 =	vadd.s32 v9, v55;
	v34 =	vbroadcast v34, $0x0;
	v37 =	vshrl.u32 v38, $0x3;
	v43 =	vld [tilespmem:s25+$0xFFFFFF80];
	[tilespmem:v36+s20+$0x0] =	vst.idx.msk $0xffff, v46  }
0x364: {  	v39 =	vshrl.u32 v39, $0x3;
	v46 =	vadd.s32 v13, v35;
	v36 =	vshll.u32 v37, v1;
	v38 =	vld [tilespmem:s25+$0xFFFFFFC0];
	[tilespmem:v49+s20+$0x0] =	vst.idx.msk $0xffff, v48  }
0x365: {  	v49 =	vadd.s32 v17, v34;
	v37 =	vbroadcast v36, $0x0;
	v36 =	vshll.u32 v39, v1;
	v48 =	vld [tilespmem:s25+$0x0];
	[tilespmem:v50+s20+$0x0] =	vst.idx.msk $0xffff, v47  }
0x366: {  	v36 =	vbroadcast v36, $0x0;
	v47 =	vadd.s32 v30, v41;
	[tilespmem:v52+s20+$0x0] =	vst.idx.msk $0xffff, v51;
	v39 =	vld [tilespmem:s25+$0xD0]  }
0x367: {  	[tilespmem:v42+s20+$0x0] =	vst.idx.msk $0xffff, v40;
	v40 =	vld [tilespmem:s25+$0x40];
	v42 =	vadd.s32 v21, v37  }
0x368: {  	[tilespmem:v44+s20+$0x0] =	vst.idx.msk $0xffff, v43;
	v43 =	vld [tilespmem:s25+$0x80];
	v44 =	vadd.s32 v25, v36  }
0x369: {  	v51 =	vadd.s32 v6, v45;
	v50 =	vld [tilespmem:s25+$0xFFFFFF50];
	[tilespmem:v46+s20+$0x0] =	vst.idx.msk $0xffff, v38  }
0x36a: {  	v46 =	vadd.s32 v10, v55;
	v38 =	vld [tilespmem:s25+$0xFFFFFF90];
	[tilespmem:v49+s20+$0x0] =	vst.idx.msk $0xffff, v48  }
0x36b: {  	v49 =	vadd.s32 v14, v35;
	v48 =	vld [tilespmem:s25+$0xFFFFFFD0];
	[tilespmem:v47+s20+$0x0] =	vst.idx.msk $0xffff, v39  }
0x36c: {  	[tilespmem:v42+s20+$0x0] =	vst.idx.msk $0xffff, v40;
	v39 =	vld [tilespmem:s25+$0xE0];
	v40 =	vadd.s32 v31, v41  }
0x36d: {  	v47 =	vadd.s32 v18, v34;
	v42 =	vld [tilespmem:s25+$0x10];
	[tilespmem:v44+s20+$0x0] =	vst.idx.msk $0xffff, v43  }
0x36e: {  	v44 =	vadd.s32 v22, v37;
	[tilespmem:v51+s20+$0x0] =	vst.idx.msk $0xffff, v50;
	v43 =	vld [tilespmem:s25+$0x50]  }
0x36f: {  	[tilespmem:v46+s20+$0x0] =	vst.idx.msk $0xffff, v38;
	v38 =	vld [tilespmem:s25+$0x90];
	v46 =	vadd.s32 v26, v36  }
0x370: {  	v51 =	vadd.s32 v2, v33;
	v50 =	vld [tilespmem:s25+$0xFFFFFF10];
	[tilespmem:v49+s20+$0x0] =	vst.idx.msk $0xffff, v48  }
0x371: {  	v49 =	vadd.s32 v7, v45;
	v48 =	vld [tilespmem:s25+$0xFFFFFF60];
	[tilespmem:v40+s20+$0x0] =	vst.idx.msk $0xffff, v39  }
0x372: {  	[tilespmem:v47+s20+$0x0] =	vst.idx.msk $0xffff, v42;
	v39 =	vld [tilespmem:s25+$0xF0];
	v47 =	vadd.s32 v32, v41  }
0x373: {  	v56 =	vadd.s32 v11, v55;
	v52 =	vld [tilespmem:s25+$0xFFFFFFA0];
	[tilespmem:v44+s20+$0x0] =	vst.idx.msk $0xffff, v43  }
0x374: {  	v58 =	vadd.s32 v15, v35;
	v57 =	vld [tilespmem:s25+$0xFFFFFFE0];
	[tilespmem:v46+s20+$0x0] =	vst.idx.msk $0xffff, v38  }
0x375: {  	v60 =	vadd.s32 v19, v34;
	[tilespmem:v51+s20+$0x0] =	vst.idx.msk $0xffff, v50;
	v59 =	vld [tilespmem:s25+$0x20]  }
.Ltmp11:
0x376: {  	s0 =	sadd.s32 $0x1, s26;
	v41 =	vadd.s32 v23, v37;
	v38 =	vmov s26;
	[tilespmem:v49+s20+$0x0] =	vst.idx.msk $0xffff, v48;
	v40 =	vld [tilespmem:s25+$0x60];
	(pc) =	sbr.rel @p0 .LBB2_24-.Ltmp11, $4  }
0x377: {  	s1 =	sadd.s32 $0x3, s26;
	v53 =	vmov s0;
	s0 =	sadd.s32 $0x2, s26;
	v43 =	vadd.s32 v27, v36;
	v50 =	vshrl.u32 v38, $0x3;
	v42 =	vld [tilespmem:s25+$0xA0];
	[tilespmem:v47+s20+$0x0] =	vst.idx.msk $0xffff, v39  }
0x378: {  	v54 =	vmov s0;
	s0 =	sadd.s32 $0x4, s26;
	v44 =	vmov s1;
	s1 =	sadd.s32 $0x5, s26;
	v48 =	vadd.s32 v3, v33;
	v46 =	vld [tilespmem:s25+$0xFFFFFF20];
	[tilespmem:v56+s20+$0x0] =	vst.idx.msk $0xffff, v52  }
0x379: {  	v38 =	vmov s1;
	v51 =	vadd.s32 v8, v45;
	v47 =	vmov s0;
	s0 =	sadd.s32 $0x6, s26;
	v49 =	vld [tilespmem:s25+$0xFFFFFF70];
	[tilespmem:v58+s20+$0x0] =	vst.idx.msk $0xffff, v57  }
0x37a: {  	s28 =	sadd.s32 $0x7, s26;
	v45 =	vshll.u32 v50, v1;
	s26 =	sadd.s32 $0x8, s26;
	v39 =	vmov s0;
	v52 =	vadd.s32 v12, v55;
	v50 =	vld [tilespmem:s25+$0xFFFFFFB0];
	[tilespmem:v60+s20+$0x0] =	vst.idx.msk $0xffff, v59  }
0x37b: {  	_ =	sdelay $0x2  }
0x37c: {  	v53 =	vshrl.u32 v53, $0x3  }
0x37d: {  	v55 =	vmov s28;
	v56 =	vld [tilespmem:s25+$0xFFFFFFF0];
	v35 =	vadd.s32 v16, v35;
	[tilespmem:v41+s20+$0x0] =	vst.idx.msk $0xffff, v40;
	v57 =	vshrl.u32 v54, $0x3  }
0x37e: {  	v59 =	vld [tilespmem:s25+$0x30];
	v34 =	vadd.s32 v20, v34;
	v60 =	vshrl.u32 v44, $0x3;
	v58 =	vshrl.u32 v55, $0x3;
	[tilespmem:v43+s20+$0x0] =	vst.idx.msk $0xffff, v42  }
0x37f: {  	v37 =	vadd.s32 v24, v37;
	v62 =	vshrl.u32 v47, $0x3;
	v61 =	vld [tilespmem:s25+$0x70];
	v41 =	vshll.u32 v58, v1;
	[tilespmem:v48+s20+$0x0] =	vst.idx.msk $0xffff, v46  }
0x380: {  	v36 =	vadd.s32 v28, v36;
	v45 =	vbroadcast v45, $0x0;
	v63 =	vld [tilespmem:s25+$0xB0];
	v41 =	vbroadcast v41, $0x0;
	[tilespmem:v51+s20+$0x0] =	vst.idx.msk $0xffff, v49  }
0x381: {  	v33 =	vadd.s32 v4, v33;
	s1 =	sadd.s32 $0x200, s25;
	v38 =	vshrl.u32 v38, $0x3;
	v55 =	vshll.u32 v53, v1;
	v48 =	vld [tilespmem:s25+$0xFFFFFF30];
	[tilespmem:v52+s20+$0x0] =	vst.idx.msk $0xffff, v50  }
0x382: {  	v40 =	vshll.u32 v57, v1;
	v47 =	vbroadcast v55, $0x0;
	v49 =	vld [tilespmem:s1+$0xC0];
	v50 =	vadd.s32 v29, v41;
	[tilespmem:v35+s20+$0x0] =	vst.idx.msk $0xffff, v56  }
0x383: {  	v42 =	vshll.u32 v60, v1;
	v40 =	vbroadcast v40, $0x0;
	v35 =	vld [tilespmem:s1+$0xFFFFFF00];
	v56 =	vadd.s32 v0, v45;
	[tilespmem:v34+s20+$0x0] =	vst.idx.msk $0xffff, v59  }
0x384: {  	v57 =	vld [tilespmem:s1+$0xFFFFFF40];
	v44 =	vshll.u32 v62, v1;
	v42 =	vbroadcast v42, $0x0;
	v58 =	vadd.s32 v5, v47;
	[tilespmem:v37+s20+$0x0] =	vst.idx.msk $0xffff, v61  }
0x385: {  	v38 =	vshll.u32 v38, v1;
	v44 =	vbroadcast v44, $0x0;
	v60 =	vadd.s32 v9, v40;
	v59 =	vld [tilespmem:s1+$0xFFFFFF80];
	[tilespmem:v36+s20+$0x0] =	vst.idx.msk $0xffff, v63  }
0x386: {  	v38 =	vbroadcast v38, $0x0;
	v62 =	vadd.s32 v13, v42;
	v61 =	vld [tilespmem:s1+$0xFFFFFFC0];
	[tilespmem:v33+s20+$0x0] =	vst.idx.msk $0xffff, v48  }
0x387: {  	v39 =	vshrl.u32 v39, $0x3;
	v63 =	vadd.s32 v17, v44;
	v33 =	vld [tilespmem:s1+$0x0];
	[tilespmem:v50+s20+$0x0] =	vst.idx.msk $0xffff, v49  }
0x388: {  	v39 =	vshll.u32 v39, v1;
	v34 =	vld [tilespmem:s1+$0x40];
	[tilespmem:v56+s20+$0x0] =	vst.idx.msk $0xffff, v35;
	v56 =	vadd.s32 v21, v38  }
0x389: {  	[tilespmem:v58+s20+$0x0] =	vst.idx.msk $0xffff, v57;
	v35 =	vbroadcast v39, $0x0;
	v49 =	vadd.s32 v30, v41;
	v39 =	vld [tilespmem:s1+$0xD0]  }
0x38a: {  	[tilespmem:v60+s20+$0x0] =	vst.idx.msk $0xffff, v59;
	v59 =	vld [tilespmem:s1+$0xFFFFFF50];
	v60 =	vadd.s32 v6, v47  }
0x38b: {  	v57 =	vld [tilespmem:s1+$0x80];
	[tilespmem:v62+s20+$0x0] =	vst.idx.msk $0xffff, v61;
	v58 =	vadd.s32 v25, v35  }
0x38c: {  	v61 =	vld [tilespmem:s1+$0xFFFFFF90];
	v62 =	vadd.s32 v10, v40;
	[tilespmem:v63+s20+$0x0] =	vst.idx.msk $0xffff, v33  }
0x38d: {  	v33 =	vld [tilespmem:s1+$0xFFFFFFD0];
	v63 =	vadd.s32 v14, v42;
	[tilespmem:v56+s20+$0x0] =	vst.idx.msk $0xffff, v34  }
0x38e: {  	v56 =	vadd.s32 v18, v44;
	[tilespmem:v49+s20+$0x0] =	vst.idx.msk $0xffff, v39;
	v49 =	vld [tilespmem:s1+$0x10]  }
0x38f: {  	[tilespmem:v60+s20+$0x0] =	vst.idx.msk $0xffff, v59;
	v39 =	vadd.s32 v31, v41;
	v34 =	vld [tilespmem:s1+$0xE0]  }
0x390: {  	[tilespmem:v58+s20+$0x0] =	vst.idx.msk $0xffff, v57;
	v57 =	vld [tilespmem:s1+$0x50];
	v58 =	vadd.s32 v22, v38  }
0x391: {  	[tilespmem:v62+s20+$0x0] =	vst.idx.msk $0xffff, v61;
	v61 =	vld [tilespmem:s1+$0xFFFFFF10];
	v62 =	vadd.s32 v2, v45  }
0x392: {  	v60 =	vadd.s32 v26, v35;
	v59 =	vld [tilespmem:s1+$0x90];
	[tilespmem:v63+s20+$0x0] =	vst.idx.msk $0xffff, v33  }
0x393: {  	v55 =	vadd.s32 v11, v40;
	v54 =	vadd.s32 v32, v41;
	v41 =	vld [tilespmem:s1+$0xFFFFFFA0];
	[tilespmem:v56+s20+$0x0] =	vst.idx.msk $0xffff, v49  }
0x394: {  	v53 =	vadd.s32 v7, v47;
	v63 =	vld [tilespmem:s1+$0xFFFFFF60];
	[tilespmem:v39+s20+$0x0] =	vst.idx.msk $0xffff, v34  }
0x395: {  	v56 =	vld [tilespmem:s1+$0xFFFFFFE0];
	[tilespmem:v58+s20+$0x0] =	vst.idx.msk $0xffff, v57;
	v57 =	vadd.s32 v15, v42  }
0x396: {  	[tilespmem:v62+s20+$0x0] =	vst.idx.msk $0xffff, v61;
	v34 =	vld [tilespmem:s1+$0xF0]  }
0x397: {  	v58 =	vld [tilespmem:s1+$0x20];
	[tilespmem:v60+s20+$0x0] =	vst.idx.msk $0xffff, v59;
	v59 =	vadd.s32 v19, v44  }
0x398: {  	v61 =	vadd.s32 v23, v38;
	[tilespmem:v55+s20+$0x0] =	vst.idx.msk $0xffff, v41;
	v60 =	vld [tilespmem:s1+$0x60]  }
0x399: {  	[tilespmem:v53+s20+$0x0] =	vst.idx.msk $0xffff, v63;
	v63 =	vadd.s32 v27, v35;
	v62 =	vld [tilespmem:s1+$0xA0]  }
0x39a: {  	v47 =	vadd.s32 v8, v47;
	v55 =	vld [tilespmem:s1+$0xFFFFFF70];
	[tilespmem:v57+s20+$0x0] =	vst.idx.msk $0xffff, v56  }
0x39b: {  	v53 =	vld [tilespmem:s1+$0xFFFFFF20];
	[tilespmem:v54+s20+$0x0] =	vst.idx.msk $0xffff, v34;
	v54 =	vadd.s32 v3, v45  }
0x39c: {  	v40 =	vadd.s32 v12, v40;
	v56 =	vld [tilespmem:s1+$0xFFFFFFB0];
	[tilespmem:v59+s20+$0x0] =	vst.idx.msk $0xffff, v58  }
0x39d: {  	v42 =	vadd.s32 v16, v42;
	v57 =	vld [tilespmem:s1+$0xFFFFFFF0];
	[tilespmem:v61+s20+$0x0] =	vst.idx.msk $0xffff, v60  }
0x39e: {  	v59 =	vadd.s32 v20, v44;
	v58 =	vld [tilespmem:s1+$0x30];
	[tilespmem:v63+s20+$0x0] =	vst.idx.msk $0xffff, v62  }
0x39f: {  	v38 =	vadd.s32 v24, v38;
	v60 =	vld [tilespmem:s1+$0x70];
	[tilespmem:v47+s20+$0x0] =	vst.idx.msk $0xffff, v55  }
0x3a0: {  	v35 =	vadd.s32 v28, v35;
	v61 =	vld [tilespmem:s1+$0xB0];
	[tilespmem:v54+s20+$0x0] =	vst.idx.msk $0xffff, v53  }
0x3a1: {  	v63 =	vadd.s32 v4, v45;
	[tilespmem:v40+s20+$0x0] =	vst.idx.msk $0xffff, v56;
	v62 =	vld [tilespmem:s1+$0xFFFFFF30]  }
0x3a2: {  	[tilespmem:v42+s20+$0x0] =	vst.idx.msk $0xffff, v57  }
0x3a3: {  	[tilespmem:v59+s20+$0x0] =	vst.idx.msk $0xffff, v58  }
0x3a4: {  	[tilespmem:v38+s20+$0x0] =	vst.idx.msk $0xffff, v60  }
0x3a5: {  	[tilespmem:v35+s20+$0x0] =	vst.idx.msk $0xffff, v61  }
0x3a6: {  	s0 =	simm.s32 $0xC600;
	[tilespmem:v63+s20+$0x0] =	vst.idx.msk $0xffff, v62  }
0x3a7: {  	[hbm4b:s10+s3] =	stream.linear.scatter [tilespmem:s0], [sflag:$0x4], $0x80, $0x38;
	[tilespmem:$0xE800] =	vst v63  }
0x3a8: {  	s18 =	simm.s32 $0xC688;
	s1 =	sadd.s32 $0x10, s10  }
0x3a9: {  	[hbm4b:s1+s3] =	stream.linear.scatter [tilespmem:s18], [sflag:$0x4], $0x80, $0x38;
	[tilespmem:$0xE800] =	vst v63  }
0x3aa: {  	s26 =	sadd.s32 $0x20, s10;
	s30 =	simm.s32 $0xC798;
	s25 =	simm.s32 $0xC710  }
0x3ab: {  	[hbm4b:s26+s3] =	stream.linear.scatter [tilespmem:s25], [sflag:$0x4], $0x80, $0x38;
	[tilespmem:$0xE800] =	vst v63  }
0x3ac: {  	s31 =	sadd.s32 $0x30, s10;
	s28 =	simm.s32 $0x2200;
	s29 =	simm.s32 $0xC9B8  }
0x3ad: {  	[hbm4b:s31+s3] =	stream.linear.scatter [tilespmem:s30], [sflag:$0x4], $0x80, $0x38;
	[tilespmem:$0xE800] =	vst v63  }
0x3ae: {  	s1 =	simm.s32 $0xC820;
	s18 =	sadd.s32 $0x40, s10;
	s25 =	simm.s32 $0xC8A8  }
0x3af: {  	[hbm4b:s18+s3] =	stream.linear.scatter [tilespmem:s1], [sflag:$0x4], $0x80, $0x38;
	[tilespmem:$0xE800] =	vst v63  }
0x3b0: {  	s26 =	sadd.s32 $0x50, s10;
	s30 =	simm.s32 $0xC930;
	s31 =	sadd.s32 $0x60, s10  }
0x3b1: {  	[hbm4b:s26+s3] =	stream.linear.scatter [tilespmem:s25], [sflag:$0x4], $0x80, $0x38;
	[tilespmem:$0xE800] =	vst v63  }
0x3b2: {  	s1 =	sadd.s32 $0x70, s10;
	s25 =	simm.s32 $0x440;
	s26 =	sadd.s32 $0x1000, s10  }
0x3b3: {  	[hbm4b:s31+s3] =	stream.linear.scatter [tilespmem:s30], [sflag:$0x4], $0x80, $0x38;
	[tilespmem:$0xE800] =	vst v63  }
.LBB2_26:
0x3b4: {  	[hbm4b:s1+s3] =	stream.linear.scatter [tilespmem:s29], [sflag:$0x4], $0x80, $0x38;
	[tilespmem:$0xE800] =	vst v63  }
0x3b5: {  	s0 =	smov.u32 s25;
	s1 =	smov.u32 s28  }
0x3b6: {  	s18 =	sadd.s32 $0x1100, s28;
	s25 =	sshra.s32 s1, $0x2;
	s1 =	sadd.s32 $0xC600, s0  }
0x3b7: {  	[hbm4b:s26+s3] =	stream.linear.scatter [tilespmem:s1], [sflag:$0x4], $0x80, $0x38;
	[tilespmem:$0xE800] =	vst v63  }
0x3b8: {  	p0 =	sne.s32 s28, $0x7700;
	s28 =	sadd.s32 $0x10, s26;
	s1 =	sadd.s32 $0xC688, s0  }
0x3b9: {  	[hbm4b:s28+s3] =	stream.linear.scatter [tilespmem:s1], [sflag:$0x4], $0x80, $0x38;
	[tilespmem:$0xE800] =	vst v63  }
0x3ba: {  	s1 =	sadd.s32 $0xC710, s0;
	s28 =	sadd.s32 $0x20, s26  }
0x3bb: {  	[hbm4b:s28+s3] =	stream.linear.scatter [tilespmem:s1], [sflag:$0x4], $0x80, $0x38;
	[tilespmem:$0xE800] =	vst v63  }
0x3bc: {  	s1 =	sadd.s32 $0xC798, s0;
	s28 =	sadd.s32 $0x30, s26  }
0x3bd: {  	[hbm4b:s28+s3] =	stream.linear.scatter [tilespmem:s1], [sflag:$0x4], $0x80, $0x38;
	[tilespmem:$0xE800] =	vst v63  }
0x3be: {  	s1 =	sadd.s32 $0xC820, s0;
	s28 =	sadd.s32 $0x40, s26  }
0x3bf: {  	[hbm4b:s28+s3] =	stream.linear.scatter [tilespmem:s1], [sflag:$0x4], $0x80, $0x38;
	[tilespmem:$0xE800] =	vst v63  }
.Ltmp12:
0x3c0: {  	s1 =	sadd.s32 $0xC8A8, s0;
	s28 =	sadd.s32 $0x50, s26;
	(pc) =	sbr.rel @p0 .LBB2_26-.Ltmp12, $4  }
0x3c1: {  	[hbm4b:s28+s3] =	stream.linear.scatter [tilespmem:s1], [sflag:$0x4], $0x80, $0x38;
	[tilespmem:$0xE800] =	vst v63  }
0x3c2: {  	s29 =	sadd.s32 $0xC9B8, s0;
	s1 =	sadd.s32 $0xC930, s0;
	s28 =	sadd.s32 $0x60, s26  }
0x3c3: {  	[hbm4b:s28+s3] =	stream.linear.scatter [tilespmem:s1], [sflag:$0x4], $0x80, $0x38;
	[tilespmem:$0xE800] =	vst v63  }
0x3c4: {  	s1 =	sadd.s32 $0x70, s26;
	s26 =	sadd.s32 $0x1000, s26;
	s28 =	smov.u32 s18  }
0x3c5: {  	[hbm4b:s1+s3] =	stream.linear.scatter [tilespmem:s29], [sflag:$0x4], $0x80, $0x38;
	[tilespmem:$0xE800] =	vst v63  }
0x3c6: {  	s0 =	sadd.s32 $0xC600, s25  }
0x3c7: {  	[hbm4b:s26+s3] =	stream.linear.scatter [tilespmem:s0], [sflag:$0x4], $0x80, $0x38;
	[tilespmem:$0xE800] =	vst v63  }
0x3c8: {  	s30 =	sadd.s32 $0xC688, s25;
	s31 =	sadd.s32 $0x10, s26  }
0x3c9: {  	[hbm4b:s31+s3] =	stream.linear.scatter [tilespmem:s30], [sflag:$0x4], $0x80, $0x38;
	[tilespmem:$0xE800] =	vst v63  }
0x3ca: {  	s1 =	sadd.s32 $0xC710, s25;
	s18 =	sadd.s32 $0x20, s26  }
0x3cb: {  	[hbm4b:s18+s3] =	stream.linear.scatter [tilespmem:s1], [sflag:$0x4], $0x80, $0x38;
	[tilespmem:$0xE800] =	vst v63  }
0x3cc: {  	s28 =	sadd.s32 $0xC798, s25;
	s29 =	sadd.s32 $0x30, s26  }
0x3cd: {  	[hbm4b:s29+s3] =	stream.linear.scatter [tilespmem:s28], [sflag:$0x4], $0x80, $0x38;
	[tilespmem:$0xE800] =	vst v63  }
0x3ce: {  	s30 =	sadd.s32 $0xC820, s25;
	s31 =	sadd.s32 $0x40, s26  }
0x3cf: {  	[hbm4b:s31+s3] =	stream.linear.scatter [tilespmem:s30], [sflag:$0x4], $0x80, $0x38;
	[tilespmem:$0xE800] =	vst v63  }
0x3d0: {  	s1 =	sadd.s32 $0xC8A8, s25;
	s18 =	sadd.s32 $0x50, s26  }
0x3d1: {  	[hbm4b:s18+s3] =	stream.linear.scatter [tilespmem:s1], [sflag:$0x4], $0x80, $0x38;
	[tilespmem:$0xE800] =	vst v63  }
0x3d2: {  	s28 =	sadd.s32 $0xC930, s25;
	s29 =	sadd.s32 $0x60, s26  }
0x3d3: {  	[hbm4b:s29+s3] =	stream.linear.scatter [tilespmem:s28], [sflag:$0x4], $0x80, $0x38;
	[tilespmem:$0xE800] =	vst v63  }
0x3d4: {  	s24 =	sadd.s32 $0x1, s24;
	s30 =	sadd.s32 $0xC9B8, s25;
	s31 =	sadd.s32 $0x70, s26  }
0x3d5: {  	[hbm4b:s31+s3] =	stream.linear.scatter [tilespmem:s30], [sflag:$0x4], $0x80, $0x38;
	[tilespmem:$0xE800] =	vst v63  }
0x3d6: {  	p0 =	sne.s32 s24, s11;
	_ =	swait.ge [sflag:s22], $0x2000  }
.Ltmp13:
0x3d7: {  	[sflag:s22] =	ssyncset.done $0x0;
	(pc) =	sbr.rel @p0 .LBB2_1-.Ltmp13, $4  }
0x3d8: {  	[sflag:s22] =	ssyncadd.s32 $0xFFFFE000  }
0x3d9: {  	_ =	swait.ge [sflag:s23], $0x2000  }
0x3da: {  	[sflag:s23] =	ssyncset.done $0x0  }
0x3db: {  	[sflag:s23] =	ssyncadd.s32 $0xFFFFE000  }
0x3dc: {  	_ =	sfence.sel $0x180000  }
0x3dd: {  	[bflag:$0x0] =	sbarrier.arrive $0xFFFF  }
0x3de: {  	_ =	strace $0x90000047  }
0x3df: {  	s0 =	stileid.u32;
	[bflag:$0x2] =	sbarrier.arrive $0xFFFF  }
0x3e0: {  	p0 =	sne.s32 s0, $0x0;
	s0 =	rddreg [dreg:$0x2]  }
0x3e1: {  	s0 =	sadd.s32 @!p0 $0x100000, s0  }
0x3e2: {  	[sflag:s0] =	ssyncadd.tile.s32 @!p0 $0x1;
	_ =	shalt  }
.Lfunc_end2:
_tile_overlayer_lowered:
.L_overlay_start_2:
0x3e3: {  	(tag) =	ssettag $0x2  }
0x3e4: {  	s0 =	rddreg [dreg:$0x0];
	s2 =	stileid.u32  }
0x3e5: {  	s1 =	rddreg [dreg:$0x1];
	p0 =	sne.s32 s2, $0x0  }
0x3e6: {  	s3 =	rddreg [dreg:$0x2];
	[bflag:$0x3] =	sbarrier.arrive $0xFFFF;
	s2 =	simm.s32 @!p0 $0x1C05  }
0x3e7: {  	[timem:s3], [sflag:s2] =	dma.local @!p0 [hbm:s0], s1  }
0x3e8: {  	s0 =	simm.s32 @!p0 $0x5  }
0x3e9: {  	_ =	swait.ge @!p0 [sflag:s0], s1  }
0x3ea: {  	s1 =	ssub.s32 @!p0 $0x0, s1;
	[sflag:s0] =	ssyncset.done @!p0 $0x0  }
0x3eb: {  	[sflag:s0] =	ssyncadd.s32 @!p0 s1  }
0x3ec: {  	[bflag:$0x3] =	sbarrier.arrive $0xFFFF  }
0x3ed: {  	_ =	shalt  }

</sc_bundles>
